<compile_context>
chip_gen: v7x
topology: tpu7x:2x2x1
jax: 0.10.2.dev20260603
libtpu: 0.0.44.dev20260713+nightly
codegen_flags: <defaults>
</compile_context>

<pallas_src>
import functools

import jax
import jax.numpy as jnp
from jax import lax
from jax.experimental import pallas as pl
from jax.experimental.pallas import tpu as pltpu
import jax.experimental.pallas.tpu_sc as plsc

N = 100000
E = 3200000
B = 512
A_CLS = 64
C_CLS = 8
BD_CLS = 8

BLK_R = 200
BLK_E = BLK_R * 128
GRID_E = 128
LAST_E_BLK = E // BLK_E - 1
EPAD = BLK_E * GRID_E
NC, NS = 2, 16
EP16 = EPAD // NS
CH = 4096
NCHUNK = EP16 // CH
NVEC = CH // 16

BLK_N = 2000
GRID_N = N // BLK_N


def _bond_ce_body(pred_ref, true_ref, g_ref, gt_ref, out_ref):
    i = pl.program_id(0)
    x = pred_ref[...]
    lab = true_ref[...].astype(jnp.float32)
    g = g_ref[...]
    m = jnp.max(x, axis=1, keepdims=True)
    e = jnp.exp(x - m)
    lab_e = lax.dot_general(lab, gt_ref[...], (((1,), (0,)), ((), ())))
    cls = (lax.broadcasted_iota(jnp.int32, (BLK_R, 1024), 1)
           & 7).astype(jnp.float32)
    xm = jnp.where(cls == lab_e, x, 0.0)
    both = jnp.concatenate([e, xm], axis=0)
    gsum = lax.dot_general(both, g, (((1,), (0,)), ((), ())),
                           precision=lax.Precision.HIGHEST)
    ce = jnp.log(gsum[:BLK_R]) + m - gsum[BLK_R:]
    rows = (i * BLK_E
            + lax.broadcasted_iota(jnp.int32, (BLK_R, 128), 0) * 128
            + lax.broadcasted_iota(jnp.int32, (BLK_R, 128), 1))
    out_ref[...] = jnp.where(rows < E, ce, 0.0).reshape(BLK_E)


_bond_ce = pl.pallas_call(
    _bond_ce_body,
    grid=(GRID_E,),
    in_specs=[
        pl.BlockSpec((BLK_R, 1024), lambda i: (jnp.minimum(i, LAST_E_BLK), 0)),
        pl.BlockSpec((BLK_R, 128), lambda i: (jnp.minimum(i, LAST_E_BLK), 0)),
        pl.BlockSpec((1024, 128), lambda i: (0, 0)),
        pl.BlockSpec((128, 1024), lambda i: (0, 0)),
    ],
    out_specs=pl.BlockSpec((BLK_E,), lambda i: (i,)),
    out_shape=jax.ShapeDtypeStruct((EPAD,), jnp.float32),
)


def _sc_scatter_body(idx_hbm, ce_hbm, out_hbm, idx_v0, idx_v1, val_v0, val_v1,
                     acc, sem0, sem1):
    c = lax.axis_index("c")
    s = lax.axis_index("s")
    zero16 = jnp.zeros((16,), jnp.float32)

    def zloop(i, carry):
        acc[pl.ds(i * 16, 16)] = zero16
        return carry

    lax.fori_loop(0, N // 16, zloop, 0, unroll=8)

    base = s * EP16
    is_val = c == 0
    bufs = ((idx_v0, val_v0, sem0), (idx_v1, val_v1, sem1))

    def start_load(o, b):
        idx_v, val_v, sem = bufs[b]
        off = base + o * CH
        pltpu.async_copy(idx_hbm.at[pl.ds(off, CH)], idx_v, sem)

        @pl.when(is_val)
        def _():
            pltpu.async_copy(ce_hbm.at[pl.ds(off, CH)], val_v, sem)

    def drain(b):
        idx_v, val_v, sem = bufs[b]
        pltpu.make_async_copy(idx_hbm.at[pl.ds(0, CH)], idx_v, sem).wait()

        @pl.when(is_val)
        def _():
            pltpu.make_async_copy(ce_hbm.at[pl.ds(0, CH)], val_v, sem).wait()

    def scatter(b):
        idx_v, val_v, _ = bufs[b]

        def inner(j, carry):
            vi = idx_v[pl.ds(j * 16, 16)]
            vv = jnp.where(is_val, val_v[pl.ds(j * 16, 16)], 1.0)
            plsc.addupdate_scatter(acc, [vi], vv)
            return carry

        lax.fori_loop(0, NVEC, inner, 0, unroll=16)

    start_load(0, 0)

    def chunk_pair(o2, carry):
        for b in range(2):
            o = o2 * 2 + b
            drain(b)

            @pl.when(o + 1 < NCHUNK)
            def _():
                start_load(o + 1, 1 - b)

            scatter(b)
        return carry

    lax.fori_loop(0, NCHUNK // 2, chunk_pair, 0)
    wid = c * NS + s
    for g in range(GRID_N):
        pltpu.sync_copy(acc.at[pl.ds(g * BLK_N, BLK_N)], out_hbm.at[g, wid, :])


@functools.cache
def _make_sc_scatter():
    return pl.kernel(
        _sc_scatter_body,
        out_type=jax.ShapeDtypeStruct((GRID_N, NC * NS, BLK_N), jnp.float32),
        mesh=plsc.VectorSubcoreMesh(core_axis_name="c", subcore_axis_name="s"),
        compiler_params=pltpu.CompilerParams(
            use_tc_tiling_on_sc=False, needs_layout_passes=False),
        scratch_types=[
            pltpu.VMEM((CH,), jnp.int32),
            pltpu.VMEM((CH,), jnp.int32),
            pltpu.VMEM((CH,), jnp.float32),
            pltpu.VMEM((CH,), jnp.float32),
            pltpu.VMEM((N,), jnp.float32),
            pltpu.SemaphoreType.DMA,
            pltpu.SemaphoreType.DMA,
        ],
    )


def _atom_side_body(tc_ref, pc_ref, ta_ref, pa_ref, tch_ref, pch_ref,
                    batch_ref, parts_ref, w_ref, out_ref, acc_c, acc_r):
    pid = pl.program_id(0)

    @pl.when(pid == 0)
    def _init():
        acc_c[...] = jnp.zeros((B, 8), jnp.float32)
        acc_r[...] = jnp.zeros((8, B), jnp.float32)

    d = pc_ref[...] - tc_ref[...]
    mse = jnp.sum(d * d, axis=1, keepdims=True) * (1.0 / 3.0)

    def _ce(logits, labels, ncls):
        m = jnp.max(logits, axis=1, keepdims=True)
        lse = jnp.log(jnp.sum(jnp.exp(logits - m), axis=1, keepdims=True)) + m
        oh = lax.broadcasted_iota(jnp.int32, (BLK_N, ncls), 1) == labels
        return lse - jnp.sum(jnp.where(oh, logits, 0.0), axis=1, keepdims=True)

    ce_a = _ce(pa_ref[...], ta_ref[...], A_CLS)
    ce_c = _ce(pch_ref[...], tch_ref[...], C_CLS)

    feats = jnp.concatenate(
        [mse, ce_a, ce_c,
         jnp.ones((BLK_N, 1), jnp.float32),
         jnp.zeros((BLK_N, 4), jnp.float32)], axis=1)
    oh_b = (lax.broadcasted_iota(jnp.int32, (BLK_N, B), 1)
            == batch_ref[...]).astype(jnp.float32)
    acc_c[...] += lax.dot_general(
        oh_b, feats, (((0,), (0,)), ((), ())),
        precision=lax.Precision.HIGHEST)

    p = parts_ref[0]
    sv = jnp.sum(p[0:NS], axis=0, keepdims=True)
    cv = jnp.sum(p[NS:], axis=0, keepdims=True)
    bl = 0.5 * jnp.where(cv > 0, sv / jnp.maximum(cv, 1.0), 0.0)
    zrow = jnp.concatenate(
        [bl, jnp.zeros((7, BLK_N), jnp.float32)], axis=0)
    acc_r[...] += lax.dot_general(
        zrow, oh_b, (((1,), (0,)), ((), ())),
        precision=lax.Precision.HIGHEST)

    @pl.when(pid == pl.num_programs(0) - 1)
    def _fin():
        a = acc_c[...]
        cnt = a[:, 3:4]
        inv = jnp.where(cnt > 0, 1.0 / jnp.maximum(cnt, 1.0), 0.0)
        wc_col = w_ref[...] * inv
        totals = lax.dot_general(
            wc_col, a, (((0,), (0,)), ((), ())),
            precision=lax.Precision.HIGHEST)
        bonds_row = acc_r[0:1, :]
        bonds_tot = lax.dot_general(
            bonds_row, wc_col, (((1,), (0,)), ((), ())),
            precision=lax.Precision.HIGHEST)
        out_ref[...] = jnp.concatenate(
            [totals[:, 0:3], bonds_tot,
             jnp.zeros((1, 4), jnp.float32)], axis=1)


_atom_side = pl.pallas_call(
    _atom_side_body,
    grid=(GRID_N,),
    in_specs=[
        pl.BlockSpec((BLK_N, 3), lambda i: (i, 0)),
        pl.BlockSpec((BLK_N, 3), lambda i: (i, 0)),
        pl.BlockSpec((BLK_N, 1), lambda i: (i, 0)),
        pl.BlockSpec((BLK_N, A_CLS), lambda i: (i, 0)),
        pl.BlockSpec((BLK_N, 1), lambda i: (i, 0)),
        pl.BlockSpec((BLK_N, C_CLS), lambda i: (i, 0)),
        pl.BlockSpec((BLK_N, 1), lambda i: (i, 0)),
        pl.BlockSpec((1, NC * NS, BLK_N), lambda i: (i, 0, 0)),
        pl.BlockSpec((B, 1), lambda i: (0, 0)),
    ],
    out_specs=pl.BlockSpec((1, 8), lambda i: (0, 0)),
    out_shape=jax.ShapeDtypeStruct((1, 8), jnp.float32),
    scratch_shapes=[pltpu.VMEM((B, 8), jnp.float32),
                    pltpu.VMEM((8, B), jnp.float32)],
)


def kernel(true_coords, pred_coords, true_atoms, pred_atoms, true_charges,
           pred_charges, true_bonds, pred_bonds, batch,
           bond_aggregation_index, weights):
    g_mat = (jnp.arange(1024)[:, None] // 8
             == jnp.arange(128)[None, :]).astype(jnp.float32)
    ce = _bond_ce(pred_bonds.reshape(E * 8 // 1024, 1024),
                  true_bonds.reshape(E // 128, 128), g_mat, g_mat.T)
    idx_p = jnp.concatenate(
        [bond_aggregation_index, jnp.zeros((EPAD - E,), jnp.int32)])
    parts = _make_sc_scatter()(idx_p, ce)
    out = _atom_side(
        true_coords, pred_coords, true_atoms.reshape(N, 1), pred_atoms,
        true_charges.reshape(N, 1), pred_charges, batch.reshape(N, 1), parts,
        weights.reshape(B, 1))
    return (out[0, 0], out[0, 1], out[0, 2], out[0, 3])

# --- scband reference (transcript-rebuilt; emitter-appended) ---
"""Pipeline reference for scband-diffusion-loss-37099927502970 (READ-ONLY COPY).

The authoritative reference and input builder live on the scoring server;
editing this copy changes nothing except your own understanding.
"""

import jax, jax.numpy as jnp
import numpy as np

N = 100000   # atoms
E = 3200000  # bond entries
B = 512      # molecules (batch size)
A_CLS = 64
C_CLS = 8
BD_CLS = 8


def setup_inputs(seed: int = 0) -> dict:
    key = jax.random.key(seed)
    ks = jax.random.split(key, 11)
    return {
        "true_coords": jax.random.normal(ks[0], (N, 3), dtype=jnp.float32),
        "pred_coords": jax.random.normal(ks[1], (N, 3), dtype=jnp.float32),
        "true_atoms": jax.random.randint(ks[2], (N,), 0, A_CLS, dtype=jnp.int32),
        "pred_atoms": jax.random.normal(ks[3], (N, A_CLS), dtype=jnp.float32),
        "true_charges": jax.random.randint(ks[4], (N,), 0, C_CLS, dtype=jnp.int32),
        "pred_charges": jax.random.normal(ks[5], (N, C_CLS), dtype=jnp.float32),
        "true_bonds": jax.random.randint(ks[6], (E,), 0, BD_CLS, dtype=jnp.int32),
        "pred_bonds": jax.random.normal(ks[7], (E, BD_CLS), dtype=jnp.float32),
        "batch": jnp.sort(jax.random.randint(ks[8], (N,), 0, B, dtype=jnp.int32)),
        "bond_aggregation_index": jax.random.randint(ks[9], (E,), 0, N, dtype=jnp.int32),
        "weights": jax.random.uniform(ks[10], (B,), dtype=jnp.float32),
    }


def _cross_entropy_none(logits, labels):
    lse = jax.nn.logsumexp(logits, axis=-1)
    true_logit = jnp.take_along_axis(logits, labels[:, None], axis=-1)[:, 0]
    return lse - true_logit


def _scatter_mean(data, index, dim_size):
    s = jax.ops.segment_sum(data, index, num_segments=dim_size)
    c = jax.ops.segment_sum(jnp.ones(data.shape[0], dtype=data.dtype), index, num_segments=dim_size)
    return jnp.where(c > 0, s / jnp.maximum(c, 1.0), 0.0)


def reference(true_coords, pred_coords, true_atoms, pred_atoms, true_charges, pred_charges,
              true_bonds, pred_bonds, batch, bond_aggregation_index, weights):
    batch_size = B
    # coords regression (mse, reduction='none', mean over last dim)
    regr_loss = ((pred_coords - true_coords) ** 2).mean(-1)
    regr_loss = _scatter_mean(regr_loss, batch, batch_size)
    regr_loss = regr_loss * weights
    regr_loss = jnp.sum(regr_loss, axis=0)

    # atoms: cross entropy (param == 'data')
    atoms_loss = _cross_entropy_none(pred_atoms, true_atoms)
    atoms_loss = _scatter_mean(atoms_loss, batch, batch_size)
    atoms_loss = atoms_loss * weights
    atoms_loss = jnp.sum(atoms_loss, axis=0)

    # charges: cross entropy
    charges_loss = _cross_entropy_none(pred_charges, true_charges)
    charges_loss = _scatter_mean(charges_loss, batch, batch_size)
    charges_loss = charges_loss * weights
    charges_loss = jnp.sum(charges_loss, axis=0)

    # bonds: cross entropy, first aggregated to atoms, then to molecules
    bonds_loss = _cross_entropy_none(pred_bonds, true_bonds)
    bonds_loss = 0.5 * _scatter_mean(bonds_loss, bond_aggregation_index, N)
    bonds_loss = _scatter_mean(bonds_loss, batch, batch_size)
    bonds_loss = bonds_loss * weights
    bonds_loss = jnp.sum(bonds_loss, axis=0)

    return (regr_loss, atoms_loss, charges_loss, bonds_loss)

if __name__ == "__main__":
    import jax
    _d = setup_inputs()
    print(jax.jit(kernel)(*tuple(_d.values())))

</pallas_src>

<mosaic_0001>
#map = affine_map<(d0, d1) -> (0)>
#map1 = affine_map<(d0, d1) -> (0, 0, 0)>
module attributes {stable_mosaic.version = 14 : i64} {
  func.func @_sc_scatter_body(%arg0: i32, %arg1: i32, %arg2: memref<3276800xi32, #tpu.memory_space<hbm>>, %arg3: memref<3276800xf32, #tpu.memory_space<hbm>>, %arg4: memref<50x32x2000xf32, #tpu.memory_space<hbm>>, %arg5: memref<4096xi32, #tpu.memory_space<vmem>>, %arg6: memref<4096xi32, #tpu.memory_space<vmem>>, %arg7: memref<4096xf32, #tpu.memory_space<vmem>>, %arg8: memref<4096xf32, #tpu.memory_space<vmem>>, %arg9: memref<100000xf32, #tpu.memory_space<vmem>>, %arg10: memref<!tpu.dma_semaphore, #tpu.memory_space<semaphore_mem>>, %arg11: memref<!tpu.dma_semaphore, #tpu.memory_space<semaphore_mem>>) attributes {dimension_semantics = [#tpu.dimension_semantics<core_parallel>, #tpu.dimension_semantics<subcore_parallel>], iteration_bounds = array<i64: 2, 16>, scalar_prefetch = 0 : i64, scratch_operands = 7 : i64, tpu.core_type = #tpu.core_type<sc_vector_subcore>, window_params = [{transform_indices = #map}, {transform_indices = #map}, {transform_indices = #map1}]} {
    %broadcast_in_dim3A = arith.constant 0.000000e+00 : f32
    %broadcast_in_dim3A_0 = vector.broadcast %broadcast_in_dim3A : f32 to vector<16xf32>
    %scan3A = arith.constant 0 : i32
    %scan3A_1 = arith.constant 0 : i32
    %scan3A_2 = arith.constant 6248 : i32
    %scan3A_3 = arith.addi %scan3A_1, %scan3A_2 : i32
    %scan3A_4 = arith.constant 8 : i32
    scf.for %scan3A_80 = %scan3A_1 to %scan3A_3 step %scan3A_4  : i32 {
      %mul3A_81 = arith.constant 16 : i32
      %mul3A_82 = arith.muli %scan3A_80, %mul3A_81 : i32
      %swap3A_83 = arith.index_cast %mul3A_82 : i32 to index
      %swap3A_84 = tpu.vector_load %arg9[%swap3A_83] {strides = array<i32>} : memref<100000xf32, #tpu.memory_space<vmem>>, vector<16xf32>,
      tpu.vector_store %arg9[%swap3A_83], %broadcast_in_dim3A_0 {strides = array<i32>} : memref<100000xf32, #tpu.memory_space<vmem>>, vector<16xf32>,
      %scan3A_85 = arith.constant 1 : i32
      %scan3A_86 = arith.addi %scan3A_80, %scan3A_85 : i32
      %mul3A_87 = arith.constant 16 : i32
      %mul3A_88 = arith.muli %scan3A_86, %mul3A_87 : i32
      %swap3A_89 = arith.index_cast %mul3A_88 : i32 to index
      %swap3A_90 = tpu.vector_load %arg9[%swap3A_89] {strides = array<i32>} : memref<100000xf32, #tpu.memory_space<vmem>>, vector<16xf32>,
      tpu.vector_store %arg9[%swap3A_89], %broadcast_in_dim3A_0 {strides = array<i32>} : memref<100000xf32, #tpu.memory_space<vmem>>, vector<16xf32>,
      %scan3A_91 = arith.constant 2 : i32
      %scan3A_92 = arith.addi %scan3A_80, %scan3A_91 : i32
      %mul3A_93 = arith.constant 16 : i32
      %mul3A_94 = arith.muli %scan3A_92, %mul3A_93 : i32
      %swap3A_95 = arith.index_cast %mul3A_94 : i32 to index
      %swap3A_96 = tpu.vector_load %arg9[%swap3A_95] {strides = array<i32>} : memref<100000xf32, #tpu.memory_space<vmem>>, vector<16xf32>,
      tpu.vector_store %arg9[%swap3A_95], %broadcast_in_dim3A_0 {strides = array<i32>} : memref<100000xf32, #tpu.memory_space<vmem>>, vector<16xf32>,
      %scan3A_97 = arith.constant 3 : i32
      %scan3A_98 = arith.addi %scan3A_80, %scan3A_97 : i32
      %mul3A_99 = arith.constant 16 : i32
      %mul3A_100 = arith.muli %scan3A_98, %mul3A_99 : i32
      %swap3A_101 = arith.index_cast %mul3A_100 : i32 to index
      %swap3A_102 = tpu.vector_load %arg9[%swap3A_101] {strides = array<i32>} : memref<100000xf32, #tpu.memory_space<vmem>>, vector<16xf32>,
      tpu.vector_store %arg9[%swap3A_101], %broadcast_in_dim3A_0 {strides = array<i32>} : memref<100000xf32, #tpu.memory_space<vmem>>, vector<16xf32>,
      %scan3A_103 = arith.constant 4 : i32
      %scan3A_104 = arith.addi %scan3A_80, %scan3A_103 : i32
      %mul3A_105 = arith.constant 16 : i32
      %mul3A_106 = arith.muli %scan3A_104, %mul3A_105 : i32
      %swap3A_107 = arith.index_cast %mul3A_106 : i32 to index
      %swap3A_108 = tpu.vector_load %arg9[%swap3A_107] {strides = array<i32>} : memref<100000xf32, #tpu.memory_space<vmem>>, vector<16xf32>,
      tpu.vector_store %arg9[%swap3A_107], %broadcast_in_dim3A_0 {strides = array<i32>} : memref<100000xf32, #tpu.memory_space<vmem>>, vector<16xf32>,
      %scan3A_109 = arith.constant 5 : i32
      %scan3A_110 = arith.addi %scan3A_80, %scan3A_109 : i32
      %mul3A_111 = arith.constant 16 : i32
      %mul3A_112 = arith.muli %scan3A_110, %mul3A_111 : i32
      %swap3A_113 = arith.index_cast %mul3A_112 : i32 to index
      %swap3A_114 = tpu.vector_load %arg9[%swap3A_113] {strides = array<i32>} : memref<100000xf32, #tpu.memory_space<vmem>>, vector<16xf32>,
      tpu.vector_store %arg9[%swap3A_113], %broadcast_in_dim3A_0 {strides = array<i32>} : memref<100000xf32, #tpu.memory_space<vmem>>, vector<16xf32>,
      %scan3A_115 = arith.constant 6 : i32
      %scan3A_116 = arith.addi %scan3A_80, %scan3A_115 : i32
      %mul3A_117 = arith.constant 16 : i32
      %mul3A_118 = arith.muli %scan3A_116, %mul3A_117 : i32
      %swap3A_119 = arith.index_cast %mul3A_118 : i32 to index
      %swap3A_120 = tpu.vector_load %arg9[%swap3A_119] {strides = array<i32>} : memref<100000xf32, #tpu.memory_space<vmem>>, vector<16xf32>,
      tpu.vector_store %arg9[%swap3A_119], %broadcast_in_dim3A_0 {strides = array<i32>} : memref<100000xf32, #tpu.memory_space<vmem>>, vector<16xf32>,
      %scan3A_121 = arith.constant 7 : i32
      %scan3A_122 = arith.addi %scan3A_80, %scan3A_121 : i32
      %mul3A_123 = arith.constant 16 : i32
      %mul3A_124 = arith.muli %scan3A_122, %mul3A_123 : i32
      %swap3A_125 = arith.index_cast %mul3A_124 : i32 to index
      %swap3A_126 = tpu.vector_load %arg9[%swap3A_125] {strides = array<i32>} : memref<100000xf32, #tpu.memory_space<vmem>>, vector<16xf32>,
      tpu.vector_store %arg9[%swap3A_125], %broadcast_in_dim3A_0 {strides = array<i32>} : memref<100000xf32, #tpu.memory_space<vmem>>, vector<16xf32>,
    }
    %scan3A_5 = arith.constant 6248 : i32
    %scan3A_6 = arith.addi %scan3A_1, %scan3A_5 : i32
    %mul3A = arith.constant 16 : i32
    %mul3A_7 = arith.muli %scan3A_6, %mul3A : i32
    %swap3A = arith.index_cast %mul3A_7 : i32 to index
    %swap3A_8 = tpu.vector_load %arg9[%swap3A] {strides = array<i32>} : memref<100000xf32, #tpu.memory_space<vmem>>, vector<16xf32>,
    tpu.vector_store %arg9[%swap3A], %broadcast_in_dim3A_0 {strides = array<i32>} : memref<100000xf32, #tpu.memory_space<vmem>>, vector<16xf32>,
    %scan3A_9 = arith.constant 6249 : i32
    %scan3A_10 = arith.addi %scan3A_1, %scan3A_9 : i32
    %mul3A_11 = arith.constant 16 : i32
    %mul3A_12 = arith.muli %scan3A_10, %mul3A_11 : i32
    %swap3A_13 = arith.index_cast %mul3A_12 : i32 to index
    %swap3A_14 = tpu.vector_load %arg9[%swap3A_13] {strides = array<i32>} : memref<100000xf32, #tpu.memory_space<vmem>>, vector<16xf32>,
    tpu.vector_store %arg9[%swap3A_13], %broadcast_in_dim3A_0 {strides = array<i32>} : memref<100000xf32, #tpu.memory_space<vmem>>, vector<16xf32>,
    %scan3A_15 = arith.constant 6250 : i32
    %mul3A_16 = arith.constant 204800 : i32
    %mul3A_17 = arith.muli %arg1, %mul3A_16 : i32
    %eq3A = arith.constant 0 : i32
    %eq3A_18 = arith.cmpi eq, %arg0, %eq3A : i32
    %add3A = arith.constant 0 : i32
    %add3A_19 = arith.addi %mul3A_17, %add3A : i32
    %dma_start3A = tpu.memref_slice %arg2[%add3A_19] : memref<3276800xi32, #tpu.memory_space<hbm>> -> memref<4096xi32, #tpu.memory_space<hbm>>
    %dma_start3A_20 = tpu.memref_slice %arg2[%add3A_19] : memref<3276800xi32, #tpu.memory_space<hbm>> -> memref<4096xi32, #tpu.memory_space<hbm>>
    tpu.enqueue_dma source(%dma_start3A_20 : memref<4096xi32, #tpu.memory_space<hbm>>) target(%arg5 : memref<4096xi32, #tpu.memory_space<vmem>>) target_semaphore(%arg10 : memref<!tpu.dma_semaphore, #tpu.memory_space<semaphore_mem>>)
    %convert_element_type3A = arith.extui %eq3A_18 : i1 to i32
    %cond3A = arith.constant 0 : i32
    %cond3A_21 = arith.cmpi ne, %convert_element_type3A, %cond3A : i32
    scf.if %cond3A_21 {
      %dma_start3A_80 = tpu.memref_slice %arg3[%add3A_19] : memref<3276800xf32, #tpu.memory_space<hbm>> -> memref<4096xf32, #tpu.memory_space<hbm>>
      %dma_start3A_81 = tpu.memref_slice %arg3[%add3A_19] : memref<3276800xf32, #tpu.memory_space<hbm>> -> memref<4096xf32, #tpu.memory_space<hbm>>
      tpu.enqueue_dma source(%dma_start3A_81 : memref<4096xf32, #tpu.memory_space<hbm>>) target(%arg7 : memref<4096xf32, #tpu.memory_space<vmem>>) target_semaphore(%arg10 : memref<!tpu.dma_semaphore, #tpu.memory_space<semaphore_mem>>)
    } else {
    }
    %scan3A_22 = arith.constant 0 : i32
    %scan3A_23 = arith.constant 0 : i32
    %scan3A_24 = arith.constant 25 : i32
    %scan3A_25 = arith.addi %scan3A_23, %scan3A_24 : i32
    %scan3A_26 = arith.constant 1 : i32
    scf.for %scan3A_80 = %scan3A_23 to %scan3A_25 step %scan3A_26  : i32 {
      %mul3A_81 = arith.constant 2 : i32
      %mul3A_82 = arith.muli %scan3A_80, %mul3A_81 : i32
      %add3A_83 = arith.constant 0 : i32
      %add3A_84 = arith.addi %mul3A_82, %add3A_83 : i32
      %dma_wait3A = arith.constant 0 : i32
      %dma_wait3A_85 = tpu.memref_slice %arg2[%dma_wait3A] : memref<3276800xi32, #tpu.memory_space<hbm>> -> memref<4096xi32, #tpu.memory_space<hbm>>
      %dma_wait3A_86 = arith.constant 0 : i32
      %dma_wait3A_87 = tpu.memref_slice %arg2[%dma_wait3A_86] : memref<3276800xi32, #tpu.memory_space<hbm>> -> memref<4096xi32, #tpu.memory_space<hbm>>
      tpu.wait_dma2 semaphore(%arg10 : memref<!tpu.dma_semaphore, #tpu.memory_space<semaphore_mem>>) src(%dma_wait3A_87 : memref<4096xi32, #tpu.memory_space<hbm>>) dst(%arg5 : memref<4096xi32, #tpu.memory_space<vmem>>)
      %convert_element_type3A_88 = arith.extui %eq3A_18 : i1 to i32
      %cond3A_89 = arith.constant 0 : i32
      %cond3A_90 = arith.cmpi ne, %convert_element_type3A_88, %cond3A_89 : i32
      scf.if %cond3A_90 {
        %dma_wait3A_127 = arith.constant 0 : i32
        %dma_wait3A_128 = tpu.memref_slice %arg3[%dma_wait3A_127] : memref<3276800xf32, #tpu.memory_space<hbm>> -> memref<4096xf32, #tpu.memory_space<hbm>>
        %dma_wait3A_129 = arith.constant 0 : i32
        %dma_wait3A_130 = tpu.memref_slice %arg3[%dma_wait3A_129] : memref<3276800xf32, #tpu.memory_space<hbm>> -> memref<4096xf32, #tpu.memory_space<hbm>>
        tpu.wait_dma2 semaphore(%arg10 : memref<!tpu.dma_semaphore, #tpu.memory_space<semaphore_mem>>) src(%dma_wait3A_130 : memref<4096xf32, #tpu.memory_space<hbm>>) dst(%arg7 : memref<4096xf32, #tpu.memory_space<vmem>>)
      } else {
      }
      %add3A_91 = arith.constant 1 : i32
      %add3A_92 = arith.addi %add3A_84, %add3A_91 : i32
      %lt3A = arith.constant 50 : i32
      %lt3A_93 = arith.cmpi slt, %add3A_92, %lt3A : i32
      %convert_element_type3A_94 = arith.extui %lt3A_93 : i1 to i32
      %cond3A_95 = arith.constant 0 : i32
      %cond3A_96 = arith.cmpi ne, %convert_element_type3A_94, %cond3A_95 : i32
      scf.if %cond3A_96 {
        %add3A_127 = arith.constant 1 : i32
        %add3A_128 = arith.addi %add3A_84, %add3A_127 : i32
        %mul3A_129 = arith.constant 4096 : i32
        %mul3A_130 = arith.muli %add3A_128, %mul3A_129 : i32
        %add3A_131 = arith.addi %mul3A_17, %mul3A_130 : i32
        %dma_start3A_132 = tpu.memref_slice %arg2[%add3A_131] : memref<3276800xi32, #tpu.memory_space<hbm>> -> memref<4096xi32, #tpu.memory_space<hbm>>
        %dma_start3A_133 = tpu.memref_slice %arg2[%add3A_131] : memref<3276800xi32, #tpu.memory_space<hbm>> -> memref<4096xi32, #tpu.memory_space<hbm>>
        tpu.enqueue_dma source(%dma_start3A_133 : memref<4096xi32, #tpu.memory_space<hbm>>) target(%arg6 : memref<4096xi32, #tpu.memory_space<vmem>>) target_semaphore(%arg11 : memref<!tpu.dma_semaphore, #tpu.memory_space<semaphore_mem>>)
        %convert_element_type3A_134 = arith.extui %eq3A_18 : i1 to i32
        %cond3A_135 = arith.constant 0 : i32
        %cond3A_136 = arith.cmpi ne, %convert_element_type3A_134, %cond3A_135 : i32
        scf.if %cond3A_136 {
          %dma_start3A_137 = tpu.memref_slice %arg3[%add3A_131] : memref<3276800xf32, #tpu.memory_space<hbm>> -> memref<4096xf32, #tpu.memory_space<hbm>>
          %dma_start3A_138 = tpu.memref_slice %arg3[%add3A_131] : memref<3276800xf32, #tpu.memory_space<hbm>> -> memref<4096xf32, #tpu.memory_space<hbm>>
          tpu.enqueue_dma source(%dma_start3A_138 : memref<4096xf32, #tpu.memory_space<hbm>>) target(%arg8 : memref<4096xf32, #tpu.memory_space<vmem>>) target_semaphore(%arg11 : memref<!tpu.dma_semaphore, #tpu.memory_space<semaphore_mem>>)
        } else {
        }
      } else {
      }
      %scan3A_97 = arith.constant 0 : i32
      %scan3A_98 = arith.constant 0 : i32
      %scan3A_99 = arith.constant 256 : i32
      %scan3A_100 = arith.addi %scan3A_98, %scan3A_99 : i32
      %scan3A_101 = arith.constant 16 : i32
      scf.for %scan3A_127 = %scan3A_98 to %scan3A_100 step %scan3A_101  : i32 {
        %mul3A_128 = arith.constant 16 : i32
        %mul3A_129 = arith.muli %scan3A_127, %mul3A_128 : i32
        %get3A = arith.index_cast %mul3A_129 : i32 to index
        %get3A_130 = tpu.vector_load %arg5[%get3A] {strides = array<i32>} : memref<4096xi32, #tpu.memory_space<vmem>>, vector<16xi32>,
        %mul3A_131 = arith.constant 16 : i32
        %mul3A_132 = arith.muli %scan3A_127, %mul3A_131 : i32
        %get3A_133 = arith.index_cast %mul3A_132 : i32 to index
        %get3A_134 = tpu.vector_load %arg7[%get3A_133] {strides = array<i32>} : memref<4096xf32, #tpu.memory_space<vmem>>, vector<16xf32>,
        %jit3A = arith.constant 1.000000e+00 : f32
        %broadcast_in_dim3A_135 = vector.broadcast %jit3A : f32 to vector<16xf32>
        %select_n3A = arith.select %eq3A_18, %get3A_134, %broadcast_in_dim3A_135 : vector<16xf32>
        tpu.vector_store_idx %arg9[%get3A_130], %select_n3A {add = true} : memref<100000xf32, #tpu.memory_space<vmem>>[vector<16xi32>], vector<16xf32>,
        %scan3A_136 = arith.constant 1 : i32
        %scan3A_137 = arith.addi %scan3A_127, %scan3A_136 : i32
        %mul3A_138 = arith.constant 16 : i32
        %mul3A_139 = arith.muli %scan3A_137, %mul3A_138 : i32
        %get3A_140 = arith.index_cast %mul3A_139 : i32 to index
        %get3A_141 = tpu.vector_load %arg5[%get3A_140] {strides = array<i32>} : memref<4096xi32, #tpu.memory_space<vmem>>, vector<16xi32>,
        %mul3A_142 = arith.constant 16 : i32
        %mul3A_143 = arith.muli %scan3A_137, %mul3A_142 : i32
        %get3A_144 = arith.index_cast %mul3A_143 : i32 to index
        %get3A_145 = tpu.vector_load %arg7[%get3A_144] {strides = array<i32>} : memref<4096xf32, #tpu.memory_space<vmem>>, vector<16xf32>,
        %jit3A_146 = arith.constant 1.000000e+00 : f32
        %broadcast_in_dim3A_147 = vector.broadcast %jit3A_146 : f32 to vector<16xf32>
        %select_n3A_148 = arith.select %eq3A_18, %get3A_145, %broadcast_in_dim3A_147 : vector<16xf32>
        tpu.vector_store_idx %arg9[%get3A_141], %select_n3A_148 {add = true} : memref<100000xf32, #tpu.memory_space<vmem>>[vector<16xi32>], vector<16xf32>,
        %scan3A_149 = arith.constant 2 : i32
        %scan3A_150 = arith.addi %scan3A_127, %scan3A_149 : i32
        %mul3A_151 = arith.constant 16 : i32
        %mul3A_152 = arith.muli %scan3A_150, %mul3A_151 : i32
        %get3A_153 = arith.index_cast %mul3A_152 : i32 to index
        %get3A_154 = tpu.vector_load %arg5[%get3A_153] {strides = array<i32>} : memref<4096xi32, #tpu.memory_space<vmem>>, vector<16xi32>,
        %mul3A_155 = arith.constant 16 : i32
        %mul3A_156 = arith.muli %scan3A_150, %mul3A_155 : i32
        %get3A_157 = arith.index_cast %mul3A_156 : i32 to index
        %get3A_158 = tpu.vector_load %arg7[%get3A_157] {strides = array<i32>} : memref<4096xf32, #tpu.memory_space<vmem>>, vector<16xf32>,
        %jit3A_159 = arith.constant 1.000000e+00 : f32
        %broadcast_in_dim3A_160 = vector.broadcast %jit3A_159 : f32 to vector<16xf32>
        %select_n3A_161 = arith.select %eq3A_18, %get3A_158, %broadcast_in_dim3A_160 : vector<16xf32>
        tpu.vector_store_idx %arg9[%get3A_154], %select_n3A_161 {add = true} : memref<100000xf32, #tpu.memory_space<vmem>>[vector<16xi32>], vector<16xf32>,
        %scan3A_162 = arith.constant 3 : i32
        %scan3A_163 = arith.addi %scan3A_127, %scan3A_162 : i32
        %mul3A_164 = arith.constant 16 : i32
        %mul3A_165 = arith.muli %scan3A_163, %mul3A_164 : i32
        %get3A_166 = arith.index_cast %mul3A_165 : i32 to index
        %get3A_167 = tpu.vector_load %arg5[%get3A_166] {strides = array<i32>} : memref<4096xi32, #tpu.memory_space<vmem>>, vector<16xi32>,
        %mul3A_168 = arith.constant 16 : i32
        %mul3A_169 = arith.muli %scan3A_163, %mul3A_168 : i32
        %get3A_170 = arith.index_cast %mul3A_169 : i32 to index
        %get3A_171 = tpu.vector_load %arg7[%get3A_170] {strides = array<i32>} : memref<4096xf32, #tpu.memory_space<vmem>>, vector<16xf32>,
        %jit3A_172 = arith.constant 1.000000e+00 : f32
        %broadcast_in_dim3A_173 = vector.broadcast %jit3A_172 : f32 to vector<16xf32>
        %select_n3A_174 = arith.select %eq3A_18, %get3A_171, %broadcast_in_dim3A_173 : vector<16xf32>
        tpu.vector_store_idx %arg9[%get3A_167], %select_n3A_174 {add = true} : memref<100000xf32, #tpu.memory_space<vmem>>[vector<16xi32>], vector<16xf32>,
        %scan3A_175 = arith.constant 4 : i32
        %scan3A_176 = arith.addi %scan3A_127, %scan3A_175 : i32
        %mul3A_177 = arith.constant 16 : i32
        %mul3A_178 = arith.muli %scan3A_176, %mul3A_177 : i32
        %get3A_179 = arith.index_cast %mul3A_178 : i32 to index
        %get3A_180 = tpu.vector_load %arg5[%get3A_179] {strides = array<i32>} : memref<4096xi32, #tpu.memory_space<vmem>>, vector<16xi32>,
        %mul3A_181 = arith.constant 16 : i32
        %mul3A_182 = arith.muli %scan3A_176, %mul3A_181 : i32
        %get3A_183 = arith.index_cast %mul3A_182 : i32 to index
        %get3A_184 = tpu.vector_load %arg7[%get3A_183] {strides = array<i32>} : memref<4096xf32, #tpu.memory_space<vmem>>, vector<16xf32>,
        %jit3A_185 = arith.constant 1.000000e+00 : f32
        %broadcast_in_dim3A_186 = vector.broadcast %jit3A_185 : f32 to vector<16xf32>
        %select_n3A_187 = arith.select %eq3A_18, %get3A_184, %broadcast_in_dim3A_186 : vector<16xf32>
        tpu.vector_store_idx %arg9[%get3A_180], %select_n3A_187 {add = true} : memref<100000xf32, #tpu.memory_space<vmem>>[vector<16xi32>], vector<16xf32>,
        %scan3A_188 = arith.constant 5 : i32
        %scan3A_189 = arith.addi %scan3A_127, %scan3A_188 : i32
        %mul3A_190 = arith.constant 16 : i32
        %mul3A_191 = arith.muli %scan3A_189, %mul3A_190 : i32
        %get3A_192 = arith.index_cast %mul3A_191 : i32 to index
        %get3A_193 = tpu.vector_load %arg5[%get3A_192] {strides = array<i32>} : memref<4096xi32, #tpu.memory_space<vmem>>, vector<16xi32>,
        %mul3A_194 = arith.constant 16 : i32
        %mul3A_195 = arith.muli %scan3A_189, %mul3A_194 : i32
        %get3A_196 = arith.index_cast %mul3A_195 : i32 to index
        %get3A_197 = tpu.vector_load %arg7[%get3A_196] {strides = array<i32>} : memref<4096xf32, #tpu.memory_space<vmem>>, vector<16xf32>,
        %jit3A_198 = arith.constant 1.000000e+00 : f32
        %broadcast_in_dim3A_199 = vector.broadcast %jit3A_198 : f32 to vector<16xf32>
        %select_n3A_200 = arith.select %eq3A_18, %get3A_197, %broadcast_in_dim3A_199 : vector<16xf32>
        tpu.vector_store_idx %arg9[%get3A_193], %select_n3A_200 {add = true} : memref<100000xf32, #tpu.memory_space<vmem>>[vector<16xi32>], vector<16xf32>,
        %scan3A_201 = arith.constant 6 : i32
        %scan3A_202 = arith.addi %scan3A_127, %scan3A_201 : i32
        %mul3A_203 = arith.constant 16 : i32
        %mul3A_204 = arith.muli %scan3A_202, %mul3A_203 : i32
        %get3A_205 = arith.index_cast %mul3A_204 : i32 to index
        %get3A_206 = tpu.vector_load %arg5[%get3A_205] {strides = array<i32>} : memref<4096xi32, #tpu.memory_space<vmem>>, vector<16xi32>,
        %mul3A_207 = arith.constant 16 : i32
        %mul3A_208 = arith.muli %scan3A_202, %mul3A_207 : i32
        %get3A_209 = arith.index_cast %mul3A_208 : i32 to index
        %get3A_210 = tpu.vector_load %arg7[%get3A_209] {strides = array<i32>} : memref<4096xf32, #tpu.memory_space<vmem>>, vector<16xf32>,
        %jit3A_211 = arith.constant 1.000000e+00 : f32
        %broadcast_in_dim3A_212 = vector.broadcast %jit3A_211 : f32 to vector<16xf32>
        %select_n3A_213 = arith.select %eq3A_18, %get3A_210, %broadcast_in_dim3A_212 : vector<16xf32>
        tpu.vector_store_idx %arg9[%get3A_206], %select_n3A_213 {add = true} : memref<100000xf32, #tpu.memory_space<vmem>>[vector<16xi32>], vector<16xf32>,
        %scan3A_214 = arith.constant 7 : i32
        %scan3A_215 = arith.addi %scan3A_127, %scan3A_214 : i32
        %mul3A_216 = arith.constant 16 : i32
        %mul3A_217 = arith.muli %scan3A_215, %mul3A_216 : i32
        %get3A_218 = arith.index_cast %mul3A_217 : i32 to index
        %get3A_219 = tpu.vector_load %arg5[%get3A_218] {strides = array<i32>} : memref<4096xi32, #tpu.memory_space<vmem>>, vector<16xi32>,
        %mul3A_220 = arith.constant 16 : i32
        %mul3A_221 = arith.muli %scan3A_215, %mul3A_220 : i32
        %get3A_222 = arith.index_cast %mul3A_221 : i32 to index
        %get3A_223 = tpu.vector_load %arg7[%get3A_222] {strides = array<i32>} : memref<4096xf32, #tpu.memory_space<vmem>>, vector<16xf32>,
        %jit3A_224 = arith.constant 1.000000e+00 : f32
        %broadcast_in_dim3A_225 = vector.broadcast %jit3A_224 : f32 to vector<16xf32>
        %select_n3A_226 = arith.select %eq3A_18, %get3A_223, %broadcast_in_dim3A_225 : vector<16xf32>
        tpu.vector_store_idx %arg9[%get3A_219], %select_n3A_226 {add = true} : memref<100000xf32, #tpu.memory_space<vmem>>[vector<16xi32>], vector<16xf32>,
        %scan3A_227 = arith.constant 8 : i32
        %scan3A_228 = arith.addi %scan3A_127, %scan3A_227 : i32
        %mul3A_229 = arith.constant 16 : i32
        %mul3A_230 = arith.muli %scan3A_228, %mul3A_229 : i32
        %get3A_231 = arith.index_cast %mul3A_230 : i32 to index
        %get3A_232 = tpu.vector_load %arg5[%get3A_231] {strides = array<i32>} : memref<4096xi32, #tpu.memory_space<vmem>>, vector<16xi32>,
        %mul3A_233 = arith.constant 16 : i32
        %mul3A_234 = arith.muli %scan3A_228, %mul3A_233 : i32
        %get3A_235 = arith.index_cast %mul3A_234 : i32 to index
        %get3A_236 = tpu.vector_load %arg7[%get3A_235] {strides = array<i32>} : memref<4096xf32, #tpu.memory_space<vmem>>, vector<16xf32>,
        %jit3A_237 = arith.constant 1.000000e+00 : f32
        %broadcast_in_dim3A_238 = vector.broadcast %jit3A_237 : f32 to vector<16xf32>
        %select_n3A_239 = arith.select %eq3A_18, %get3A_236, %broadcast_in_dim3A_238 : vector<16xf32>
        tpu.vector_store_idx %arg9[%get3A_232], %select_n3A_239 {add = true} : memref<100000xf32, #tpu.memory_space<vmem>>[vector<16xi32>], vector<16xf32>,
        %scan3A_240 = arith.constant 9 : i32
        %scan3A_241 = arith.addi %scan3A_127, %scan3A_240 : i32
        %mul3A_242 = arith.constant 16 : i32
        %mul3A_243 = arith.muli %scan3A_241, %mul3A_242 : i32
        %get3A_244 = arith.index_cast %mul3A_243 : i32 to index
        %get3A_245 = tpu.vector_load %arg5[%get3A_244] {strides = array<i32>} : memref<4096xi32, #tpu.memory_space<vmem>>, vector<16xi32>,
        %mul3A_246 = arith.constant 16 : i32
        %mul3A_247 = arith.muli %scan3A_241, %mul3A_246 : i32
        %get3A_248 = arith.index_cast %mul3A_247 : i32 to index
        %get3A_249 = tpu.vector_load %arg7[%get3A_248] {strides = array<i32>} : memref<4096xf32, #tpu.memory_space<vmem>>, vector<16xf32>,
        %jit3A_250 = arith.constant 1.000000e+00 : f32
        %broadcast_in_dim3A_251 = vector.broadcast %jit3A_250 : f32 to vector<16xf32>
        %select_n3A_252 = arith.select %eq3A_18, %get3A_249, %broadcast_in_dim3A_251 : vector<16xf32>
        tpu.vector_store_idx %arg9[%get3A_245], %select_n3A_252 {add = true} : memref<100000xf32, #tpu.memory_space<vmem>>[vector<16xi32>], vector<16xf32>,
        %scan3A_253 = arith.constant 10 : i32
        %scan3A_254 = arith.addi %scan3A_127, %scan3A_253 : i32
        %mul3A_255 = arith.constant 16 : i32
        %mul3A_256 = arith.muli %scan3A_254, %mul3A_255 : i32
        %get3A_257 = arith.index_cast %mul3A_256 : i32 to index
        %get3A_258 = tpu.vector_load %arg5[%get3A_257] {strides = array<i32>} : memref<4096xi32, #tpu.memory_space<vmem>>, vector<16xi32>,
        %mul3A_259 = arith.constant 16 : i32
        %mul3A_260 = arith.muli %scan3A_254, %mul3A_259 : i32
        %get3A_261 = arith.index_cast %mul3A_260 : i32 to index
        %get3A_262 = tpu.vector_load %arg7[%get3A_261] {strides = array<i32>} : memref<4096xf32, #tpu.memory_space<vmem>>, vector<16xf32>,
        %jit3A_263 = arith.constant 1.000000e+00 : f32
        %broadcast_in_dim3A_264 = vector.broadcast %jit3A_263 : f32 to vector<16xf32>
        %select_n3A_265 = arith.select %eq3A_18, %get3A_262, %broadcast_in_dim3A_264 : vector<16xf32>
        tpu.vector_store_idx %arg9[%get3A_258], %select_n3A_265 {add = true} : memref<100000xf32, #tpu.memory_space<vmem>>[vector<16xi32>], vector<16xf32>,
        %scan3A_266 = arith.constant 11 : i32
        %scan3A_267 = arith.addi %scan3A_127, %scan3A_266 : i32
        %mul3A_268 = arith.constant 16 : i32
        %mul3A_269 = arith.muli %scan3A_267, %mul3A_268 : i32
        %get3A_270 = arith.index_cast %mul3A_269 : i32 to index
        %get3A_271 = tpu.vector_load %arg5[%get3A_270] {strides = array<i32>} : memref<4096xi32, #tpu.memory_space<vmem>>, vector<16xi32>,
        %mul3A_272 = arith.constant 16 : i32
        %mul3A_273 = arith.muli %scan3A_267, %mul3A_272 : i32
        %get3A_274 = arith.index_cast %mul3A_273 : i32 to index
        %get3A_275 = tpu.vector_load %arg7[%get3A_274] {strides = array<i32>} : memref<4096xf32, #tpu.memory_space<vmem>>, vector<16xf32>,
        %jit3A_276 = arith.constant 1.000000e+00 : f32
        %broadcast_in_dim3A_277 = vector.broadcast %jit3A_276 : f32 to vector<16xf32>
        %select_n3A_278 = arith.select %eq3A_18, %get3A_275, %broadcast_in_dim3A_277 : vector<16xf32>
        tpu.vector_store_idx %arg9[%get3A_271], %select_n3A_278 {add = true} : memref<100000xf32, #tpu.memory_space<vmem>>[vector<16xi32>], vector<16xf32>,
        %scan3A_279 = arith.constant 12 : i32
        %scan3A_280 = arith.addi %scan3A_127, %scan3A_279 : i32
        %mul3A_281 = arith.constant 16 : i32
        %mul3A_282 = arith.muli %scan3A_280, %mul3A_281 : i32
        %get3A_283 = arith.index_cast %mul3A_282 : i32 to index
        %get3A_284 = tpu.vector_load %arg5[%get3A_283] {strides = array<i32>} : memref<4096xi32, #tpu.memory_space<vmem>>, vector<16xi32>,
        %mul3A_285 = arith.constant 16 : i32
        %mul3A_286 = arith.muli %scan3A_280, %mul3A_285 : i32
        %get3A_287 = arith.index_cast %mul3A_286 : i32 to index
        %get3A_288 = tpu.vector_load %arg7[%get3A_287] {strides = array<i32>} : memref<4096xf32, #tpu.memory_space<vmem>>, vector<16xf32>,
        %jit3A_289 = arith.constant 1.000000e+00 : f32
        %broadcast_in_dim3A_290 = vector.broadcast %jit3A_289 : f32 to vector<16xf32>
        %select_n3A_291 = arith.select %eq3A_18, %get3A_288, %broadcast_in_dim3A_290 : vector<16xf32>
        tpu.vector_store_idx %arg9[%get3A_284], %select_n3A_291 {add = true} : memref<100000xf32, #tpu.memory_space<vmem>>[vector<16xi32>], vector<16xf32>,
        %scan3A_292 = arith.constant 13 : i32
        %scan3A_293 = arith.addi %scan3A_127, %scan3A_292 : i32
        %mul3A_294 = arith.constant 16 : i32
        %mul3A_295 = arith.muli %scan3A_293, %mul3A_294 : i32
        %get3A_296 = arith.index_cast %mul3A_295 : i32 to index
        %get3A_297 = tpu.vector_load %arg5[%get3A_296] {strides = array<i32>} : memref<4096xi32, #tpu.memory_space<vmem>>, vector<16xi32>,
        %mul3A_298 = arith.constant 16 : i32
        %mul3A_299 = arith.muli %scan3A_293, %mul3A_298 : i32
        %get3A_300 = arith.index_cast %mul3A_299 : i32 to index
        %get3A_301 = tpu.vector_load %arg7[%get3A_300] {strides = array<i32>} : memref<4096xf32, #tpu.memory_space<vmem>>, vector<16xf32>,
        %jit3A_302 = arith.constant 1.000000e+00 : f32
        %broadcast_in_dim3A_303 = vector.broadcast %jit3A_302 : f32 to vector<16xf32>
        %select_n3A_304 = arith.select %eq3A_18, %get3A_301, %broadcast_in_dim3A_303 : vector<16xf32>
        tpu.vector_store_idx %arg9[%get3A_297], %select_n3A_304 {add = true} : memref<100000xf32, #tpu.memory_space<vmem>>[vector<16xi32>], vector<16xf32>,
        %scan3A_305 = arith.constant 14 : i32
        %scan3A_306 = arith.addi %scan3A_127, %scan3A_305 : i32
        %mul3A_307 = arith.constant 16 : i32
        %mul3A_308 = arith.muli %scan3A_306, %mul3A_307 : i32
        %get3A_309 = arith.index_cast %mul3A_308 : i32 to index
        %get3A_310 = tpu.vector_load %arg5[%get3A_309] {strides = array<i32>} : memref<4096xi32, #tpu.memory_space<vmem>>, vector<16xi32>,
        %mul3A_311 = arith.constant 16 : i32
        %mul3A_312 = arith.muli %scan3A_306, %mul3A_311 : i32
        %get3A_313 = arith.index_cast %mul3A_312 : i32 to index
        %get3A_314 = tpu.vector_load %arg7[%get3A_313] {strides = array<i32>} : memref<4096xf32, #tpu.memory_space<vmem>>, vector<16xf32>,
        %jit3A_315 = arith.constant 1.000000e+00 : f32
        %broadcast_in_dim3A_316 = vector.broadcast %jit3A_315 : f32 to vector<16xf32>
        %select_n3A_317 = arith.select %eq3A_18, %get3A_314, %broadcast_in_dim3A_316 : vector<16xf32>
        tpu.vector_store_idx %arg9[%get3A_310], %select_n3A_317 {add = true} : memref<100000xf32, #tpu.memory_space<vmem>>[vector<16xi32>], vector<16xf32>,
        %scan3A_318 = arith.constant 15 : i32
        %scan3A_319 = arith.addi %scan3A_127, %scan3A_318 : i32
        %mul3A_320 = arith.constant 16 : i32
        %mul3A_321 = arith.muli %scan3A_319, %mul3A_320 : i32
        %get3A_322 = arith.index_cast %mul3A_321 : i32 to index
        %get3A_323 = tpu.vector_load %arg5[%get3A_322] {strides = array<i32>} : memref<4096xi32, #tpu.memory_space<vmem>>, vector<16xi32>,
        %mul3A_324 = arith.constant 16 : i32
        %mul3A_325 = arith.muli %scan3A_319, %mul3A_324 : i32
        %get3A_326 = arith.index_cast %mul3A_325 : i32 to index
        %get3A_327 = tpu.vector_load %arg7[%get3A_326] {strides = array<i32>} : memref<4096xf32, #tpu.memory_space<vmem>>, vector<16xf32>,
        %jit3A_328 = arith.constant 1.000000e+00 : f32
        %broadcast_in_dim3A_329 = vector.broadcast %jit3A_328 : f32 to vector<16xf32>
        %select_n3A_330 = arith.select %eq3A_18, %get3A_327, %broadcast_in_dim3A_329 : vector<16xf32>
        tpu.vector_store_idx %arg9[%get3A_323], %select_n3A_330 {add = true} : memref<100000xf32, #tpu.memory_space<vmem>>[vector<16xi32>], vector<16xf32>,
      }
      %scan3A_102 = arith.constant 256 : i32
      %mul3A_103 = arith.constant 2 : i32
      %mul3A_104 = arith.muli %scan3A_80, %mul3A_103 : i32
      %add3A_105 = arith.constant 1 : i32
      %add3A_106 = arith.addi %mul3A_104, %add3A_105 : i32
      %dma_wait3A_107 = arith.constant 0 : i32
      %dma_wait3A_108 = tpu.memref_slice %arg2[%dma_wait3A_107] : memref<3276800xi32, #tpu.memory_space<hbm>> -> memref<4096xi32, #tpu.memory_space<hbm>>
      %dma_wait3A_109 = arith.constant 0 : i32
      %dma_wait3A_110 = tpu.memref_slice %arg2[%dma_wait3A_109] : memref<3276800xi32, #tpu.memory_space<hbm>> -> memref<4096xi32, #tpu.memory_space<hbm>>
      tpu.wait_dma2 semaphore(%arg11 : memref<!tpu.dma_semaphore, #tpu.memory_space<semaphore_mem>>) src(%dma_wait3A_110 : memref<4096xi32, #tpu.memory_space<hbm>>) dst(%arg6 : memref<4096xi32, #tpu.memory_space<vmem>>)
      %convert_element_type3A_111 = arith.extui %eq3A_18 : i1 to i32
      %cond3A_112 = arith.constant 0 : i32
      %cond3A_113 = arith.cmpi ne, %convert_element_type3A_111, %cond3A_112 : i32
      scf.if %cond3A_113 {
        %dma_wait3A_127 = arith.constant 0 : i32
        %dma_wait3A_128 = tpu.memref_slice %arg3[%dma_wait3A_127] : memref<3276800xf32, #tpu.memory_space<hbm>> -> memref<4096xf32, #tpu.memory_space<hbm>>
        %dma_wait3A_129 = arith.constant 0 : i32
        %dma_wait3A_130 = tpu.memref_slice %arg3[%dma_wait3A_129] : memref<3276800xf32, #tpu.memory_space<hbm>> -> memref<4096xf32, #tpu.memory_space<hbm>>
        tpu.wait_dma2 semaphore(%arg11 : memref<!tpu.dma_semaphore, #tpu.memory_space<semaphore_mem>>) src(%dma_wait3A_130 : memref<4096xf32, #tpu.memory_space<hbm>>) dst(%arg8 : memref<4096xf32, #tpu.memory_space<vmem>>)
      } else {
      }
      %add3A_114 = arith.constant 1 : i32
      %add3A_115 = arith.addi %add3A_106, %add3A_114 : i32
      %lt3A_116 = arith.constant 50 : i32
      %lt3A_117 = arith.cmpi slt, %add3A_115, %lt3A_116 : i32
      %convert_element_type3A_118 = arith.extui %lt3A_117 : i1 to i32
      %cond3A_119 = arith.constant 0 : i32
      %cond3A_120 = arith.cmpi ne, %convert_element_type3A_118, %cond3A_119 : i32
      scf.if %cond3A_120 {
        %add3A_127 = arith.constant 1 : i32
        %add3A_128 = arith.addi %add3A_106, %add3A_127 : i32
        %mul3A_129 = arith.constant 4096 : i32
        %mul3A_130 = arith.muli %add3A_128, %mul3A_129 : i32
        %add3A_131 = arith.addi %mul3A_17, %mul3A_130 : i32
        %dma_start3A_132 = tpu.memref_slice %arg2[%add3A_131] : memref<3276800xi32, #tpu.memory_space<hbm>> -> memref<4096xi32, #tpu.memory_space<hbm>>
        %dma_start3A_133 = tpu.memref_slice %arg2[%add3A_131] : memref<3276800xi32, #tpu.memory_space<hbm>> -> memref<4096xi32, #tpu.memory_space<hbm>>
        tpu.enqueue_dma source(%dma_start3A_133 : memref<4096xi32, #tpu.memory_space<hbm>>) target(%arg5 : memref<4096xi32, #tpu.memory_space<vmem>>) target_semaphore(%arg10 : memref<!tpu.dma_semaphore, #tpu.memory_space<semaphore_mem>>)
        %convert_element_type3A_134 = arith.extui %eq3A_18 : i1 to i32
        %cond3A_135 = arith.constant 0 : i32
        %cond3A_136 = arith.cmpi ne, %convert_element_type3A_134, %cond3A_135 : i32
        scf.if %cond3A_136 {
          %dma_start3A_137 = tpu.memref_slice %arg3[%add3A_131] : memref<3276800xf32, #tpu.memory_space<hbm>> -> memref<4096xf32, #tpu.memory_space<hbm>>
          %dma_start3A_138 = tpu.memref_slice %arg3[%add3A_131] : memref<3276800xf32, #tpu.memory_space<hbm>> -> memref<4096xf32, #tpu.memory_space<hbm>>
          tpu.enqueue_dma source(%dma_start3A_138 : memref<4096xf32, #tpu.memory_space<hbm>>) target(%arg7 : memref<4096xf32, #tpu.memory_space<vmem>>) target_semaphore(%arg10 : memref<!tpu.dma_semaphore, #tpu.memory_space<semaphore_mem>>)
        } else {
        }
      } else {
      }
      %scan3A_121 = arith.constant 0 : i32
      %scan3A_122 = arith.constant 0 : i32
      %scan3A_123 = arith.constant 256 : i32
      %scan3A_124 = arith.addi %scan3A_122, %scan3A_123 : i32
      %scan3A_125 = arith.constant 16 : i32
      scf.for %scan3A_127 = %scan3A_122 to %scan3A_124 step %scan3A_125  : i32 {
        %mul3A_128 = arith.constant 16 : i32
        %mul3A_129 = arith.muli %scan3A_127, %mul3A_128 : i32
        %get3A = arith.index_cast %mul3A_129 : i32 to index
        %get3A_130 = tpu.vector_load %arg6[%get3A] {strides = array<i32>} : memref<4096xi32, #tpu.memory_space<vmem>>, vector<16xi32>,
        %mul3A_131 = arith.constant 16 : i32
        %mul3A_132 = arith.muli %scan3A_127, %mul3A_131 : i32
        %get3A_133 = arith.index_cast %mul3A_132 : i32 to index
        %get3A_134 = tpu.vector_load %arg8[%get3A_133] {strides = array<i32>} : memref<4096xf32, #tpu.memory_space<vmem>>, vector<16xf32>,
        %jit3A = arith.constant 1.000000e+00 : f32
        %broadcast_in_dim3A_135 = vector.broadcast %jit3A : f32 to vector<16xf32>
        %select_n3A = arith.select %eq3A_18, %get3A_134, %broadcast_in_dim3A_135 : vector<16xf32>
        tpu.vector_store_idx %arg9[%get3A_130], %select_n3A {add = true} : memref<100000xf32, #tpu.memory_space<vmem>>[vector<16xi32>], vector<16xf32>,
        %scan3A_136 = arith.constant 1 : i32
        %scan3A_137 = arith.addi %scan3A_127, %scan3A_136 : i32
        %mul3A_138 = arith.constant 16 : i32
        %mul3A_139 = arith.muli %scan3A_137, %mul3A_138 : i32
        %get3A_140 = arith.index_cast %mul3A_139 : i32 to index
        %get3A_141 = tpu.vector_load %arg6[%get3A_140] {strides = array<i32>} : memref<4096xi32, #tpu.memory_space<vmem>>, vector<16xi32>,
        %mul3A_142 = arith.constant 16 : i32
        %mul3A_143 = arith.muli %scan3A_137, %mul3A_142 : i32
        %get3A_144 = arith.index_cast %mul3A_143 : i32 to index
        %get3A_145 = tpu.vector_load %arg8[%get3A_144] {strides = array<i32>} : memref<4096xf32, #tpu.memory_space<vmem>>, vector<16xf32>,
        %jit3A_146 = arith.constant 1.000000e+00 : f32
        %broadcast_in_dim3A_147 = vector.broadcast %jit3A_146 : f32 to vector<16xf32>
        %select_n3A_148 = arith.select %eq3A_18, %get3A_145, %broadcast_in_dim3A_147 : vector<16xf32>
        tpu.vector_store_idx %arg9[%get3A_141], %select_n3A_148 {add = true} : memref<100000xf32, #tpu.memory_space<vmem>>[vector<16xi32>], vector<16xf32>,
        %scan3A_149 = arith.constant 2 : i32
        %scan3A_150 = arith.addi %scan3A_127, %scan3A_149 : i32
        %mul3A_151 = arith.constant 16 : i32
        %mul3A_152 = arith.muli %scan3A_150, %mul3A_151 : i32
        %get3A_153 = arith.index_cast %mul3A_152 : i32 to index
        %get3A_154 = tpu.vector_load %arg6[%get3A_153] {strides = array<i32>} : memref<4096xi32, #tpu.memory_space<vmem>>, vector<16xi32>,
        %mul3A_155 = arith.constant 16 : i32
        %mul3A_156 = arith.muli %scan3A_150, %mul3A_155 : i32
        %get3A_157 = arith.index_cast %mul3A_156 : i32 to index
        %get3A_158 = tpu.vector_load %arg8[%get3A_157] {strides = array<i32>} : memref<4096xf32, #tpu.memory_space<vmem>>, vector<16xf32>,
        %jit3A_159 = arith.constant 1.000000e+00 : f32
        %broadcast_in_dim3A_160 = vector.broadcast %jit3A_159 : f32 to vector<16xf32>
        %select_n3A_161 = arith.select %eq3A_18, %get3A_158, %broadcast_in_dim3A_160 : vector<16xf32>
        tpu.vector_store_idx %arg9[%get3A_154], %select_n3A_161 {add = true} : memref<100000xf32, #tpu.memory_space<vmem>>[vector<16xi32>], vector<16xf32>,
        %scan3A_162 = arith.constant 3 : i32
        %scan3A_163 = arith.addi %scan3A_127, %scan3A_162 : i32
        %mul3A_164 = arith.constant 16 : i32
        %mul3A_165 = arith.muli %scan3A_163, %mul3A_164 : i32
        %get3A_166 = arith.index_cast %mul3A_165 : i32 to index
        %get3A_167 = tpu.vector_load %arg6[%get3A_166] {strides = array<i32>} : memref<4096xi32, #tpu.memory_space<vmem>>, vector<16xi32>,
        %mul3A_168 = arith.constant 16 : i32
        %mul3A_169 = arith.muli %scan3A_163, %mul3A_168 : i32
        %get3A_170 = arith.index_cast %mul3A_169 : i32 to index
        %get3A_171 = tpu.vector_load %arg8[%get3A_170] {strides = array<i32>} : memref<4096xf32, #tpu.memory_space<vmem>>, vector<16xf32>,
        %jit3A_172 = arith.constant 1.000000e+00 : f32
        %broadcast_in_dim3A_173 = vector.broadcast %jit3A_172 : f32 to vector<16xf32>
        %select_n3A_174 = arith.select %eq3A_18, %get3A_171, %broadcast_in_dim3A_173 : vector<16xf32>
        tpu.vector_store_idx %arg9[%get3A_167], %select_n3A_174 {add = true} : memref<100000xf32, #tpu.memory_space<vmem>>[vector<16xi32>], vector<16xf32>,
        %scan3A_175 = arith.constant 4 : i32
        %scan3A_176 = arith.addi %scan3A_127, %scan3A_175 : i32
        %mul3A_177 = arith.constant 16 : i32
        %mul3A_178 = arith.muli %scan3A_176, %mul3A_177 : i32
        %get3A_179 = arith.index_cast %mul3A_178 : i32 to index
        %get3A_180 = tpu.vector_load %arg6[%get3A_179] {strides = array<i32>} : memref<4096xi32, #tpu.memory_space<vmem>>, vector<16xi32>,
        %mul3A_181 = arith.constant 16 : i32
        %mul3A_182 = arith.muli %scan3A_176, %mul3A_181 : i32
        %get3A_183 = arith.index_cast %mul3A_182 : i32 to index
        %get3A_184 = tpu.vector_load %arg8[%get3A_183] {strides = array<i32>} : memref<4096xf32, #tpu.memory_space<vmem>>, vector<16xf32>,
        %jit3A_185 = arith.constant 1.000000e+00 : f32
        %broadcast_in_dim3A_186 = vector.broadcast %jit3A_185 : f32 to vector<16xf32>
        %select_n3A_187 = arith.select %eq3A_18, %get3A_184, %broadcast_in_dim3A_186 : vector<16xf32>
        tpu.vector_store_idx %arg9[%get3A_180], %select_n3A_187 {add = true} : memref<100000xf32, #tpu.memory_space<vmem>>[vector<16xi32>], vector<16xf32>,
        %scan3A_188 = arith.constant 5 : i32
        %scan3A_189 = arith.addi %scan3A_127, %scan3A_188 : i32
        %mul3A_190 = arith.constant 16 : i32
        %mul3A_191 = arith.muli %scan3A_189, %mul3A_190 : i32
        %get3A_192 = arith.index_cast %mul3A_191 : i32 to index
        %get3A_193 = tpu.vector_load %arg6[%get3A_192] {strides = array<i32>} : memref<4096xi32, #tpu.memory_space<vmem>>, vector<16xi32>,
        %mul3A_194 = arith.constant 16 : i32
        %mul3A_195 = arith.muli %scan3A_189, %mul3A_194 : i32
        %get3A_196 = arith.index_cast %mul3A_195 : i32 to index
        %get3A_197 = tpu.vector_load %arg8[%get3A_196] {strides = array<i32>} : memref<4096xf32, #tpu.memory_space<vmem>>, vector<16xf32>,
        %jit3A_198 = arith.constant 1.000000e+00 : f32
        %broadcast_in_dim3A_199 = vector.broadcast %jit3A_198 : f32 to vector<16xf32>
        %select_n3A_200 = arith.select %eq3A_18, %get3A_197, %broadcast_in_dim3A_199 : vector<16xf32>
        tpu.vector_store_idx %arg9[%get3A_193], %select_n3A_200 {add = true} : memref<100000xf32, #tpu.memory_space<vmem>>[vector<16xi32>], vector<16xf32>,
        %scan3A_201 = arith.constant 6 : i32
        %scan3A_202 = arith.addi %scan3A_127, %scan3A_201 : i32
        %mul3A_203 = arith.constant 16 : i32
        %mul3A_204 = arith.muli %scan3A_202, %mul3A_203 : i32
        %get3A_205 = arith.index_cast %mul3A_204 : i32 to index
        %get3A_206 = tpu.vector_load %arg6[%get3A_205] {strides = array<i32>} : memref<4096xi32, #tpu.memory_space<vmem>>, vector<16xi32>,
        %mul3A_207 = arith.constant 16 : i32
        %mul3A_208 = arith.muli %scan3A_202, %mul3A_207 : i32
        %get3A_209 = arith.index_cast %mul3A_208 : i32 to index
        %get3A_210 = tpu.vector_load %arg8[%get3A_209] {strides = array<i32>} : memref<4096xf32, #tpu.memory_space<vmem>>, vector<16xf32>,
        %jit3A_211 = arith.constant 1.000000e+00 : f32
        %broadcast_in_dim3A_212 = vector.broadcast %jit3A_211 : f32 to vector<16xf32>
        %select_n3A_213 = arith.select %eq3A_18, %get3A_210, %broadcast_in_dim3A_212 : vector<16xf32>
        tpu.vector_store_idx %arg9[%get3A_206], %select_n3A_213 {add = true} : memref<100000xf32, #tpu.memory_space<vmem>>[vector<16xi32>], vector<16xf32>,
        %scan3A_214 = arith.constant 7 : i32
        %scan3A_215 = arith.addi %scan3A_127, %scan3A_214 : i32
        %mul3A_216 = arith.constant 16 : i32
        %mul3A_217 = arith.muli %scan3A_215, %mul3A_216 : i32
        %get3A_218 = arith.index_cast %mul3A_217 : i32 to index
        %get3A_219 = tpu.vector_load %arg6[%get3A_218] {strides = array<i32>} : memref<4096xi32, #tpu.memory_space<vmem>>, vector<16xi32>,
        %mul3A_220 = arith.constant 16 : i32
        %mul3A_221 = arith.muli %scan3A_215, %mul3A_220 : i32
        %get3A_222 = arith.index_cast %mul3A_221 : i32 to index
        %get3A_223 = tpu.vector_load %arg8[%get3A_222] {strides = array<i32>} : memref<4096xf32, #tpu.memory_space<vmem>>, vector<16xf32>,
        %jit3A_224 = arith.constant 1.000000e+00 : f32
        %broadcast_in_dim3A_225 = vector.broadcast %jit3A_224 : f32 to vector<16xf32>
        %select_n3A_226 = arith.select %eq3A_18, %get3A_223, %broadcast_in_dim3A_225 : vector<16xf32>
        tpu.vector_store_idx %arg9[%get3A_219], %select_n3A_226 {add = true} : memref<100000xf32, #tpu.memory_space<vmem>>[vector<16xi32>], vector<16xf32>,
        %scan3A_227 = arith.constant 8 : i32
        %scan3A_228 = arith.addi %scan3A_127, %scan3A_227 : i32
        %mul3A_229 = arith.constant 16 : i32
        %mul3A_230 = arith.muli %scan3A_228, %mul3A_229 : i32
        %get3A_231 = arith.index_cast %mul3A_230 : i32 to index
        %get3A_232 = tpu.vector_load %arg6[%get3A_231] {strides = array<i32>} : memref<4096xi32, #tpu.memory_space<vmem>>, vector<16xi32>,
        %mul3A_233 = arith.constant 16 : i32
        %mul3A_234 = arith.muli %scan3A_228, %mul3A_233 : i32
        %get3A_235 = arith.index_cast %mul3A_234 : i32 to index
        %get3A_236 = tpu.vector_load %arg8[%get3A_235] {strides = array<i32>} : memref<4096xf32, #tpu.memory_space<vmem>>, vector<16xf32>,
        %jit3A_237 = arith.constant 1.000000e+00 : f32
        %broadcast_in_dim3A_238 = vector.broadcast %jit3A_237 : f32 to vector<16xf32>
        %select_n3A_239 = arith.select %eq3A_18, %get3A_236, %broadcast_in_dim3A_238 : vector<16xf32>
        tpu.vector_store_idx %arg9[%get3A_232], %select_n3A_239 {add = true} : memref<100000xf32, #tpu.memory_space<vmem>>[vector<16xi32>], vector<16xf32>,
        %scan3A_240 = arith.constant 9 : i32
        %scan3A_241 = arith.addi %scan3A_127, %scan3A_240 : i32
        %mul3A_242 = arith.constant 16 : i32
        %mul3A_243 = arith.muli %scan3A_241, %mul3A_242 : i32
        %get3A_244 = arith.index_cast %mul3A_243 : i32 to index
        %get3A_245 = tpu.vector_load %arg6[%get3A_244] {strides = array<i32>} : memref<4096xi32, #tpu.memory_space<vmem>>, vector<16xi32>,
        %mul3A_246 = arith.constant 16 : i32
        %mul3A_247 = arith.muli %scan3A_241, %mul3A_246 : i32
        %get3A_248 = arith.index_cast %mul3A_247 : i32 to index
        %get3A_249 = tpu.vector_load %arg8[%get3A_248] {strides = array<i32>} : memref<4096xf32, #tpu.memory_space<vmem>>, vector<16xf32>,
        %jit3A_250 = arith.constant 1.000000e+00 : f32
        %broadcast_in_dim3A_251 = vector.broadcast %jit3A_250 : f32 to vector<16xf32>
        %select_n3A_252 = arith.select %eq3A_18, %get3A_249, %broadcast_in_dim3A_251 : vector<16xf32>
        tpu.vector_store_idx %arg9[%get3A_245], %select_n3A_252 {add = true} : memref<100000xf32, #tpu.memory_space<vmem>>[vector<16xi32>], vector<16xf32>,
        %scan3A_253 = arith.constant 10 : i32
        %scan3A_254 = arith.addi %scan3A_127, %scan3A_253 : i32
        %mul3A_255 = arith.constant 16 : i32
        %mul3A_256 = arith.muli %scan3A_254, %mul3A_255 : i32
        %get3A_257 = arith.index_cast %mul3A_256 : i32 to index
        %get3A_258 = tpu.vector_load %arg6[%get3A_257] {strides = array<i32>} : memref<4096xi32, #tpu.memory_space<vmem>>, vector<16xi32>,
        %mul3A_259 = arith.constant 16 : i32
        %mul3A_260 = arith.muli %scan3A_254, %mul3A_259 : i32
        %get3A_261 = arith.index_cast %mul3A_260 : i32 to index
        %get3A_262 = tpu.vector_load %arg8[%get3A_261] {strides = array<i32>} : memref<4096xf32, #tpu.memory_space<vmem>>, vector<16xf32>,
        %jit3A_263 = arith.constant 1.000000e+00 : f32
        %broadcast_in_dim3A_264 = vector.broadcast %jit3A_263 : f32 to vector<16xf32>
        %select_n3A_265 = arith.select %eq3A_18, %get3A_262, %broadcast_in_dim3A_264 : vector<16xf32>
        tpu.vector_store_idx %arg9[%get3A_258], %select_n3A_265 {add = true} : memref<100000xf32, #tpu.memory_space<vmem>>[vector<16xi32>], vector<16xf32>,
        %scan3A_266 = arith.constant 11 : i32
        %scan3A_267 = arith.addi %scan3A_127, %scan3A_266 : i32
        %mul3A_268 = arith.constant 16 : i32
        %mul3A_269 = arith.muli %scan3A_267, %mul3A_268 : i32
        %get3A_270 = arith.index_cast %mul3A_269 : i32 to index
        %get3A_271 = tpu.vector_load %arg6[%get3A_270] {strides = array<i32>} : memref<4096xi32, #tpu.memory_space<vmem>>, vector<16xi32>,
        %mul3A_272 = arith.constant 16 : i32
        %mul3A_273 = arith.muli %scan3A_267, %mul3A_272 : i32
        %get3A_274 = arith.index_cast %mul3A_273 : i32 to index
        %get3A_275 = tpu.vector_load %arg8[%get3A_274] {strides = array<i32>} : memref<4096xf32, #tpu.memory_space<vmem>>, vector<16xf32>,
        %jit3A_276 = arith.constant 1.000000e+00 : f32
        %broadcast_in_dim3A_277 = vector.broadcast %jit3A_276 : f32 to vector<16xf32>
        %select_n3A_278 = arith.select %eq3A_18, %get3A_275, %broadcast_in_dim3A_277 : vector<16xf32>
        tpu.vector_store_idx %arg9[%get3A_271], %select_n3A_278 {add = true} : memref<100000xf32, #tpu.memory_space<vmem>>[vector<16xi32>], vector<16xf32>,
        %scan3A_279 = arith.constant 12 : i32
        %scan3A_280 = arith.addi %scan3A_127, %scan3A_279 : i32
        %mul3A_281 = arith.constant 16 : i32
        %mul3A_282 = arith.muli %scan3A_280, %mul3A_281 : i32
        %get3A_283 = arith.index_cast %mul3A_282 : i32 to index
        %get3A_284 = tpu.vector_load %arg6[%get3A_283] {strides = array<i32>} : memref<4096xi32, #tpu.memory_space<vmem>>, vector<16xi32>,
        %mul3A_285 = arith.constant 16 : i32
        %mul3A_286 = arith.muli %scan3A_280, %mul3A_285 : i32
        %get3A_287 = arith.index_cast %mul3A_286 : i32 to index
        %get3A_288 = tpu.vector_load %arg8[%get3A_287] {strides = array<i32>} : memref<4096xf32, #tpu.memory_space<vmem>>, vector<16xf32>,
        %jit3A_289 = arith.constant 1.000000e+00 : f32
        %broadcast_in_dim3A_290 = vector.broadcast %jit3A_289 : f32 to vector<16xf32>
        %select_n3A_291 = arith.select %eq3A_18, %get3A_288, %broadcast_in_dim3A_290 : vector<16xf32>
        tpu.vector_store_idx %arg9[%get3A_284], %select_n3A_291 {add = true} : memref<100000xf32, #tpu.memory_space<vmem>>[vector<16xi32>], vector<16xf32>,
        %scan3A_292 = arith.constant 13 : i32
        %scan3A_293 = arith.addi %scan3A_127, %scan3A_292 : i32
        %mul3A_294 = arith.constant 16 : i32
        %mul3A_295 = arith.muli %scan3A_293, %mul3A_294 : i32
        %get3A_296 = arith.index_cast %mul3A_295 : i32 to index
        %get3A_297 = tpu.vector_load %arg6[%get3A_296] {strides = array<i32>} : memref<4096xi32, #tpu.memory_space<vmem>>, vector<16xi32>,
        %mul3A_298 = arith.constant 16 : i32
        %mul3A_299 = arith.muli %scan3A_293, %mul3A_298 : i32
        %get3A_300 = arith.index_cast %mul3A_299 : i32 to index
        %get3A_301 = tpu.vector_load %arg8[%get3A_300] {strides = array<i32>} : memref<4096xf32, #tpu.memory_space<vmem>>, vector<16xf32>,
        %jit3A_302 = arith.constant 1.000000e+00 : f32
        %broadcast_in_dim3A_303 = vector.broadcast %jit3A_302 : f32 to vector<16xf32>
        %select_n3A_304 = arith.select %eq3A_18, %get3A_301, %broadcast_in_dim3A_303 : vector<16xf32>
        tpu.vector_store_idx %arg9[%get3A_297], %select_n3A_304 {add = true} : memref<100000xf32, #tpu.memory_space<vmem>>[vector<16xi32>], vector<16xf32>,
        %scan3A_305 = arith.constant 14 : i32
        %scan3A_306 = arith.addi %scan3A_127, %scan3A_305 : i32
        %mul3A_307 = arith.constant 16 : i32
        %mul3A_308 = arith.muli %scan3A_306, %mul3A_307 : i32
        %get3A_309 = arith.index_cast %mul3A_308 : i32 to index
        %get3A_310 = tpu.vector_load %arg6[%get3A_309] {strides = array<i32>} : memref<4096xi32, #tpu.memory_space<vmem>>, vector<16xi32>,
        %mul3A_311 = arith.constant 16 : i32
        %mul3A_312 = arith.muli %scan3A_306, %mul3A_311 : i32
        %get3A_313 = arith.index_cast %mul3A_312 : i32 to index
        %get3A_314 = tpu.vector_load %arg8[%get3A_313] {strides = array<i32>} : memref<4096xf32, #tpu.memory_space<vmem>>, vector<16xf32>,
        %jit3A_315 = arith.constant 1.000000e+00 : f32
        %broadcast_in_dim3A_316 = vector.broadcast %jit3A_315 : f32 to vector<16xf32>
        %select_n3A_317 = arith.select %eq3A_18, %get3A_314, %broadcast_in_dim3A_316 : vector<16xf32>
        tpu.vector_store_idx %arg9[%get3A_310], %select_n3A_317 {add = true} : memref<100000xf32, #tpu.memory_space<vmem>>[vector<16xi32>], vector<16xf32>,
        %scan3A_318 = arith.constant 15 : i32
        %scan3A_319 = arith.addi %scan3A_127, %scan3A_318 : i32
        %mul3A_320 = arith.constant 16 : i32
        %mul3A_321 = arith.muli %scan3A_319, %mul3A_320 : i32
        %get3A_322 = arith.index_cast %mul3A_321 : i32 to index
        %get3A_323 = tpu.vector_load %arg6[%get3A_322] {strides = array<i32>} : memref<4096xi32, #tpu.memory_space<vmem>>, vector<16xi32>,
        %mul3A_324 = arith.constant 16 : i32
        %mul3A_325 = arith.muli %scan3A_319, %mul3A_324 : i32
        %get3A_326 = arith.index_cast %mul3A_325 : i32 to index
        %get3A_327 = tpu.vector_load %arg8[%get3A_326] {strides = array<i32>} : memref<4096xf32, #tpu.memory_space<vmem>>, vector<16xf32>,
        %jit3A_328 = arith.constant 1.000000e+00 : f32
        %broadcast_in_dim3A_329 = vector.broadcast %jit3A_328 : f32 to vector<16xf32>
        %select_n3A_330 = arith.select %eq3A_18, %get3A_327, %broadcast_in_dim3A_329 : vector<16xf32>
        tpu.vector_store_idx %arg9[%get3A_323], %select_n3A_330 {add = true} : memref<100000xf32, #tpu.memory_space<vmem>>[vector<16xi32>], vector<16xf32>,
      }
      %scan3A_126 = arith.constant 256 : i32
    }
    %scan3A_27 = arith.constant 25 : i32
    %mul3A_28 = arith.constant 16 : i32
    %mul3A_29 = arith.muli %arg0, %mul3A_28 : i32
    %add3A_30 = arith.addi %mul3A_29, %arg1 : i32
    %run_scoped3A = arith.constant 0 : i32
    "tpu.region"() ({
      %run_scoped3A_80 = tpu.sem_alloc : memref<!tpu.dma_semaphore, #tpu.memory_space<semaphore_mem>>
      %dma_start3A_81 = arith.constant 0 : i32
      %dma_start3A_82 = tpu.memref_slice %arg9[%dma_start3A_81] : memref<100000xf32, #tpu.memory_space<vmem>> -> memref<2000xf32, #tpu.memory_space<vmem>>
      %dma_start3A_83 = arith.constant 0 : i32
      %dma_start3A_84 = tpu.memref_slice %arg4[%run_scoped3A, %add3A_30, %dma_start3A_83] : memref<50x32x2000xf32, #tpu.memory_space<hbm>> -> memref<1x1x2000xf32, #tpu.memory_space<hbm>>
      %dma_start3A_85 = tpu.memref_squeeze %dma_start3A_84 : memref<1x1x2000xf32, #tpu.memory_space<hbm>> -> memref<2000xf32, #tpu.memory_space<hbm>>
      %dma_start3A_86 = arith.constant 0 : i32
      %dma_start3A_87 = tpu.memref_slice %arg4[%run_scoped3A, %add3A_30, %dma_start3A_86] : memref<50x32x2000xf32, #tpu.memory_space<hbm>> -> memref<1x1x2000xf32, #tpu.memory_space<hbm>>
      %dma_start3A_88 = tpu.memref_squeeze %dma_start3A_87 : memref<1x1x2000xf32, #tpu.memory_space<hbm>> -> memref<2000xf32, #tpu.memory_space<hbm>>
      %dma_start3A_89 = arith.constant 0 : i32
      %dma_start3A_90 = tpu.memref_slice %arg9[%dma_start3A_89] : memref<100000xf32, #tpu.memory_space<vmem>> -> memref<2000xf32, #tpu.memory_space<vmem>>
      tpu.enqueue_dma source(%dma_start3A_90 : memref<2000xf32, #tpu.memory_space<vmem>>) target(%dma_start3A_88 : memref<2000xf32, #tpu.memory_space<hbm>>) target_semaphore(%run_scoped3A_80 : memref<!tpu.dma_semaphore, #tpu.memory_space<semaphore_mem>>)
      %dma_wait3A = arith.constant 0 : i32
      %dma_wait3A_91 = tpu.memref_slice %arg9[%dma_wait3A] : memref<100000xf32, #tpu.memory_space<vmem>> -> memref<2000xf32, #tpu.memory_space<vmem>>
      %dma_wait3A_92 = arith.constant 0 : i32
      %dma_wait3A_93 = tpu.memref_slice %arg4[%run_scoped3A, %add3A_30, %dma_wait3A_92] : memref<50x32x2000xf32, #tpu.memory_space<hbm>> -> memref<1x1x2000xf32, #tpu.memory_space<hbm>>
      %dma_wait3A_94 = tpu.memref_squeeze %dma_wait3A_93 : memref<1x1x2000xf32, #tpu.memory_space<hbm>> -> memref<2000xf32, #tpu.memory_space<hbm>>
      %dma_wait3A_95 = arith.constant 0 : i32
      %dma_wait3A_96 = tpu.memref_slice %arg4[%run_scoped3A, %add3A_30, %dma_wait3A_95] : memref<50x32x2000xf32, #tpu.memory_space<hbm>> -> memref<1x1x2000xf32, #tpu.memory_space<hbm>>
      %dma_wait3A_97 = tpu.memref_squeeze %dma_wait3A_96 : memref<1x1x2000xf32, #tpu.memory_space<hbm>> -> memref<2000xf32, #tpu.memory_space<hbm>>
      %dma_wait3A_98 = arith.constant 0 : i32
      %dma_wait3A_99 = tpu.memref_slice %arg9[%dma_wait3A_98] : memref<100000xf32, #tpu.memory_space<vmem>> -> memref<2000xf32, #tpu.memory_space<vmem>>
      tpu.wait_dma2 semaphore(%run_scoped3A_80 : memref<!tpu.dma_semaphore, #tpu.memory_space<semaphore_mem>>) src(%dma_wait3A_99 : memref<2000xf32, #tpu.memory_space<vmem>>) dst(%dma_wait3A_97 : memref<2000xf32, #tpu.memory_space<hbm>>)
      tpu.yield
    }) : () -> ()
    %run_scoped3A_31 = arith.constant 1 : i32
    "tpu.region"() ({
      %run_scoped3A_80 = tpu.sem_alloc : memref<!tpu.dma_semaphore, #tpu.memory_space<semaphore_mem>>
      %dma_start3A_81 = arith.constant 2000 : i32
      %dma_start3A_82 = tpu.memref_slice %arg9[%dma_start3A_81] : memref<100000xf32, #tpu.memory_space<vmem>> -> memref<2000xf32, #tpu.memory_space<vmem>>
      %dma_start3A_83 = arith.constant 0 : i32
      %dma_start3A_84 = tpu.memref_slice %arg4[%run_scoped3A_31, %add3A_30, %dma_start3A_83] : memref<50x32x2000xf32, #tpu.memory_space<hbm>> -> memref<1x1x2000xf32, #tpu.memory_space<hbm>>
      %dma_start3A_85 = tpu.memref_squeeze %dma_start3A_84 : memref<1x1x2000xf32, #tpu.memory_space<hbm>> -> memref<2000xf32, #tpu.memory_space<hbm>>
      %dma_start3A_86 = arith.constant 0 : i32
      %dma_start3A_87 = tpu.memref_slice %arg4[%run_scoped3A_31, %add3A_30, %dma_start3A_86] : memref<50x32x2000xf32, #tpu.memory_space<hbm>> -> memref<1x1x2000xf32, #tpu.memory_space<hbm>>
      %dma_start3A_88 = tpu.memref_squeeze %dma_start3A_87 : memref<1x1x2000xf32, #tpu.memory_space<hbm>> -> memref<2000xf32, #tpu.memory_space<hbm>>
      %dma_start3A_89 = arith.constant 2000 : i32
      %dma_start3A_90 = tpu.memref_slice %arg9[%dma_start3A_89] : memref<100000xf32, #tpu.memory_space<vmem>> -> memref<2000xf32, #tpu.memory_space<vmem>>
      tpu.enqueue_dma source(%dma_start3A_90 : memref<2000xf32, #tpu.memory_space<vmem>>) target(%dma_start3A_88 : memref<2000xf32, #tpu.memory_space<hbm>>) target_semaphore(%run_scoped3A_80 : memref<!tpu.dma_semaphore, #tpu.memory_space<semaphore_mem>>)
      %dma_wait3A = arith.constant 2000 : i32
      %dma_wait3A_91 = tpu.memref_slice %arg9[%dma_wait3A] : memref<100000xf32, #tpu.memory_space<vmem>> -> memref<2000xf32, #tpu.memory_space<vmem>>
      %dma_wait3A_92 = arith.constant 0 : i32
      %dma_wait3A_93 = tpu.memref_slice %arg4[%run_scoped3A_31, %add3A_30, %dma_wait3A_92] : memref<50x32x2000xf32, #tpu.memory_space<hbm>> -> memref<1x1x2000xf32, #tpu.memory_space<hbm>>
      %dma_wait3A_94 = tpu.memref_squeeze %dma_wait3A_93 : memref<1x1x2000xf32, #tpu.memory_space<hbm>> -> memref<2000xf32, #tpu.memory_space<hbm>>
      %dma_wait3A_95 = arith.constant 0 : i32
      %dma_wait3A_96 = tpu.memref_slice %arg4[%run_scoped3A_31, %add3A_30, %dma_wait3A_95] : memref<50x32x2000xf32, #tpu.memory_space<hbm>> -> memref<1x1x2000xf32, #tpu.memory_space<hbm>>
      %dma_wait3A_97 = tpu.memref_squeeze %dma_wait3A_96 : memref<1x1x2000xf32, #tpu.memory_space<hbm>> -> memref<2000xf32, #tpu.memory_space<hbm>>
      %dma_wait3A_98 = arith.constant 2000 : i32
      %dma_wait3A_99 = tpu.memref_slice %arg9[%dma_wait3A_98] : memref<100000xf32, #tpu.memory_space<vmem>> -> memref<2000xf32, #tpu.memory_space<vmem>>
      tpu.wait_dma2 semaphore(%run_scoped3A_80 : memref<!tpu.dma_semaphore, #tpu.memory_space<semaphore_mem>>) src(%dma_wait3A_99 : memref<2000xf32, #tpu.memory_space<vmem>>) dst(%dma_wait3A_97 : memref<2000xf32, #tpu.memory_space<hbm>>)
      tpu.yield
    }) : () -> ()
    %run_scoped3A_32 = arith.constant 2 : i32
    "tpu.region"() ({
      %run_scoped3A_80 = tpu.sem_alloc : memref<!tpu.dma_semaphore, #tpu.memory_space<semaphore_mem>>
      %dma_start3A_81 = arith.constant 4000 : i32
      %dma_start3A_82 = tpu.memref_slice %arg9[%dma_start3A_81] : memref<100000xf32, #tpu.memory_space<vmem>> -> memref<2000xf32, #tpu.memory_space<vmem>>
      %dma_start3A_83 = arith.constant 0 : i32
      %dma_start3A_84 = tpu.memref_slice %arg4[%run_scoped3A_32, %add3A_30, %dma_start3A_83] : memref<50x32x2000xf32, #tpu.memory_space<hbm>> -> memref<1x1x2000xf32, #tpu.memory_space<hbm>>
      %dma_start3A_85 = tpu.memref_squeeze %dma_start3A_84 : memref<1x1x2000xf32, #tpu.memory_space<hbm>> -> memref<2000xf32, #tpu.memory_space<hbm>>
      %dma_start3A_86 = arith.constant 0 : i32
      %dma_start3A_87 = tpu.memref_slice %arg4[%run_scoped3A_32, %add3A_30, %dma_start3A_86] : memref<50x32x2000xf32, #tpu.memory_space<hbm>> -> memref<1x1x2000xf32, #tpu.memory_space<hbm>>
      %dma_start3A_88 = tpu.memref_squeeze %dma_start3A_87 : memref<1x1x2000xf32, #tpu.memory_space<hbm>> -> memref<2000xf32, #tpu.memory_space<hbm>>
      %dma_start3A_89 = arith.constant 4000 : i32
      %dma_start3A_90 = tpu.memref_slice %arg9[%dma_start3A_89] : memref<100000xf32, #tpu.memory_space<vmem>> -> memref<2000xf32, #tpu.memory_space<vmem>>
      tpu.enqueue_dma source(%dma_start3A_90 : memref<2000xf32, #tpu.memory_space<vmem>>) target(%dma_start3A_88 : memref<2000xf32, #tpu.memory_space<hbm>>) target_semaphore(%run_scoped3A_80 : memref<!tpu.dma_semaphore, #tpu.memory_space<semaphore_mem>>)
      %dma_wait3A = arith.constant 4000 : i32
      %dma_wait3A_91 = tpu.memref_slice %arg9[%dma_wait3A] : memref<100000xf32, #tpu.memory_space<vmem>> -> memref<2000xf32, #tpu.memory_space<vmem>>
      %dma_wait3A_92 = arith.constant 0 : i32
      %dma_wait3A_93 = tpu.memref_slice %arg4[%run_scoped3A_32, %add3A_30, %dma_wait3A_92] : memref<50x32x2000xf32, #tpu.memory_space<hbm>> -> memref<1x1x2000xf32, #tpu.memory_space<hbm>>
      %dma_wait3A_94 = tpu.memref_squeeze %dma_wait3A_93 : memref<1x1x2000xf32, #tpu.memory_space<hbm>> -> memref<2000xf32, #tpu.memory_space<hbm>>
      %dma_wait3A_95 = arith.constant 0 : i32
      %dma_wait3A_96 = tpu.memref_slice %arg4[%run_scoped3A_32, %add3A_30, %dma_wait3A_95] : memref<50x32x2000xf32, #tpu.memory_space<hbm>> -> memref<1x1x2000xf32, #tpu.memory_space<hbm>>
      %dma_wait3A_97 = tpu.memref_squeeze %dma_wait3A_96 : memref<1x1x2000xf32, #tpu.memory_space<hbm>> -> memref<2000xf32, #tpu.memory_space<hbm>>
      %dma_wait3A_98 = arith.constant 4000 : i32
      %dma_wait3A_99 = tpu.memref_slice %arg9[%dma_wait3A_98] : memref<100000xf32, #tpu.memory_space<vmem>> -> memref<2000xf32, #tpu.memory_space<vmem>>
      tpu.wait_dma2 semaphore(%run_scoped3A_80 : memref<!tpu.dma_semaphore, #tpu.memory_space<semaphore_mem>>) src(%dma_wait3A_99 : memref<2000xf32, #tpu.memory_space<vmem>>) dst(%dma_wait3A_97 : memref<2000xf32, #tpu.memory_space<hbm>>)
      tpu.yield
    }) : () -> ()
    %run_scoped3A_33 = arith.constant 3 : i32
    "tpu.region"() ({
      %run_scoped3A_80 = tpu.sem_alloc : memref<!tpu.dma_semaphore, #tpu.memory_space<semaphore_mem>>
      %dma_start3A_81 = arith.constant 6000 : i32
      %dma_start3A_82 = tpu.memref_slice %arg9[%dma_start3A_81] : memref<100000xf32, #tpu.memory_space<vmem>> -> memref<2000xf32, #tpu.memory_space<vmem>>
      %dma_start3A_83 = arith.constant 0 : i32
      %dma_start3A_84 = tpu.memref_slice %arg4[%run_scoped3A_33, %add3A_30, %dma_start3A_83] : memref<50x32x2000xf32, #tpu.memory_space<hbm>> -> memref<1x1x2000xf32, #tpu.memory_space<hbm>>
      %dma_start3A_85 = tpu.memref_squeeze %dma_start3A_84 : memref<1x1x2000xf32, #tpu.memory_space<hbm>> -> memref<2000xf32, #tpu.memory_space<hbm>>
      %dma_start3A_86 = arith.constant 0 : i32
      %dma_start3A_87 = tpu.memref_slice %arg4[%run_scoped3A_33, %add3A_30, %dma_start3A_86] : memref<50x32x2000xf32, #tpu.memory_space<hbm>> -> memref<1x1x2000xf32, #tpu.memory_space<hbm>>
      %dma_start3A_88 = tpu.memref_squeeze %dma_start3A_87 : memref<1x1x2000xf32, #tpu.memory_space<hbm>> -> memref<2000xf32, #tpu.memory_space<hbm>>
      %dma_start3A_89 = arith.constant 6000 : i32
      %dma_start3A_90 = tpu.memref_slice %arg9[%dma_start3A_89] : memref<100000xf32, #tpu.memory_space<vmem>> -> memref<2000xf32, #tpu.memory_space<vmem>>
      tpu.enqueue_dma source(%dma_start3A_90 : memref<2000xf32, #tpu.memory_space<vmem>>) target(%dma_start3A_88 : memref<2000xf32, #tpu.memory_space<hbm>>) target_semaphore(%run_scoped3A_80 : memref<!tpu.dma_semaphore, #tpu.memory_space<semaphore_mem>>)
      %dma_wait3A = arith.constant 6000 : i32
      %dma_wait3A_91 = tpu.memref_slice %arg9[%dma_wait3A] : memref<100000xf32, #tpu.memory_space<vmem>> -> memref<2000xf32, #tpu.memory_space<vmem>>
      %dma_wait3A_92 = arith.constant 0 : i32
      %dma_wait3A_93 = tpu.memref_slice %arg4[%run_scoped3A_33, %add3A_30, %dma_wait3A_92] : memref<50x32x2000xf32, #tpu.memory_space<hbm>> -> memref<1x1x2000xf32, #tpu.memory_space<hbm>>
      %dma_wait3A_94 = tpu.memref_squeeze %dma_wait3A_93 : memref<1x1x2000xf32, #tpu.memory_space<hbm>> -> memref<2000xf32, #tpu.memory_space<hbm>>
      %dma_wait3A_95 = arith.constant 0 : i32
      %dma_wait3A_96 = tpu.memref_slice %arg4[%run_scoped3A_33, %add3A_30, %dma_wait3A_95] : memref<50x32x2000xf32, #tpu.memory_space<hbm>> -> memref<1x1x2000xf32, #tpu.memory_space<hbm>>
      %dma_wait3A_97 = tpu.memref_squeeze %dma_wait3A_96 : memref<1x1x2000xf32, #tpu.memory_space<hbm>> -> memref<2000xf32, #tpu.memory_space<hbm>>
      %dma_wait3A_98 = arith.constant 6000 : i32
      %dma_wait3A_99 = tpu.memref_slice %arg9[%dma_wait3A_98] : memref<100000xf32, #tpu.memory_space<vmem>> -> memref<2000xf32, #tpu.memory_space<vmem>>
      tpu.wait_dma2 semaphore(%run_scoped3A_80 : memref<!tpu.dma_semaphore, #tpu.memory_space<semaphore_mem>>) src(%dma_wait3A_99 : memref<2000xf32, #tpu.memory_space<vmem>>) dst(%dma_wait3A_97 : memref<2000xf32, #tpu.memory_space<hbm>>)
      tpu.yield
    }) : () -> ()
    %run_scoped3A_34 = arith.constant 4 : i32
    "tpu.region"() ({
      %run_scoped3A_80 = tpu.sem_alloc : memref<!tpu.dma_semaphore, #tpu.memory_space<semaphore_mem>>
      %dma_start3A_81 = arith.constant 8000 : i32
      %dma_start3A_82 = tpu.memref_slice %arg9[%dma_start3A_81] : memref<100000xf32, #tpu.memory_space<vmem>> -> memref<2000xf32, #tpu.memory_space<vmem>>
      %dma_start3A_83 = arith.constant 0 : i32
      %dma_start3A_84 = tpu.memref_slice %arg4[%run_scoped3A_34, %add3A_30, %dma_start3A_83] : memref<50x32x2000xf32, #tpu.memory_space<hbm>> -> memref<1x1x2000xf32, #tpu.memory_space<hbm>>
      %dma_start3A_85 = tpu.memref_squeeze %dma_start3A_84 : memref<1x1x2000xf32, #tpu.memory_space<hbm>> -> memref<2000xf32, #tpu.memory_space<hbm>>
      %dma_start3A_86 = arith.constant 0 : i32
      %dma_start3A_87 = tpu.memref_slice %arg4[%run_scoped3A_34, %add3A_30, %dma_start3A_86] : memref<50x32x2000xf32, #tpu.memory_space<hbm>> -> memref<1x1x2000xf32, #tpu.memory_space<hbm>>
      %dma_start3A_88 = tpu.memref_squeeze %dma_start3A_87 : memref<1x1x2000xf32, #tpu.memory_space<hbm>> -> memref<2000xf32, #tpu.memory_space<hbm>>
      %dma_start3A_89 = arith.constant 8000 : i32
      %dma_start3A_90 = tpu.memref_slice %arg9[%dma_start3A_89] : memref<100000xf32, #tpu.memory_space<vmem>> -> memref<2000xf32, #tpu.memory_space<vmem>>
      tpu.enqueue_dma source(%dma_start3A_90 : memref<2000xf32, #tpu.memory_space<vmem>>) target(%dma_start3A_88 : memref<2000xf32, #tpu.memory_space<hbm>>) target_semaphore(%run_scoped3A_80 : memref<!tpu.dma_semaphore, #tpu.memory_space<semaphore_mem>>)
      %dma_wait3A = arith.constant 8000 : i32
      %dma_wait3A_91 = tpu.memref_slice %arg9[%dma_wait3A] : memref<100000xf32, #tpu.memory_space<vmem>> -> memref<2000xf32, #tpu.memory_space<vmem>>
      %dma_wait3A_92 = arith.constant 0 : i32
      %dma_wait3A_93 = tpu.memref_slice %arg4[%run_scoped3A_34, %add3A_30, %dma_wait3A_92] : memref<50x32x2000xf32, #tpu.memory_space<hbm>> -> memref<1x1x2000xf32, #tpu.memory_space<hbm>>
      %dma_wait3A_94 = tpu.memref_squeeze %dma_wait3A_93 : memref<1x1x2000xf32, #tpu.memory_space<hbm>> -> memref<2000xf32, #tpu.memory_space<hbm>>
      %dma_wait3A_95 = arith.constant 0 : i32
      %dma_wait3A_96 = tpu.memref_slice %arg4[%run_scoped3A_34, %add3A_30, %dma_wait3A_95] : memref<50x32x2000xf32, #tpu.memory_space<hbm>> -> memref<1x1x2000xf32, #tpu.memory_space<hbm>>
      %dma_wait3A_97 = tpu.memref_squeeze %dma_wait3A_96 : memref<1x1x2000xf32, #tpu.memory_space<hbm>> -> memref<2000xf32, #tpu.memory_space<hbm>>
      %dma_wait3A_98 = arith.constant 8000 : i32
      %dma_wait3A_99 = tpu.memref_slice %arg9[%dma_wait3A_98] : memref<100000xf32, #tpu.memory_space<vmem>> -> memref<2000xf32, #tpu.memory_space<vmem>>
      tpu.wait_dma2 semaphore(%run_scoped3A_80 : memref<!tpu.dma_semaphore, #tpu.memory_space<semaphore_mem>>) src(%dma_wait3A_99 : memref<2000xf32, #tpu.memory_space<vmem>>) dst(%dma_wait3A_97 : memref<2000xf32, #tpu.memory_space<hbm>>)
      tpu.yield
    }) : () -> ()
    %run_scoped3A_35 = arith.constant 5 : i32
    "tpu.region"() ({
      %run_scoped3A_80 = tpu.sem_alloc : memref<!tpu.dma_semaphore, #tpu.memory_space<semaphore_mem>>
      %dma_start3A_81 = arith.constant 10000 : i32
      %dma_start3A_82 = tpu.memref_slice %arg9[%dma_start3A_81] : memref<100000xf32, #tpu.memory_space<vmem>> -> memref<2000xf32, #tpu.memory_space<vmem>>
      %dma_start3A_83 = arith.constant 0 : i32
      %dma_start3A_84 = tpu.memref_slice %arg4[%run_scoped3A_35, %add3A_30, %dma_start3A_83] : memref<50x32x2000xf32, #tpu.memory_space<hbm>> -> memref<1x1x2000xf32, #tpu.memory_space<hbm>>
      %dma_start3A_85 = tpu.memref_squeeze %dma_start3A_84 : memref<1x1x2000xf32, #tpu.memory_space<hbm>> -> memref<2000xf32, #tpu.memory_space<hbm>>
      %dma_start3A_86 = arith.constant 0 : i32
      %dma_start3A_87 = tpu.memref_slice %arg4[%run_scoped3A_35, %add3A_30, %dma_start3A_86] : memref<50x32x2000xf32, #tpu.memory_space<hbm>> -> memref<1x1x2000xf32, #tpu.memory_space<hbm>>
      %dma_start3A_88 = tpu.memref_squeeze %dma_start3A_87 : memref<1x1x2000xf32, #tpu.memory_space<hbm>> -> memref<2000xf32, #tpu.memory_space<hbm>>
      %dma_start3A_89 = arith.constant 10000 : i32
      %dma_start3A_90 = tpu.memref_slice %arg9[%dma_start3A_89] : memref<100000xf32, #tpu.memory_space<vmem>> -> memref<2000xf32, #tpu.memory_space<vmem>>
      tpu.enqueue_dma source(%dma_start3A_90 : memref<2000xf32, #tpu.memory_space<vmem>>) target(%dma_start3A_88 : memref<2000xf32, #tpu.memory_space<hbm>>) target_semaphore(%run_scoped3A_80 : memref<!tpu.dma_semaphore, #tpu.memory_space<semaphore_mem>>)
      %dma_wait3A = arith.constant 10000 : i32
      %dma_wait3A_91 = tpu.memref_slice %arg9[%dma_wait3A] : memref<100000xf32, #tpu.memory_space<vmem>> -> memref<2000xf32, #tpu.memory_space<vmem>>
      %dma_wait3A_92 = arith.constant 0 : i32
      %dma_wait3A_93 = tpu.memref_slice %arg4[%run_scoped3A_35, %add3A_30, %dma_wait3A_92] : memref<50x32x2000xf32, #tpu.memory_space<hbm>> -> memref<1x1x2000xf32, #tpu.memory_space<hbm>>
      %dma_wait3A_94 = tpu.memref_squeeze %dma_wait3A_93 : memref<1x1x2000xf32, #tpu.memory_space<hbm>> -> memref<2000xf32, #tpu.memory_space<hbm>>
      %dma_wait3A_95 = arith.constant 0 : i32
      %dma_wait3A_96 = tpu.memref_slice %arg4[%run_scoped3A_35, %add3A_30, %dma_wait3A_95] : memref<50x32x2000xf32, #tpu.memory_space<hbm>> -> memref<1x1x2000xf32, #tpu.memory_space<hbm>>
      %dma_wait3A_97 = tpu.memref_squeeze %dma_wait3A_96 : memref<1x1x2000xf32, #tpu.memory_space<hbm>> -> memref<2000xf32, #tpu.memory_space<hbm>>
      %dma_wait3A_98 = arith.constant 10000 : i32
      %dma_wait3A_99 = tpu.memref_slice %arg9[%dma_wait3A_98] : memref<100000xf32, #tpu.memory_space<vmem>> -> memref<2000xf32, #tpu.memory_space<vmem>>
      tpu.wait_dma2 semaphore(%run_scoped3A_80 : memref<!tpu.dma_semaphore, #tpu.memory_space<semaphore_mem>>) src(%dma_wait3A_99 : memref<2000xf32, #tpu.memory_space<vmem>>) dst(%dma_wait3A_97 : memref<2000xf32, #tpu.memory_space<hbm>>)
      tpu.yield
    }) : () -> ()
    %run_scoped3A_36 = arith.constant 6 : i32
    "tpu.region"() ({
      %run_scoped3A_80 = tpu.sem_alloc : memref<!tpu.dma_semaphore, #tpu.memory_space<semaphore_mem>>
      %dma_start3A_81 = arith.constant 12000 : i32
      %dma_start3A_82 = tpu.memref_slice %arg9[%dma_start3A_81] : memref<100000xf32, #tpu.memory_space<vmem>> -> memref<2000xf32, #tpu.memory_space<vmem>>
      %dma_start3A_83 = arith.constant 0 : i32
      %dma_start3A_84 = tpu.memref_slice %arg4[%run_scoped3A_36, %add3A_30, %dma_start3A_83] : memref<50x32x2000xf32, #tpu.memory_space<hbm>> -> memref<1x1x2000xf32, #tpu.memory_space<hbm>>
      %dma_start3A_85 = tpu.memref_squeeze %dma_start3A_84 : memref<1x1x2000xf32, #tpu.memory_space<hbm>> -> memref<2000xf32, #tpu.memory_space<hbm>>
      %dma_start3A_86 = arith.constant 0 : i32
      %dma_start3A_87 = tpu.memref_slice %arg4[%run_scoped3A_36, %add3A_30, %dma_start3A_86] : memref<50x32x2000xf32, #tpu.memory_space<hbm>> -> memref<1x1x2000xf32, #tpu.memory_space<hbm>>
      %dma_start3A_88 = tpu.memref_squeeze %dma_start3A_87 : memref<1x1x2000xf32, #tpu.memory_space<hbm>> -> memref<2000xf32, #tpu.memory_space<hbm>>
      %dma_start3A_89 = arith.constant 12000 : i32
      %dma_start3A_90 = tpu.memref_slice %arg9[%dma_start3A_89] : memref<100000xf32, #tpu.memory_space<vmem>> -> memref<2000xf32, #tpu.memory_space<vmem>>
      tpu.enqueue_dma source(%dma_start3A_90 : memref<2000xf32, #tpu.memory_space<vmem>>) target(%dma_start3A_88 : memref<2000xf32, #tpu.memory_space<hbm>>) target_semaphore(%run_scoped3A_80 : memref<!tpu.dma_semaphore, #tpu.memory_space<semaphore_mem>>)
      %dma_wait3A = arith.constant 12000 : i32
      %dma_wait3A_91 = tpu.memref_slice %arg9[%dma_wait3A] : memref<100000xf32, #tpu.memory_space<vmem>> -> memref<2000xf32, #tpu.memory_space<vmem>>
      %dma_wait3A_92 = arith.constant 0 : i32
      %dma_wait3A_93 = tpu.memref_slice %arg4[%run_scoped3A_36, %add3A_30, %dma_wait3A_92] : memref<50x32x2000xf32, #tpu.memory_space<hbm>> -> memref<1x1x2000xf32, #tpu.memory_space<hbm>>
      %dma_wait3A_94 = tpu.memref_squeeze %dma_wait3A_93 : memref<1x1x2000xf32, #tpu.memory_space<hbm>> -> memref<2000xf32, #tpu.memory_space<hbm>>
      %dma_wait3A_95 = arith.constant 0 : i32
      %dma_wait3A_96 = tpu.memref_slice %arg4[%run_scoped3A_36, %add3A_30, %dma_wait3A_95] : memref<50x32x2000xf32, #tpu.memory_space<hbm>> -> memref<1x1x2000xf32, #tpu.memory_space<hbm>>
      %dma_wait3A_97 = tpu.memref_squeeze %dma_wait3A_96 : memref<1x1x2000xf32, #tpu.memory_space<hbm>> -> memref<2000xf32, #tpu.memory_space<hbm>>
      %dma_wait3A_98 = arith.constant 12000 : i32
      %dma_wait3A_99 = tpu.memref_slice %arg9[%dma_wait3A_98] : memref<100000xf32, #tpu.memory_space<vmem>> -> memref<2000xf32, #tpu.memory_space<vmem>>
      tpu.wait_dma2 semaphore(%run_scoped3A_80 : memref<!tpu.dma_semaphore, #tpu.memory_space<semaphore_mem>>) src(%dma_wait3A_99 : memref<2000xf32, #tpu.memory_space<vmem>>) dst(%dma_wait3A_97 : memref<2000xf32, #tpu.memory_space<hbm>>)
      tpu.yield
    }) : () -> ()
    %run_scoped3A_37 = arith.constant 7 : i32
    "tpu.region"() ({
      %run_scoped3A_80 = tpu.sem_alloc : memref<!tpu.dma_semaphore, #tpu.memory_space<semaphore_mem>>
      %dma_start3A_81 = arith.constant 14000 : i32
      %dma_start3A_82 = tpu.memref_slice %arg9[%dma_start3A_81] : memref<100000xf32, #tpu.memory_space<vmem>> -> memref<2000xf32, #tpu.memory_space<vmem>>
      %dma_start3A_83 = arith.constant 0 : i32
      %dma_start3A_84 = tpu.memref_slice %arg4[%run_scoped3A_37, %add3A_30, %dma_start3A_83] : memref<50x32x2000xf32, #tpu.memory_space<hbm>> -> memref<1x1x2000xf32, #tpu.memory_space<hbm>>
      %dma_start3A_85 = tpu.memref_squeeze %dma_start3A_84 : memref<1x1x2000xf32, #tpu.memory_space<hbm>> -> memref<2000xf32, #tpu.memory_space<hbm>>
      %dma_start3A_86 = arith.constant 0 : i32
      %dma_start3A_87 = tpu.memref_slice %arg4[%run_scoped3A_37, %add3A_30, %dma_start3A_86] : memref<50x32x2000xf32, #tpu.memory_space<hbm>> -> memref<1x1x2000xf32, #tpu.memory_space<hbm>>
      %dma_start3A_88 = tpu.memref_squeeze %dma_start3A_87 : memref<1x1x2000xf32, #tpu.memory_space<hbm>> -> memref<2000xf32, #tpu.memory_space<hbm>>
      %dma_start3A_89 = arith.constant 14000 : i32
      %dma_start3A_90 = tpu.memref_slice %arg9[%dma_start3A_89] : memref<100000xf32, #tpu.memory_space<vmem>> -> memref<2000xf32, #tpu.memory_space<vmem>>
      tpu.enqueue_dma source(%dma_start3A_90 : memref<2000xf32, #tpu.memory_space<vmem>>) target(%dma_start3A_88 : memref<2000xf32, #tpu.memory_space<hbm>>) target_semaphore(%run_scoped3A_80 : memref<!tpu.dma_semaphore, #tpu.memory_space<semaphore_mem>>)
      %dma_wait3A = arith.constant 14000 : i32
      %dma_wait3A_91 = tpu.memref_slice %arg9[%dma_wait3A] : memref<100000xf32, #tpu.memory_space<vmem>> -> memref<2000xf32, #tpu.memory_space<vmem>>
      %dma_wait3A_92 = arith.constant 0 : i32
      %dma_wait3A_93 = tpu.memref_slice %arg4[%run_scoped3A_37, %add3A_30, %dma_wait3A_92] : memref<50x32x2000xf32, #tpu.memory_space<hbm>> -> memref<1x1x2000xf32, #tpu.memory_space<hbm>>
      %dma_wait3A_94 = tpu.memref_squeeze %dma_wait3A_93 : memref<1x1x2000xf32, #tpu.memory_space<hbm>> -> memref<2000xf32, #tpu.memory_space<hbm>>
      %dma_wait3A_95 = arith.constant 0 : i32
      %dma_wait3A_96 = tpu.memref_slice %arg4[%run_scoped3A_37, %add3A_30, %dma_wait3A_95] : memref<50x32x2000xf32, #tpu.memory_space<hbm>> -> memref<1x1x2000xf32, #tpu.memory_space<hbm>>
      %dma_wait3A_97 = tpu.memref_squeeze %dma_wait3A_96 : memref<1x1x2000xf32, #tpu.memory_space<hbm>> -> memref<2000xf32, #tpu.memory_space<hbm>>
      %dma_wait3A_98 = arith.constant 14000 : i32
      %dma_wait3A_99 = tpu.memref_slice %arg9[%dma_wait3A_98] : memref<100000xf32, #tpu.memory_space<vmem>> -> memref<2000xf32, #tpu.memory_space<vmem>>
      tpu.wait_dma2 semaphore(%run_scoped3A_80 : memref<!tpu.dma_semaphore, #tpu.memory_space<semaphore_mem>>) src(%dma_wait3A_99 : memref<2000xf32, #tpu.memory_space<vmem>>) dst(%dma_wait3A_97 : memref<2000xf32, #tpu.memory_space<hbm>>)
      tpu.yield
    }) : () -> ()
    %run_scoped3A_38 = arith.constant 8 : i32
    "tpu.region"() ({
      %run_scoped3A_80 = tpu.sem_alloc : memref<!tpu.dma_semaphore, #tpu.memory_space<semaphore_mem>>
      %dma_start3A_81 = arith.constant 16000 : i32
      %dma_start3A_82 = tpu.memref_slice %arg9[%dma_start3A_81] : memref<100000xf32, #tpu.memory_space<vmem>> -> memref<2000xf32, #tpu.memory_space<vmem>>
      %dma_start3A_83 = arith.constant 0 : i32
      %dma_start3A_84 = tpu.memref_slice %arg4[%run_scoped3A_38, %add3A_30, %dma_start3A_83] : memref<50x32x2000xf32, #tpu.memory_space<hbm>> -> memref<1x1x2000xf32, #tpu.memory_space<hbm>>
      %dma_start3A_85 = tpu.memref_squeeze %dma_start3A_84 : memref<1x1x2000xf32, #tpu.memory_space<hbm>> -> memref<2000xf32, #tpu.memory_space<hbm>>
      %dma_start3A_86 = arith.constant 0 : i32
      %dma_start3A_87 = tpu.memref_slice %arg4[%run_scoped3A_38, %add3A_30, %dma_start3A_86] : memref<50x32x2000xf32, #tpu.memory_space<hbm>> -> memref<1x1x2000xf32, #tpu.memory_space<hbm>>
      %dma_start3A_88 = tpu.memref_squeeze %dma_start3A_87 : memref<1x1x2000xf32, #tpu.memory_space<hbm>> -> memref<2000xf32, #tpu.memory_space<hbm>>
      %dma_start3A_89 = arith.constant 16000 : i32
      %dma_start3A_90 = tpu.memref_slice %arg9[%dma_start3A_89] : memref<100000xf32, #tpu.memory_space<vmem>> -> memref<2000xf32, #tpu.memory_space<vmem>>
      tpu.enqueue_dma source(%dma_start3A_90 : memref<2000xf32, #tpu.memory_space<vmem>>) target(%dma_start3A_88 : memref<2000xf32, #tpu.memory_space<hbm>>) target_semaphore(%run_scoped3A_80 : memref<!tpu.dma_semaphore, #tpu.memory_space<semaphore_mem>>)
      %dma_wait3A = arith.constant 16000 : i32
      %dma_wait3A_91 = tpu.memref_slice %arg9[%dma_wait3A] : memref<100000xf32, #tpu.memory_space<vmem>> -> memref<2000xf32, #tpu.memory_space<vmem>>
      %dma_wait3A_92 = arith.constant 0 : i32
      %dma_wait3A_93 = tpu.memref_slice %arg4[%run_scoped3A_38, %add3A_30, %dma_wait3A_92] : memref<50x32x2000xf32, #tpu.memory_space<hbm>> -> memref<1x1x2000xf32, #tpu.memory_space<hbm>>
      %dma_wait3A_94 = tpu.memref_squeeze %dma_wait3A_93 : memref<1x1x2000xf32, #tpu.memory_space<hbm>> -> memref<2000xf32, #tpu.memory_space<hbm>>
      %dma_wait3A_95 = arith.constant 0 : i32
      %dma_wait3A_96 = tpu.memref_slice %arg4[%run_scoped3A_38, %add3A_30, %dma_wait3A_95] : memref<50x32x2000xf32, #tpu.memory_space<hbm>> -> memref<1x1x2000xf32, #tpu.memory_space<hbm>>
      %dma_wait3A_97 = tpu.memref_squeeze %dma_wait3A_96 : memref<1x1x2000xf32, #tpu.memory_space<hbm>> -> memref<2000xf32, #tpu.memory_space<hbm>>
      %dma_wait3A_98 = arith.constant 16000 : i32
      %dma_wait3A_99 = tpu.memref_slice %arg9[%dma_wait3A_98] : memref<100000xf32, #tpu.memory_space<vmem>> -> memref<2000xf32, #tpu.memory_space<vmem>>
      tpu.wait_dma2 semaphore(%run_scoped3A_80 : memref<!tpu.dma_semaphore, #tpu.memory_space<semaphore_mem>>) src(%dma_wait3A_99 : memref<2000xf32, #tpu.memory_space<vmem>>) dst(%dma_wait3A_97 : memref<2000xf32, #tpu.memory_space<hbm>>)
      tpu.yield
    }) : () -> ()
    %run_scoped3A_39 = arith.constant 9 : i32
    "tpu.region"() ({
      %run_scoped3A_80 = tpu.sem_alloc : memref<!tpu.dma_semaphore, #tpu.memory_space<semaphore_mem>>
      %dma_start3A_81 = arith.constant 18000 : i32
      %dma_start3A_82 = tpu.memref_slice %arg9[%dma_start3A_81] : memref<100000xf32, #tpu.memory_space<vmem>> -> memref<2000xf32, #tpu.memory_space<vmem>>
      %dma_start3A_83 = arith.constant 0 : i32
      %dma_start3A_84 = tpu.memref_slice %arg4[%run_scoped3A_39, %add3A_30, %dma_start3A_83] : memref<50x32x2000xf32, #tpu.memory_space<hbm>> -> memref<1x1x2000xf32, #tpu.memory_space<hbm>>
      %dma_start3A_85 = tpu.memref_squeeze %dma_start3A_84 : memref<1x1x2000xf32, #tpu.memory_space<hbm>> -> memref<2000xf32, #tpu.memory_space<hbm>>
      %dma_start3A_86 = arith.constant 0 : i32
      %dma_start3A_87 = tpu.memref_slice %arg4[%run_scoped3A_39, %add3A_30, %dma_start3A_86] : memref<50x32x2000xf32, #tpu.memory_space<hbm>> -> memref<1x1x2000xf32, #tpu.memory_space<hbm>>
      %dma_start3A_88 = tpu.memref_squeeze %dma_start3A_87 : memref<1x1x2000xf32, #tpu.memory_space<hbm>> -> memref<2000xf32, #tpu.memory_space<hbm>>
      %dma_start3A_89 = arith.constant 18000 : i32
      %dma_start3A_90 = tpu.memref_slice %arg9[%dma_start3A_89] : memref<100000xf32, #tpu.memory_space<vmem>> -> memref<2000xf32, #tpu.memory_space<vmem>>
      tpu.enqueue_dma source(%dma_start3A_90 : memref<2000xf32, #tpu.memory_space<vmem>>) target(%dma_start3A_88 : memref<2000xf32, #tpu.memory_space<hbm>>) target_semaphore(%run_scoped3A_80 : memref<!tpu.dma_semaphore, #tpu.memory_space<semaphore_mem>>)
      %dma_wait3A = arith.constant 18000 : i32
      %dma_wait3A_91 = tpu.memref_slice %arg9[%dma_wait3A] : memref<100000xf32, #tpu.memory_space<vmem>> -> memref<2000xf32, #tpu.memory_space<vmem>>
      %dma_wait3A_92 = arith.constant 0 : i32
      %dma_wait3A_93 = tpu.memref_slice %arg4[%run_scoped3A_39, %add3A_30, %dma_wait3A_92] : memref<50x32x2000xf32, #tpu.memory_space<hbm>> -> memref<1x1x2000xf32, #tpu.memory_space<hbm>>
      %dma_wait3A_94 = tpu.memref_squeeze %dma_wait3A_93 : memref<1x1x2000xf32, #tpu.memory_space<hbm>> -> memref<2000xf32, #tpu.memory_space<hbm>>
      %dma_wait3A_95 = arith.constant 0 : i32
      %dma_wait3A_96 = tpu.memref_slice %arg4[%run_scoped3A_39, %add3A_30, %dma_wait3A_95] : memref<50x32x2000xf32, #tpu.memory_space<hbm>> -> memref<1x1x2000xf32, #tpu.memory_space<hbm>>
      %dma_wait3A_97 = tpu.memref_squeeze %dma_wait3A_96 : memref<1x1x2000xf32, #tpu.memory_space<hbm>> -> memref<2000xf32, #tpu.memory_space<hbm>>
      %dma_wait3A_98 = arith.constant 18000 : i32
      %dma_wait3A_99 = tpu.memref_slice %arg9[%dma_wait3A_98] : memref<100000xf32, #tpu.memory_space<vmem>> -> memref<2000xf32, #tpu.memory_space<vmem>>
      tpu.wait_dma2 semaphore(%run_scoped3A_80 : memref<!tpu.dma_semaphore, #tpu.memory_space<semaphore_mem>>) src(%dma_wait3A_99 : memref<2000xf32, #tpu.memory_space<vmem>>) dst(%dma_wait3A_97 : memref<2000xf32, #tpu.memory_space<hbm>>)
      tpu.yield
    }) : () -> ()
    %run_scoped3A_40 = arith.constant 10 : i32
    "tpu.region"() ({
      %run_scoped3A_80 = tpu.sem_alloc : memref<!tpu.dma_semaphore, #tpu.memory_space<semaphore_mem>>
      %dma_start3A_81 = arith.constant 20000 : i32
      %dma_start3A_82 = tpu.memref_slice %arg9[%dma_start3A_81] : memref<100000xf32, #tpu.memory_space<vmem>> -> memref<2000xf32, #tpu.memory_space<vmem>>
      %dma_start3A_83 = arith.constant 0 : i32
      %dma_start3A_84 = tpu.memref_slice %arg4[%run_scoped3A_40, %add3A_30, %dma_start3A_83] : memref<50x32x2000xf32, #tpu.memory_space<hbm>> -> memref<1x1x2000xf32, #tpu.memory_space<hbm>>
      %dma_start3A_85 = tpu.memref_squeeze %dma_start3A_84 : memref<1x1x2000xf32, #tpu.memory_space<hbm>> -> memref<2000xf32, #tpu.memory_space<hbm>>
      %dma_start3A_86 = arith.constant 0 : i32
      %dma_start3A_87 = tpu.memref_slice %arg4[%run_scoped3A_40, %add3A_30, %dma_start3A_86] : memref<50x32x2000xf32, #tpu.memory_space<hbm>> -> memref<1x1x2000xf32, #tpu.memory_space<hbm>>
      %dma_start3A_88 = tpu.memref_squeeze %dma_start3A_87 : memref<1x1x2000xf32, #tpu.memory_space<hbm>> -> memref<2000xf32, #tpu.memory_space<hbm>>
      %dma_start3A_89 = arith.constant 20000 : i32
      %dma_start3A_90 = tpu.memref_slice %arg9[%dma_start3A_89] : memref<100000xf32, #tpu.memory_space<vmem>> -> memref<2000xf32, #tpu.memory_space<vmem>>
      tpu.enqueue_dma source(%dma_start3A_90 : memref<2000xf32, #tpu.memory_space<vmem>>) target(%dma_start3A_88 : memref<2000xf32, #tpu.memory_space<hbm>>) target_semaphore(%run_scoped3A_80 : memref<!tpu.dma_semaphore, #tpu.memory_space<semaphore_mem>>)
      %dma_wait3A = arith.constant 20000 : i32
      %dma_wait3A_91 = tpu.memref_slice %arg9[%dma_wait3A] : memref<100000xf32, #tpu.memory_space<vmem>> -> memref<2000xf32, #tpu.memory_space<vmem>>
      %dma_wait3A_92 = arith.constant 0 : i32
      %dma_wait3A_93 = tpu.memref_slice %arg4[%run_scoped3A_40, %add3A_30, %dma_wait3A_92] : memref<50x32x2000xf32, #tpu.memory_space<hbm>> -> memref<1x1x2000xf32, #tpu.memory_space<hbm>>
      %dma_wait3A_94 = tpu.memref_squeeze %dma_wait3A_93 : memref<1x1x2000xf32, #tpu.memory_space<hbm>> -> memref<2000xf32, #tpu.memory_space<hbm>>
      %dma_wait3A_95 = arith.constant 0 : i32
      %dma_wait3A_96 = tpu.memref_slice %arg4[%run_scoped3A_40, %add3A_30, %dma_wait3A_95] : memref<50x32x2000xf32, #tpu.memory_space<hbm>> -> memref<1x1x2000xf32, #tpu.memory_space<hbm>>
      %dma_wait3A_97 = tpu.memref_squeeze %dma_wait3A_96 : memref<1x1x2000xf32, #tpu.memory_space<hbm>> -> memref<2000xf32, #tpu.memory_space<hbm>>
      %dma_wait3A_98 = arith.constant 20000 : i32
      %dma_wait3A_99 = tpu.memref_slice %arg9[%dma_wait3A_98] : memref<100000xf32, #tpu.memory_space<vmem>> -> memref<2000xf32, #tpu.memory_space<vmem>>
      tpu.wait_dma2 semaphore(%run_scoped3A_80 : memref<!tpu.dma_semaphore, #tpu.memory_space<semaphore_mem>>) src(%dma_wait3A_99 : memref<2000xf32, #tpu.memory_space<vmem>>) dst(%dma_wait3A_97 : memref<2000xf32, #tpu.memory_space<hbm>>)
      tpu.yield
    }) : () -> ()
    %run_scoped3A_41 = arith.constant 11 : i32
    "tpu.region"() ({
      %run_scoped3A_80 = tpu.sem_alloc : memref<!tpu.dma_semaphore, #tpu.memory_space<semaphore_mem>>
      %dma_start3A_81 = arith.constant 22000 : i32
      %dma_start3A_82 = tpu.memref_slice %arg9[%dma_start3A_81] : memref<100000xf32, #tpu.memory_space<vmem>> -> memref<2000xf32, #tpu.memory_space<vmem>>
      %dma_start3A_83 = arith.constant 0 : i32
      %dma_start3A_84 = tpu.memref_slice %arg4[%run_scoped3A_41, %add3A_30, %dma_start3A_83] : memref<50x32x2000xf32, #tpu.memory_space<hbm>> -> memref<1x1x2000xf32, #tpu.memory_space<hbm>>
      %dma_start3A_85 = tpu.memref_squeeze %dma_start3A_84 : memref<1x1x2000xf32, #tpu.memory_space<hbm>> -> memref<2000xf32, #tpu.memory_space<hbm>>
      %dma_start3A_86 = arith.constant 0 : i32
      %dma_start3A_87 = tpu.memref_slice %arg4[%run_scoped3A_41, %add3A_30, %dma_start3A_86] : memref<50x32x2000xf32, #tpu.memory_space<hbm>> -> memref<1x1x2000xf32, #tpu.memory_space<hbm>>
      %dma_start3A_88 = tpu.memref_squeeze %dma_start3A_87 : memref<1x1x2000xf32, #tpu.memory_space<hbm>> -> memref<2000xf32, #tpu.memory_space<hbm>>
      %dma_start3A_89 = arith.constant 22000 : i32
      %dma_start3A_90 = tpu.memref_slice %arg9[%dma_start3A_89] : memref<100000xf32, #tpu.memory_space<vmem>> -> memref<2000xf32, #tpu.memory_space<vmem>>
      tpu.enqueue_dma source(%dma_start3A_90 : memref<2000xf32, #tpu.memory_space<vmem>>) target(%dma_start3A_88 : memref<2000xf32, #tpu.memory_space<hbm>>) target_semaphore(%run_scoped3A_80 : memref<!tpu.dma_semaphore, #tpu.memory_space<semaphore_mem>>)
      %dma_wait3A = arith.constant 22000 : i32
      %dma_wait3A_91 = tpu.memref_slice %arg9[%dma_wait3A] : memref<100000xf32, #tpu.memory_space<vmem>> -> memref<2000xf32, #tpu.memory_space<vmem>>
      %dma_wait3A_92 = arith.constant 0 : i32
      %dma_wait3A_93 = tpu.memref_slice %arg4[%run_scoped3A_41, %add3A_30, %dma_wait3A_92] : memref<50x32x2000xf32, #tpu.memory_space<hbm>> -> memref<1x1x2000xf32, #tpu.memory_space<hbm>>
      %dma_wait3A_94 = tpu.memref_squeeze %dma_wait3A_93 : memref<1x1x2000xf32, #tpu.memory_space<hbm>> -> memref<2000xf32, #tpu.memory_space<hbm>>
      %dma_wait3A_95 = arith.constant 0 : i32
      %dma_wait3A_96 = tpu.memref_slice %arg4[%run_scoped3A_41, %add3A_30, %dma_wait3A_95] : memref<50x32x2000xf32, #tpu.memory_space<hbm>> -> memref<1x1x2000xf32, #tpu.memory_space<hbm>>
      %dma_wait3A_97 = tpu.memref_squeeze %dma_wait3A_96 : memref<1x1x2000xf32, #tpu.memory_space<hbm>> -> memref<2000xf32, #tpu.memory_space<hbm>>
      %dma_wait3A_98 = arith.constant 22000 : i32
      %dma_wait3A_99 = tpu.memref_slice %arg9[%dma_wait3A_98] : memref<100000xf32, #tpu.memory_space<vmem>> -> memref<2000xf32, #tpu.memory_space<vmem>>
      tpu.wait_dma2 semaphore(%run_scoped3A_80 : memref<!tpu.dma_semaphore, #tpu.memory_space<semaphore_mem>>) src(%dma_wait3A_99 : memref<2000xf32, #tpu.memory_space<vmem>>) dst(%dma_wait3A_97 : memref<2000xf32, #tpu.memory_space<hbm>>)
      tpu.yield
    }) : () -> ()
    %run_scoped3A_42 = arith.constant 12 : i32
    "tpu.region"() ({
      %run_scoped3A_80 = tpu.sem_alloc : memref<!tpu.dma_semaphore, #tpu.memory_space<semaphore_mem>>
      %dma_start3A_81 = arith.constant 24000 : i32
      %dma_start3A_82 = tpu.memref_slice %arg9[%dma_start3A_81] : memref<100000xf32, #tpu.memory_space<vmem>> -> memref<2000xf32, #tpu.memory_space<vmem>>
      %dma_start3A_83 = arith.constant 0 : i32
      %dma_start3A_84 = tpu.memref_slice %arg4[%run_scoped3A_42, %add3A_30, %dma_start3A_83] : memref<50x32x2000xf32, #tpu.memory_space<hbm>> -> memref<1x1x2000xf32, #tpu.memory_space<hbm>>
      %dma_start3A_85 = tpu.memref_squeeze %dma_start3A_84 : memref<1x1x2000xf32, #tpu.memory_space<hbm>> -> memref<2000xf32, #tpu.memory_space<hbm>>
      %dma_start3A_86 = arith.constant 0 : i32
      %dma_start3A_87 = tpu.memref_slice %arg4[%run_scoped3A_42, %add3A_30, %dma_start3A_86] : memref<50x32x2000xf32, #tpu.memory_space<hbm>> -> memref<1x1x2000xf32, #tpu.memory_space<hbm>>
      %dma_start3A_88 = tpu.memref_squeeze %dma_start3A_87 : memref<1x1x2000xf32, #tpu.memory_space<hbm>> -> memref<2000xf32, #tpu.memory_space<hbm>>
      %dma_start3A_89 = arith.constant 24000 : i32
      %dma_start3A_90 = tpu.memref_slice %arg9[%dma_start3A_89] : memref<100000xf32, #tpu.memory_space<vmem>> -> memref<2000xf32, #tpu.memory_space<vmem>>
      tpu.enqueue_dma source(%dma_start3A_90 : memref<2000xf32, #tpu.memory_space<vmem>>) target(%dma_start3A_88 : memref<2000xf32, #tpu.memory_space<hbm>>) target_semaphore(%run_scoped3A_80 : memref<!tpu.dma_semaphore, #tpu.memory_space<semaphore_mem>>)
      %dma_wait3A = arith.constant 24000 : i32
      %dma_wait3A_91 = tpu.memref_slice %arg9[%dma_wait3A] : memref<100000xf32, #tpu.memory_space<vmem>> -> memref<2000xf32, #tpu.memory_space<vmem>>
      %dma_wait3A_92 = arith.constant 0 : i32
      %dma_wait3A_93 = tpu.memref_slice %arg4[%run_scoped3A_42, %add3A_30, %dma_wait3A_92] : memref<50x32x2000xf32, #tpu.memory_space<hbm>> -> memref<1x1x2000xf32, #tpu.memory_space<hbm>>
      %dma_wait3A_94 = tpu.memref_squeeze %dma_wait3A_93 : memref<1x1x2000xf32, #tpu.memory_space<hbm>> -> memref<2000xf32, #tpu.memory_space<hbm>>
      %dma_wait3A_95 = arith.constant 0 : i32
      %dma_wait3A_96 = tpu.memref_slice %arg4[%run_scoped3A_42, %add3A_30, %dma_wait3A_95] : memref<50x32x2000xf32, #tpu.memory_space<hbm>> -> memref<1x1x2000xf32, #tpu.memory_space<hbm>>
      %dma_wait3A_97 = tpu.memref_squeeze %dma_wait3A_96 : memref<1x1x2000xf32, #tpu.memory_space<hbm>> -> memref<2000xf32, #tpu.memory_space<hbm>>
      %dma_wait3A_98 = arith.constant 24000 : i32
      %dma_wait3A_99 = tpu.memref_slice %arg9[%dma_wait3A_98] : memref<100000xf32, #tpu.memory_space<vmem>> -> memref<2000xf32, #tpu.memory_space<vmem>>
      tpu.wait_dma2 semaphore(%run_scoped3A_80 : memref<!tpu.dma_semaphore, #tpu.memory_space<semaphore_mem>>) src(%dma_wait3A_99 : memref<2000xf32, #tpu.memory_space<vmem>>) dst(%dma_wait3A_97 : memref<2000xf32, #tpu.memory_space<hbm>>)
      tpu.yield
    }) : () -> ()
    %run_scoped3A_43 = arith.constant 13 : i32
    "tpu.region"() ({
      %run_scoped3A_80 = tpu.sem_alloc : memref<!tpu.dma_semaphore, #tpu.memory_space<semaphore_mem>>
      %dma_start3A_81 = arith.constant 26000 : i32
      %dma_start3A_82 = tpu.memref_slice %arg9[%dma_start3A_81] : memref<100000xf32, #tpu.memory_space<vmem>> -> memref<2000xf32, #tpu.memory_space<vmem>>
      %dma_start3A_83 = arith.constant 0 : i32
      %dma_start3A_84 = tpu.memref_slice %arg4[%run_scoped3A_43, %add3A_30, %dma_start3A_83] : memref<50x32x2000xf32, #tpu.memory_space<hbm>> -> memref<1x1x2000xf32, #tpu.memory_space<hbm>>
      %dma_start3A_85 = tpu.memref_squeeze %dma_start3A_84 : memref<1x1x2000xf32, #tpu.memory_space<hbm>> -> memref<2000xf32, #tpu.memory_space<hbm>>
      %dma_start3A_86 = arith.constant 0 : i32
      %dma_start3A_87 = tpu.memref_slice %arg4[%run_scoped3A_43, %add3A_30, %dma_start3A_86] : memref<50x32x2000xf32, #tpu.memory_space<hbm>> -> memref<1x1x2000xf32, #tpu.memory_space<hbm>>
      %dma_start3A_88 = tpu.memref_squeeze %dma_start3A_87 : memref<1x1x2000xf32, #tpu.memory_space<hbm>> -> memref<2000xf32, #tpu.memory_space<hbm>>
      %dma_start3A_89 = arith.constant 26000 : i32
      %dma_start3A_90 = tpu.memref_slice %arg9[%dma_start3A_89] : memref<100000xf32, #tpu.memory_space<vmem>> -> memref<2000xf32, #tpu.memory_space<vmem>>
      tpu.enqueue_dma source(%dma_start3A_90 : memref<2000xf32, #tpu.memory_space<vmem>>) target(%dma_start3A_88 : memref<2000xf32, #tpu.memory_space<hbm>>) target_semaphore(%run_scoped3A_80 : memref<!tpu.dma_semaphore, #tpu.memory_space<semaphore_mem>>)
      %dma_wait3A = arith.constant 26000 : i32
      %dma_wait3A_91 = tpu.memref_slice %arg9[%dma_wait3A] : memref<100000xf32, #tpu.memory_space<vmem>> -> memref<2000xf32, #tpu.memory_space<vmem>>
      %dma_wait3A_92 = arith.constant 0 : i32
      %dma_wait3A_93 = tpu.memref_slice %arg4[%run_scoped3A_43, %add3A_30, %dma_wait3A_92] : memref<50x32x2000xf32, #tpu.memory_space<hbm>> -> memref<1x1x2000xf32, #tpu.memory_space<hbm>>
      %dma_wait3A_94 = tpu.memref_squeeze %dma_wait3A_93 : memref<1x1x2000xf32, #tpu.memory_space<hbm>> -> memref<2000xf32, #tpu.memory_space<hbm>>
      %dma_wait3A_95 = arith.constant 0 : i32
      %dma_wait3A_96 = tpu.memref_slice %arg4[%run_scoped3A_43, %add3A_30, %dma_wait3A_95] : memref<50x32x2000xf32, #tpu.memory_space<hbm>> -> memref<1x1x2000xf32, #tpu.memory_space<hbm>>
      %dma_wait3A_97 = tpu.memref_squeeze %dma_wait3A_96 : memref<1x1x2000xf32, #tpu.memory_space<hbm>> -> memref<2000xf32, #tpu.memory_space<hbm>>
      %dma_wait3A_98 = arith.constant 26000 : i32
      %dma_wait3A_99 = tpu.memref_slice %arg9[%dma_wait3A_98] : memref<100000xf32, #tpu.memory_space<vmem>> -> memref<2000xf32, #tpu.memory_space<vmem>>
      tpu.wait_dma2 semaphore(%run_scoped3A_80 : memref<!tpu.dma_semaphore, #tpu.memory_space<semaphore_mem>>) src(%dma_wait3A_99 : memref<2000xf32, #tpu.memory_space<vmem>>) dst(%dma_wait3A_97 : memref<2000xf32, #tpu.memory_space<hbm>>)
      tpu.yield
    }) : () -> ()
    %run_scoped3A_44 = arith.constant 14 : i32
    "tpu.region"() ({
      %run_scoped3A_80 = tpu.sem_alloc : memref<!tpu.dma_semaphore, #tpu.memory_space<semaphore_mem>>
      %dma_start3A_81 = arith.constant 28000 : i32
      %dma_start3A_82 = tpu.memref_slice %arg9[%dma_start3A_81] : memref<100000xf32, #tpu.memory_space<vmem>> -> memref<2000xf32, #tpu.memory_space<vmem>>
      %dma_start3A_83 = arith.constant 0 : i32
      %dma_start3A_84 = tpu.memref_slice %arg4[%run_scoped3A_44, %add3A_30, %dma_start3A_83] : memref<50x32x2000xf32, #tpu.memory_space<hbm>> -> memref<1x1x2000xf32, #tpu.memory_space<hbm>>
      %dma_start3A_85 = tpu.memref_squeeze %dma_start3A_84 : memref<1x1x2000xf32, #tpu.memory_space<hbm>> -> memref<2000xf32, #tpu.memory_space<hbm>>
      %dma_start3A_86 = arith.constant 0 : i32
      %dma_start3A_87 = tpu.memref_slice %arg4[%run_scoped3A_44, %add3A_30, %dma_start3A_86] : memref<50x32x2000xf32, #tpu.memory_space<hbm>> -> memref<1x1x2000xf32, #tpu.memory_space<hbm>>
      %dma_start3A_88 = tpu.memref_squeeze %dma_start3A_87 : memref<1x1x2000xf32, #tpu.memory_space<hbm>> -> memref<2000xf32, #tpu.memory_space<hbm>>
      %dma_start3A_89 = arith.constant 28000 : i32
      %dma_start3A_90 = tpu.memref_slice %arg9[%dma_start3A_89] : memref<100000xf32, #tpu.memory_space<vmem>> -> memref<2000xf32, #tpu.memory_space<vmem>>
      tpu.enqueue_dma source(%dma_start3A_90 : memref<2000xf32, #tpu.memory_space<vmem>>) target(%dma_start3A_88 : memref<2000xf32, #tpu.memory_space<hbm>>) target_semaphore(%run_scoped3A_80 : memref<!tpu.dma_semaphore, #tpu.memory_space<semaphore_mem>>)
      %dma_wait3A = arith.constant 28000 : i32
      %dma_wait3A_91 = tpu.memref_slice %arg9[%dma_wait3A] : memref<100000xf32, #tpu.memory_space<vmem>> -> memref<2000xf32, #tpu.memory_space<vmem>>
      %dma_wait3A_92 = arith.constant 0 : i32
      %dma_wait3A_93 = tpu.memref_slice %arg4[%run_scoped3A_44, %add3A_30, %dma_wait3A_92] : memref<50x32x2000xf32, #tpu.memory_space<hbm>> -> memref<1x1x2000xf32, #tpu.memory_space<hbm>>
      %dma_wait3A_94 = tpu.memref_squeeze %dma_wait3A_93 : memref<1x1x2000xf32, #tpu.memory_space<hbm>> -> memref<2000xf32, #tpu.memory_space<hbm>>
      %dma_wait3A_95 = arith.constant 0 : i32
      %dma_wait3A_96 = tpu.memref_slice %arg4[%run_scoped3A_44, %add3A_30, %dma_wait3A_95] : memref<50x32x2000xf32, #tpu.memory_space<hbm>> -> memref<1x1x2000xf32, #tpu.memory_space<hbm>>
      %dma_wait3A_97 = tpu.memref_squeeze %dma_wait3A_96 : memref<1x1x2000xf32, #tpu.memory_space<hbm>> -> memref<2000xf32, #tpu.memory_space<hbm>>
      %dma_wait3A_98 = arith.constant 28000 : i32
      %dma_wait3A_99 = tpu.memref_slice %arg9[%dma_wait3A_98] : memref<100000xf32, #tpu.memory_space<vmem>> -> memref<2000xf32, #tpu.memory_space<vmem>>
      tpu.wait_dma2 semaphore(%run_scoped3A_80 : memref<!tpu.dma_semaphore, #tpu.memory_space<semaphore_mem>>) src(%dma_wait3A_99 : memref<2000xf32, #tpu.memory_space<vmem>>) dst(%dma_wait3A_97 : memref<2000xf32, #tpu.memory_space<hbm>>)
      tpu.yield
    }) : () -> ()
    %run_scoped3A_45 = arith.constant 15 : i32
    "tpu.region"() ({
      %run_scoped3A_80 = tpu.sem_alloc : memref<!tpu.dma_semaphore, #tpu.memory_space<semaphore_mem>>
      %dma_start3A_81 = arith.constant 30000 : i32
      %dma_start3A_82 = tpu.memref_slice %arg9[%dma_start3A_81] : memref<100000xf32, #tpu.memory_space<vmem>> -> memref<2000xf32, #tpu.memory_space<vmem>>
      %dma_start3A_83 = arith.constant 0 : i32
      %dma_start3A_84 = tpu.memref_slice %arg4[%run_scoped3A_45, %add3A_30, %dma_start3A_83] : memref<50x32x2000xf32, #tpu.memory_space<hbm>> -> memref<1x1x2000xf32, #tpu.memory_space<hbm>>
      %dma_start3A_85 = tpu.memref_squeeze %dma_start3A_84 : memref<1x1x2000xf32, #tpu.memory_space<hbm>> -> memref<2000xf32, #tpu.memory_space<hbm>>
      %dma_start3A_86 = arith.constant 0 : i32
      %dma_start3A_87 = tpu.memref_slice %arg4[%run_scoped3A_45, %add3A_30, %dma_start3A_86] : memref<50x32x2000xf32, #tpu.memory_space<hbm>> -> memref<1x1x2000xf32, #tpu.memory_space<hbm>>
      %dma_start3A_88 = tpu.memref_squeeze %dma_start3A_87 : memref<1x1x2000xf32, #tpu.memory_space<hbm>> -> memref<2000xf32, #tpu.memory_space<hbm>>
      %dma_start3A_89 = arith.constant 30000 : i32
      %dma_start3A_90 = tpu.memref_slice %arg9[%dma_start3A_89] : memref<100000xf32, #tpu.memory_space<vmem>> -> memref<2000xf32, #tpu.memory_space<vmem>>
      tpu.enqueue_dma source(%dma_start3A_90 : memref<2000xf32, #tpu.memory_space<vmem>>) target(%dma_start3A_88 : memref<2000xf32, #tpu.memory_space<hbm>>) target_semaphore(%run_scoped3A_80 : memref<!tpu.dma_semaphore, #tpu.memory_space<semaphore_mem>>)
      %dma_wait3A = arith.constant 30000 : i32
      %dma_wait3A_91 = tpu.memref_slice %arg9[%dma_wait3A] : memref<100000xf32, #tpu.memory_space<vmem>> -> memref<2000xf32, #tpu.memory_space<vmem>>
      %dma_wait3A_92 = arith.constant 0 : i32
      %dma_wait3A_93 = tpu.memref_slice %arg4[%run_scoped3A_45, %add3A_30, %dma_wait3A_92] : memref<50x32x2000xf32, #tpu.memory_space<hbm>> -> memref<1x1x2000xf32, #tpu.memory_space<hbm>>
      %dma_wait3A_94 = tpu.memref_squeeze %dma_wait3A_93 : memref<1x1x2000xf32, #tpu.memory_space<hbm>> -> memref<2000xf32, #tpu.memory_space<hbm>>
      %dma_wait3A_95 = arith.constant 0 : i32
      %dma_wait3A_96 = tpu.memref_slice %arg4[%run_scoped3A_45, %add3A_30, %dma_wait3A_95] : memref<50x32x2000xf32, #tpu.memory_space<hbm>> -> memref<1x1x2000xf32, #tpu.memory_space<hbm>>
      %dma_wait3A_97 = tpu.memref_squeeze %dma_wait3A_96 : memref<1x1x2000xf32, #tpu.memory_space<hbm>> -> memref<2000xf32, #tpu.memory_space<hbm>>
      %dma_wait3A_98 = arith.constant 30000 : i32
      %dma_wait3A_99 = tpu.memref_slice %arg9[%dma_wait3A_98] : memref<100000xf32, #tpu.memory_space<vmem>> -> memref<2000xf32, #tpu.memory_space<vmem>>
      tpu.wait_dma2 semaphore(%run_scoped3A_80 : memref<!tpu.dma_semaphore, #tpu.memory_space<semaphore_mem>>) src(%dma_wait3A_99 : memref<2000xf32, #tpu.memory_space<vmem>>) dst(%dma_wait3A_97 : memref<2000xf32, #tpu.memory_space<hbm>>)
      tpu.yield
    }) : () -> ()
    %run_scoped3A_46 = arith.constant 16 : i32
    "tpu.region"() ({
      %run_scoped3A_80 = tpu.sem_alloc : memref<!tpu.dma_semaphore, #tpu.memory_space<semaphore_mem>>
      %dma_start3A_81 = arith.constant 32000 : i32
      %dma_start3A_82 = tpu.memref_slice %arg9[%dma_start3A_81] : memref<100000xf32, #tpu.memory_space<vmem>> -> memref<2000xf32, #tpu.memory_space<vmem>>
      %dma_start3A_83 = arith.constant 0 : i32
      %dma_start3A_84 = tpu.memref_slice %arg4[%run_scoped3A_46, %add3A_30, %dma_start3A_83] : memref<50x32x2000xf32, #tpu.memory_space<hbm>> -> memref<1x1x2000xf32, #tpu.memory_space<hbm>>
      %dma_start3A_85 = tpu.memref_squeeze %dma_start3A_84 : memref<1x1x2000xf32, #tpu.memory_space<hbm>> -> memref<2000xf32, #tpu.memory_space<hbm>>
      %dma_start3A_86 = arith.constant 0 : i32
      %dma_start3A_87 = tpu.memref_slice %arg4[%run_scoped3A_46, %add3A_30, %dma_start3A_86] : memref<50x32x2000xf32, #tpu.memory_space<hbm>> -> memref<1x1x2000xf32, #tpu.memory_space<hbm>>
      %dma_start3A_88 = tpu.memref_squeeze %dma_start3A_87 : memref<1x1x2000xf32, #tpu.memory_space<hbm>> -> memref<2000xf32, #tpu.memory_space<hbm>>
      %dma_start3A_89 = arith.constant 32000 : i32
      %dma_start3A_90 = tpu.memref_slice %arg9[%dma_start3A_89] : memref<100000xf32, #tpu.memory_space<vmem>> -> memref<2000xf32, #tpu.memory_space<vmem>>
      tpu.enqueue_dma source(%dma_start3A_90 : memref<2000xf32, #tpu.memory_space<vmem>>) target(%dma_start3A_88 : memref<2000xf32, #tpu.memory_space<hbm>>) target_semaphore(%run_scoped3A_80 : memref<!tpu.dma_semaphore, #tpu.memory_space<semaphore_mem>>)
      %dma_wait3A = arith.constant 32000 : i32
      %dma_wait3A_91 = tpu.memref_slice %arg9[%dma_wait3A] : memref<100000xf32, #tpu.memory_space<vmem>> -> memref<2000xf32, #tpu.memory_space<vmem>>
      %dma_wait3A_92 = arith.constant 0 : i32
      %dma_wait3A_93 = tpu.memref_slice %arg4[%run_scoped3A_46, %add3A_30, %dma_wait3A_92] : memref<50x32x2000xf32, #tpu.memory_space<hbm>> -> memref<1x1x2000xf32, #tpu.memory_space<hbm>>
      %dma_wait3A_94 = tpu.memref_squeeze %dma_wait3A_93 : memref<1x1x2000xf32, #tpu.memory_space<hbm>> -> memref<2000xf32, #tpu.memory_space<hbm>>
      %dma_wait3A_95 = arith.constant 0 : i32
      %dma_wait3A_96 = tpu.memref_slice %arg4[%run_scoped3A_46, %add3A_30, %dma_wait3A_95] : memref<50x32x2000xf32, #tpu.memory_space<hbm>> -> memref<1x1x2000xf32, #tpu.memory_space<hbm>>
      %dma_wait3A_97 = tpu.memref_squeeze %dma_wait3A_96 : memref<1x1x2000xf32, #tpu.memory_space<hbm>> -> memref<2000xf32, #tpu.memory_space<hbm>>
      %dma_wait3A_98 = arith.constant 32000 : i32
      %dma_wait3A_99 = tpu.memref_slice %arg9[%dma_wait3A_98] : memref<100000xf32, #tpu.memory_space<vmem>> -> memref<2000xf32, #tpu.memory_space<vmem>>
      tpu.wait_dma2 semaphore(%run_scoped3A_80 : memref<!tpu.dma_semaphore, #tpu.memory_space<semaphore_mem>>) src(%dma_wait3A_99 : memref<2000xf32, #tpu.memory_space<vmem>>) dst(%dma_wait3A_97 : memref<2000xf32, #tpu.memory_space<hbm>>)
      tpu.yield
    }) : () -> ()
    %run_scoped3A_47 = arith.constant 17 : i32
    "tpu.region"() ({
      %run_scoped3A_80 = tpu.sem_alloc : memref<!tpu.dma_semaphore, #tpu.memory_space<semaphore_mem>>
      %dma_start3A_81 = arith.constant 34000 : i32
      %dma_start3A_82 = tpu.memref_slice %arg9[%dma_start3A_81] : memref<100000xf32, #tpu.memory_space<vmem>> -> memref<2000xf32, #tpu.memory_space<vmem>>
      %dma_start3A_83 = arith.constant 0 : i32
      %dma_start3A_84 = tpu.memref_slice %arg4[%run_scoped3A_47, %add3A_30, %dma_start3A_83] : memref<50x32x2000xf32, #tpu.memory_space<hbm>> -> memref<1x1x2000xf32, #tpu.memory_space<hbm>>
      %dma_start3A_85 = tpu.memref_squeeze %dma_start3A_84 : memref<1x1x2000xf32, #tpu.memory_space<hbm>> -> memref<2000xf32, #tpu.memory_space<hbm>>
      %dma_start3A_86 = arith.constant 0 : i32
      %dma_start3A_87 = tpu.memref_slice %arg4[%run_scoped3A_47, %add3A_30, %dma_start3A_86] : memref<50x32x2000xf32, #tpu.memory_space<hbm>> -> memref<1x1x2000xf32, #tpu.memory_space<hbm>>
      %dma_start3A_88 = tpu.memref_squeeze %dma_start3A_87 : memref<1x1x2000xf32, #tpu.memory_space<hbm>> -> memref<2000xf32, #tpu.memory_space<hbm>>
      %dma_start3A_89 = arith.constant 34000 : i32
      %dma_start3A_90 = tpu.memref_slice %arg9[%dma_start3A_89] : memref<100000xf32, #tpu.memory_space<vmem>> -> memref<2000xf32, #tpu.memory_space<vmem>>
      tpu.enqueue_dma source(%dma_start3A_90 : memref<2000xf32, #tpu.memory_space<vmem>>) target(%dma_start3A_88 : memref<2000xf32, #tpu.memory_space<hbm>>) target_semaphore(%run_scoped3A_80 : memref<!tpu.dma_semaphore, #tpu.memory_space<semaphore_mem>>)
      %dma_wait3A = arith.constant 34000 : i32
      %dma_wait3A_91 = tpu.memref_slice %arg9[%dma_wait3A] : memref<100000xf32, #tpu.memory_space<vmem>> -> memref<2000xf32, #tpu.memory_space<vmem>>
      %dma_wait3A_92 = arith.constant 0 : i32
      %dma_wait3A_93 = tpu.memref_slice %arg4[%run_scoped3A_47, %add3A_30, %dma_wait3A_92] : memref<50x32x2000xf32, #tpu.memory_space<hbm>> -> memref<1x1x2000xf32, #tpu.memory_space<hbm>>
      %dma_wait3A_94 = tpu.memref_squeeze %dma_wait3A_93 : memref<1x1x2000xf32, #tpu.memory_space<hbm>> -> memref<2000xf32, #tpu.memory_space<hbm>>
      %dma_wait3A_95 = arith.constant 0 : i32
      %dma_wait3A_96 = tpu.memref_slice %arg4[%run_scoped3A_47, %add3A_30, %dma_wait3A_95] : memref<50x32x2000xf32, #tpu.memory_space<hbm>> -> memref<1x1x2000xf32, #tpu.memory_space<hbm>>
      %dma_wait3A_97 = tpu.memref_squeeze %dma_wait3A_96 : memref<1x1x2000xf32, #tpu.memory_space<hbm>> -> memref<2000xf32, #tpu.memory_space<hbm>>
      %dma_wait3A_98 = arith.constant 34000 : i32
      %dma_wait3A_99 = tpu.memref_slice %arg9[%dma_wait3A_98] : memref<100000xf32, #tpu.memory_space<vmem>> -> memref<2000xf32, #tpu.memory_space<vmem>>
      tpu.wait_dma2 semaphore(%run_scoped3A_80 : memref<!tpu.dma_semaphore, #tpu.memory_space<semaphore_mem>>) src(%dma_wait3A_99 : memref<2000xf32, #tpu.memory_space<vmem>>) dst(%dma_wait3A_97 : memref<2000xf32, #tpu.memory_space<hbm>>)
      tpu.yield
    }) : () -> ()
    %run_scoped3A_48 = arith.constant 18 : i32
    "tpu.region"() ({
      %run_scoped3A_80 = tpu.sem_alloc : memref<!tpu.dma_semaphore, #tpu.memory_space<semaphore_mem>>
      %dma_start3A_81 = arith.constant 36000 : i32
      %dma_start3A_82 = tpu.memref_slice %arg9[%dma_start3A_81] : memref<100000xf32, #tpu.memory_space<vmem>> -> memref<2000xf32, #tpu.memory_space<vmem>>
      %dma_start3A_83 = arith.constant 0 : i32
      %dma_start3A_84 = tpu.memref_slice %arg4[%run_scoped3A_48, %add3A_30, %dma_start3A_83] : memref<50x32x2000xf32, #tpu.memory_space<hbm>> -> memref<1x1x2000xf32, #tpu.memory_space<hbm>>
      %dma_start3A_85 = tpu.memref_squeeze %dma_start3A_84 : memref<1x1x2000xf32, #tpu.memory_space<hbm>> -> memref<2000xf32, #tpu.memory_space<hbm>>
      %dma_start3A_86 = arith.constant 0 : i32
      %dma_start3A_87 = tpu.memref_slice %arg4[%run_scoped3A_48, %add3A_30, %dma_start3A_86] : memref<50x32x2000xf32, #tpu.memory_space<hbm>> -> memref<1x1x2000xf32, #tpu.memory_space<hbm>>
      %dma_start3A_88 = tpu.memref_squeeze %dma_start3A_87 : memref<1x1x2000xf32, #tpu.memory_space<hbm>> -> memref<2000xf32, #tpu.memory_space<hbm>>
      %dma_start3A_89 = arith.constant 36000 : i32
      %dma_start3A_90 = tpu.memref_slice %arg9[%dma_start3A_89] : memref<100000xf32, #tpu.memory_space<vmem>> -> memref<2000xf32, #tpu.memory_space<vmem>>
      tpu.enqueue_dma source(%dma_start3A_90 : memref<2000xf32, #tpu.memory_space<vmem>>) target(%dma_start3A_88 : memref<2000xf32, #tpu.memory_space<hbm>>) target_semaphore(%run_scoped3A_80 : memref<!tpu.dma_semaphore, #tpu.memory_space<semaphore_mem>>)
      %dma_wait3A = arith.constant 36000 : i32
      %dma_wait3A_91 = tpu.memref_slice %arg9[%dma_wait3A] : memref<100000xf32, #tpu.memory_space<vmem>> -> memref<2000xf32, #tpu.memory_space<vmem>>
      %dma_wait3A_92 = arith.constant 0 : i32
      %dma_wait3A_93 = tpu.memref_slice %arg4[%run_scoped3A_48, %add3A_30, %dma_wait3A_92] : memref<50x32x2000xf32, #tpu.memory_space<hbm>> -> memref<1x1x2000xf32, #tpu.memory_space<hbm>>
      %dma_wait3A_94 = tpu.memref_squeeze %dma_wait3A_93 : memref<1x1x2000xf32, #tpu.memory_space<hbm>> -> memref<2000xf32, #tpu.memory_space<hbm>>
      %dma_wait3A_95 = arith.constant 0 : i32
      %dma_wait3A_96 = tpu.memref_slice %arg4[%run_scoped3A_48, %add3A_30, %dma_wait3A_95] : memref<50x32x2000xf32, #tpu.memory_space<hbm>> -> memref<1x1x2000xf32, #tpu.memory_space<hbm>>
      %dma_wait3A_97 = tpu.memref_squeeze %dma_wait3A_96 : memref<1x1x2000xf32, #tpu.memory_space<hbm>> -> memref<2000xf32, #tpu.memory_space<hbm>>
      %dma_wait3A_98 = arith.constant 36000 : i32
      %dma_wait3A_99 = tpu.memref_slice %arg9[%dma_wait3A_98] : memref<100000xf32, #tpu.memory_space<vmem>> -> memref<2000xf32, #tpu.memory_space<vmem>>
      tpu.wait_dma2 semaphore(%run_scoped3A_80 : memref<!tpu.dma_semaphore, #tpu.memory_space<semaphore_mem>>) src(%dma_wait3A_99 : memref<2000xf32, #tpu.memory_space<vmem>>) dst(%dma_wait3A_97 : memref<2000xf32, #tpu.memory_space<hbm>>)
      tpu.yield
    }) : () -> ()
    %run_scoped3A_49 = arith.constant 19 : i32
    "tpu.region"() ({
      %run_scoped3A_80 = tpu.sem_alloc : memref<!tpu.dma_semaphore, #tpu.memory_space<semaphore_mem>>
      %dma_start3A_81 = arith.constant 38000 : i32
      %dma_start3A_82 = tpu.memref_slice %arg9[%dma_start3A_81] : memref<100000xf32, #tpu.memory_space<vmem>> -> memref<2000xf32, #tpu.memory_space<vmem>>
      %dma_start3A_83 = arith.constant 0 : i32
      %dma_start3A_84 = tpu.memref_slice %arg4[%run_scoped3A_49, %add3A_30, %dma_start3A_83] : memref<50x32x2000xf32, #tpu.memory_space<hbm>> -> memref<1x1x2000xf32, #tpu.memory_space<hbm>>
      %dma_start3A_85 = tpu.memref_squeeze %dma_start3A_84 : memref<1x1x2000xf32, #tpu.memory_space<hbm>> -> memref<2000xf32, #tpu.memory_space<hbm>>
      %dma_start3A_86 = arith.constant 0 : i32
      %dma_start3A_87 = tpu.memref_slice %arg4[%run_scoped3A_49, %add3A_30, %dma_start3A_86] : memref<50x32x2000xf32, #tpu.memory_space<hbm>> -> memref<1x1x2000xf32, #tpu.memory_space<hbm>>
      %dma_start3A_88 = tpu.memref_squeeze %dma_start3A_87 : memref<1x1x2000xf32, #tpu.memory_space<hbm>> -> memref<2000xf32, #tpu.memory_space<hbm>>
      %dma_start3A_89 = arith.constant 38000 : i32
      %dma_start3A_90 = tpu.memref_slice %arg9[%dma_start3A_89] : memref<100000xf32, #tpu.memory_space<vmem>> -> memref<2000xf32, #tpu.memory_space<vmem>>
      tpu.enqueue_dma source(%dma_start3A_90 : memref<2000xf32, #tpu.memory_space<vmem>>) target(%dma_start3A_88 : memref<2000xf32, #tpu.memory_space<hbm>>) target_semaphore(%run_scoped3A_80 : memref<!tpu.dma_semaphore, #tpu.memory_space<semaphore_mem>>)
      %dma_wait3A = arith.constant 38000 : i32
      %dma_wait3A_91 = tpu.memref_slice %arg9[%dma_wait3A] : memref<100000xf32, #tpu.memory_space<vmem>> -> memref<2000xf32, #tpu.memory_space<vmem>>
      %dma_wait3A_92 = arith.constant 0 : i32
      %dma_wait3A_93 = tpu.memref_slice %arg4[%run_scoped3A_49, %add3A_30, %dma_wait3A_92] : memref<50x32x2000xf32, #tpu.memory_space<hbm>> -> memref<1x1x2000xf32, #tpu.memory_space<hbm>>
      %dma_wait3A_94 = tpu.memref_squeeze %dma_wait3A_93 : memref<1x1x2000xf32, #tpu.memory_space<hbm>> -> memref<2000xf32, #tpu.memory_space<hbm>>
      %dma_wait3A_95 = arith.constant 0 : i32
      %dma_wait3A_96 = tpu.memref_slice %arg4[%run_scoped3A_49, %add3A_30, %dma_wait3A_95] : memref<50x32x2000xf32, #tpu.memory_space<hbm>> -> memref<1x1x2000xf32, #tpu.memory_space<hbm>>
      %dma_wait3A_97 = tpu.memref_squeeze %dma_wait3A_96 : memref<1x1x2000xf32, #tpu.memory_space<hbm>> -> memref<2000xf32, #tpu.memory_space<hbm>>
      %dma_wait3A_98 = arith.constant 38000 : i32
      %dma_wait3A_99 = tpu.memref_slice %arg9[%dma_wait3A_98] : memref<100000xf32, #tpu.memory_space<vmem>> -> memref<2000xf32, #tpu.memory_space<vmem>>
      tpu.wait_dma2 semaphore(%run_scoped3A_80 : memref<!tpu.dma_semaphore, #tpu.memory_space<semaphore_mem>>) src(%dma_wait3A_99 : memref<2000xf32, #tpu.memory_space<vmem>>) dst(%dma_wait3A_97 : memref<2000xf32, #tpu.memory_space<hbm>>)
      tpu.yield
    }) : () -> ()
    %run_scoped3A_50 = arith.constant 20 : i32
    "tpu.region"() ({
      %run_scoped3A_80 = tpu.sem_alloc : memref<!tpu.dma_semaphore, #tpu.memory_space<semaphore_mem>>
      %dma_start3A_81 = arith.constant 40000 : i32
      %dma_start3A_82 = tpu.memref_slice %arg9[%dma_start3A_81] : memref<100000xf32, #tpu.memory_space<vmem>> -> memref<2000xf32, #tpu.memory_space<vmem>>
      %dma_start3A_83 = arith.constant 0 : i32
      %dma_start3A_84 = tpu.memref_slice %arg4[%run_scoped3A_50, %add3A_30, %dma_start3A_83] : memref<50x32x2000xf32, #tpu.memory_space<hbm>> -> memref<1x1x2000xf32, #tpu.memory_space<hbm>>
      %dma_start3A_85 = tpu.memref_squeeze %dma_start3A_84 : memref<1x1x2000xf32, #tpu.memory_space<hbm>> -> memref<2000xf32, #tpu.memory_space<hbm>>
      %dma_start3A_86 = arith.constant 0 : i32
      %dma_start3A_87 = tpu.memref_slice %arg4[%run_scoped3A_50, %add3A_30, %dma_start3A_86] : memref<50x32x2000xf32, #tpu.memory_space<hbm>> -> memref<1x1x2000xf32, #tpu.memory_space<hbm>>
      %dma_start3A_88 = tpu.memref_squeeze %dma_start3A_87 : memref<1x1x2000xf32, #tpu.memory_space<hbm>> -> memref<2000xf32, #tpu.memory_space<hbm>>
      %dma_start3A_89 = arith.constant 40000 : i32
      %dma_start3A_90 = tpu.memref_slice %arg9[%dma_start3A_89] : memref<100000xf32, #tpu.memory_space<vmem>> -> memref<2000xf32, #tpu.memory_space<vmem>>
      tpu.enqueue_dma source(%dma_start3A_90 : memref<2000xf32, #tpu.memory_space<vmem>>) target(%dma_start3A_88 : memref<2000xf32, #tpu.memory_space<hbm>>) target_semaphore(%run_scoped3A_80 : memref<!tpu.dma_semaphore, #tpu.memory_space<semaphore_mem>>)
      %dma_wait3A = arith.constant 40000 : i32
      %dma_wait3A_91 = tpu.memref_slice %arg9[%dma_wait3A] : memref<100000xf32, #tpu.memory_space<vmem>> -> memref<2000xf32, #tpu.memory_space<vmem>>
      %dma_wait3A_92 = arith.constant 0 : i32
      %dma_wait3A_93 = tpu.memref_slice %arg4[%run_scoped3A_50, %add3A_30, %dma_wait3A_92] : memref<50x32x2000xf32, #tpu.memory_space<hbm>> -> memref<1x1x2000xf32, #tpu.memory_space<hbm>>
      %dma_wait3A_94 = tpu.memref_squeeze %dma_wait3A_93 : memref<1x1x2000xf32, #tpu.memory_space<hbm>> -> memref<2000xf32, #tpu.memory_space<hbm>>
      %dma_wait3A_95 = arith.constant 0 : i32
      %dma_wait3A_96 = tpu.memref_slice %arg4[%run_scoped3A_50, %add3A_30, %dma_wait3A_95] : memref<50x32x2000xf32, #tpu.memory_space<hbm>> -> memref<1x1x2000xf32, #tpu.memory_space<hbm>>
      %dma_wait3A_97 = tpu.memref_squeeze %dma_wait3A_96 : memref<1x1x2000xf32, #tpu.memory_space<hbm>> -> memref<2000xf32, #tpu.memory_space<hbm>>
      %dma_wait3A_98 = arith.constant 40000 : i32
      %dma_wait3A_99 = tpu.memref_slice %arg9[%dma_wait3A_98] : memref<100000xf32, #tpu.memory_space<vmem>> -> memref<2000xf32, #tpu.memory_space<vmem>>
      tpu.wait_dma2 semaphore(%run_scoped3A_80 : memref<!tpu.dma_semaphore, #tpu.memory_space<semaphore_mem>>) src(%dma_wait3A_99 : memref<2000xf32, #tpu.memory_space<vmem>>) dst(%dma_wait3A_97 : memref<2000xf32, #tpu.memory_space<hbm>>)
      tpu.yield
    }) : () -> ()
    %run_scoped3A_51 = arith.constant 21 : i32
    "tpu.region"() ({
      %run_scoped3A_80 = tpu.sem_alloc : memref<!tpu.dma_semaphore, #tpu.memory_space<semaphore_mem>>
      %dma_start3A_81 = arith.constant 42000 : i32
      %dma_start3A_82 = tpu.memref_slice %arg9[%dma_start3A_81] : memref<100000xf32, #tpu.memory_space<vmem>> -> memref<2000xf32, #tpu.memory_space<vmem>>
      %dma_start3A_83 = arith.constant 0 : i32
      %dma_start3A_84 = tpu.memref_slice %arg4[%run_scoped3A_51, %add3A_30, %dma_start3A_83] : memref<50x32x2000xf32, #tpu.memory_space<hbm>> -> memref<1x1x2000xf32, #tpu.memory_space<hbm>>
      %dma_start3A_85 = tpu.memref_squeeze %dma_start3A_84 : memref<1x1x2000xf32, #tpu.memory_space<hbm>> -> memref<2000xf32, #tpu.memory_space<hbm>>
      %dma_start3A_86 = arith.constant 0 : i32
      %dma_start3A_87 = tpu.memref_slice %arg4[%run_scoped3A_51, %add3A_30, %dma_start3A_86] : memref<50x32x2000xf32, #tpu.memory_space<hbm>> -> memref<1x1x2000xf32, #tpu.memory_space<hbm>>
      %dma_start3A_88 = tpu.memref_squeeze %dma_start3A_87 : memref<1x1x2000xf32, #tpu.memory_space<hbm>> -> memref<2000xf32, #tpu.memory_space<hbm>>
      %dma_start3A_89 = arith.constant 42000 : i32
      %dma_start3A_90 = tpu.memref_slice %arg9[%dma_start3A_89] : memref<100000xf32, #tpu.memory_space<vmem>> -> memref<2000xf32, #tpu.memory_space<vmem>>
      tpu.enqueue_dma source(%dma_start3A_90 : memref<2000xf32, #tpu.memory_space<vmem>>) target(%dma_start3A_88 : memref<2000xf32, #tpu.memory_space<hbm>>) target_semaphore(%run_scoped3A_80 : memref<!tpu.dma_semaphore, #tpu.memory_space<semaphore_mem>>)
      %dma_wait3A = arith.constant 42000 : i32
      %dma_wait3A_91 = tpu.memref_slice %arg9[%dma_wait3A] : memref<100000xf32, #tpu.memory_space<vmem>> -> memref<2000xf32, #tpu.memory_space<vmem>>
      %dma_wait3A_92 = arith.constant 0 : i32
      %dma_wait3A_93 = tpu.memref_slice %arg4[%run_scoped3A_51, %add3A_30, %dma_wait3A_92] : memref<50x32x2000xf32, #tpu.memory_space<hbm>> -> memref<1x1x2000xf32, #tpu.memory_space<hbm>>
      %dma_wait3A_94 = tpu.memref_squeeze %dma_wait3A_93 : memref<1x1x2000xf32, #tpu.memory_space<hbm>> -> memref<2000xf32, #tpu.memory_space<hbm>>
      %dma_wait3A_95 = arith.constant 0 : i32
      %dma_wait3A_96 = tpu.memref_slice %arg4[%run_scoped3A_51, %add3A_30, %dma_wait3A_95] : memref<50x32x2000xf32, #tpu.memory_space<hbm>> -> memref<1x1x2000xf32, #tpu.memory_space<hbm>>
      %dma_wait3A_97 = tpu.memref_squeeze %dma_wait3A_96 : memref<1x1x2000xf32, #tpu.memory_space<hbm>> -> memref<2000xf32, #tpu.memory_space<hbm>>
      %dma_wait3A_98 = arith.constant 42000 : i32
      %dma_wait3A_99 = tpu.memref_slice %arg9[%dma_wait3A_98] : memref<100000xf32, #tpu.memory_space<vmem>> -> memref<2000xf32, #tpu.memory_space<vmem>>
      tpu.wait_dma2 semaphore(%run_scoped3A_80 : memref<!tpu.dma_semaphore, #tpu.memory_space<semaphore_mem>>) src(%dma_wait3A_99 : memref<2000xf32, #tpu.memory_space<vmem>>) dst(%dma_wait3A_97 : memref<2000xf32, #tpu.memory_space<hbm>>)
      tpu.yield
    }) : () -> ()
    %run_scoped3A_52 = arith.constant 22 : i32
    "tpu.region"() ({
      %run_scoped3A_80 = tpu.sem_alloc : memref<!tpu.dma_semaphore, #tpu.memory_space<semaphore_mem>>
      %dma_start3A_81 = arith.constant 44000 : i32
      %dma_start3A_82 = tpu.memref_slice %arg9[%dma_start3A_81] : memref<100000xf32, #tpu.memory_space<vmem>> -> memref<2000xf32, #tpu.memory_space<vmem>>
      %dma_start3A_83 = arith.constant 0 : i32
      %dma_start3A_84 = tpu.memref_slice %arg4[%run_scoped3A_52, %add3A_30, %dma_start3A_83] : memref<50x32x2000xf32, #tpu.memory_space<hbm>> -> memref<1x1x2000xf32, #tpu.memory_space<hbm>>
      %dma_start3A_85 = tpu.memref_squeeze %dma_start3A_84 : memref<1x1x2000xf32, #tpu.memory_space<hbm>> -> memref<2000xf32, #tpu.memory_space<hbm>>
      %dma_start3A_86 = arith.constant 0 : i32
      %dma_start3A_87 = tpu.memref_slice %arg4[%run_scoped3A_52, %add3A_30, %dma_start3A_86] : memref<50x32x2000xf32, #tpu.memory_space<hbm>> -> memref<1x1x2000xf32, #tpu.memory_space<hbm>>
      %dma_start3A_88 = tpu.memref_squeeze %dma_start3A_87 : memref<1x1x2000xf32, #tpu.memory_space<hbm>> -> memref<2000xf32, #tpu.memory_space<hbm>>
      %dma_start3A_89 = arith.constant 44000 : i32
      %dma_start3A_90 = tpu.memref_slice %arg9[%dma_start3A_89] : memref<100000xf32, #tpu.memory_space<vmem>> -> memref<2000xf32, #tpu.memory_space<vmem>>
      tpu.enqueue_dma source(%dma_start3A_90 : memref<2000xf32, #tpu.memory_space<vmem>>) target(%dma_start3A_88 : memref<2000xf32, #tpu.memory_space<hbm>>) target_semaphore(%run_scoped3A_80 : memref<!tpu.dma_semaphore, #tpu.memory_space<semaphore_mem>>)
      %dma_wait3A = arith.constant 44000 : i32
      %dma_wait3A_91 = tpu.memref_slice %arg9[%dma_wait3A] : memref<100000xf32, #tpu.memory_space<vmem>> -> memref<2000xf32, #tpu.memory_space<vmem>>
      %dma_wait3A_92 = arith.constant 0 : i32
      %dma_wait3A_93 = tpu.memref_slice %arg4[%run_scoped3A_52, %add3A_30, %dma_wait3A_92] : memref<50x32x2000xf32, #tpu.memory_space<hbm>> -> memref<1x1x2000xf32, #tpu.memory_space<hbm>>
      %dma_wait3A_94 = tpu.memref_squeeze %dma_wait3A_93 : memref<1x1x2000xf32, #tpu.memory_space<hbm>> -> memref<2000xf32, #tpu.memory_space<hbm>>
      %dma_wait3A_95 = arith.constant 0 : i32
      %dma_wait3A_96 = tpu.memref_slice %arg4[%run_scoped3A_52, %add3A_30, %dma_wait3A_95] : memref<50x32x2000xf32, #tpu.memory_space<hbm>> -> memref<1x1x2000xf32, #tpu.memory_space<hbm>>
      %dma_wait3A_97 = tpu.memref_squeeze %dma_wait3A_96 : memref<1x1x2000xf32, #tpu.memory_space<hbm>> -> memref<2000xf32, #tpu.memory_space<hbm>>
      %dma_wait3A_98 = arith.constant 44000 : i32
      %dma_wait3A_99 = tpu.memref_slice %arg9[%dma_wait3A_98] : memref<100000xf32, #tpu.memory_space<vmem>> -> memref<2000xf32, #tpu.memory_space<vmem>>
      tpu.wait_dma2 semaphore(%run_scoped3A_80 : memref<!tpu.dma_semaphore, #tpu.memory_space<semaphore_mem>>) src(%dma_wait3A_99 : memref<2000xf32, #tpu.memory_space<vmem>>) dst(%dma_wait3A_97 : memref<2000xf32, #tpu.memory_space<hbm>>)
      tpu.yield
    }) : () -> ()
    %run_scoped3A_53 = arith.constant 23 : i32
    "tpu.region"() ({
      %run_scoped3A_80 = tpu.sem_alloc : memref<!tpu.dma_semaphore, #tpu.memory_space<semaphore_mem>>
      %dma_start3A_81 = arith.constant 46000 : i32
      %dma_start3A_82 = tpu.memref_slice %arg9[%dma_start3A_81] : memref<100000xf32, #tpu.memory_space<vmem>> -> memref<2000xf32, #tpu.memory_space<vmem>>
      %dma_start3A_83 = arith.constant 0 : i32
      %dma_start3A_84 = tpu.memref_slice %arg4[%run_scoped3A_53, %add3A_30, %dma_start3A_83] : memref<50x32x2000xf32, #tpu.memory_space<hbm>> -> memref<1x1x2000xf32, #tpu.memory_space<hbm>>
      %dma_start3A_85 = tpu.memref_squeeze %dma_start3A_84 : memref<1x1x2000xf32, #tpu.memory_space<hbm>> -> memref<2000xf32, #tpu.memory_space<hbm>>
      %dma_start3A_86 = arith.constant 0 : i32
      %dma_start3A_87 = tpu.memref_slice %arg4[%run_scoped3A_53, %add3A_30, %dma_start3A_86] : memref<50x32x2000xf32, #tpu.memory_space<hbm>> -> memref<1x1x2000xf32, #tpu.memory_space<hbm>>
      %dma_start3A_88 = tpu.memref_squeeze %dma_start3A_87 : memref<1x1x2000xf32, #tpu.memory_space<hbm>> -> memref<2000xf32, #tpu.memory_space<hbm>>
      %dma_start3A_89 = arith.constant 46000 : i32
      %dma_start3A_90 = tpu.memref_slice %arg9[%dma_start3A_89] : memref<100000xf32, #tpu.memory_space<vmem>> -> memref<2000xf32, #tpu.memory_space<vmem>>
      tpu.enqueue_dma source(%dma_start3A_90 : memref<2000xf32, #tpu.memory_space<vmem>>) target(%dma_start3A_88 : memref<2000xf32, #tpu.memory_space<hbm>>) target_semaphore(%run_scoped3A_80 : memref<!tpu.dma_semaphore, #tpu.memory_space<semaphore_mem>>)
      %dma_wait3A = arith.constant 46000 : i32
      %dma_wait3A_91 = tpu.memref_slice %arg9[%dma_wait3A] : memref<100000xf32, #tpu.memory_space<vmem>> -> memref<2000xf32, #tpu.memory_space<vmem>>
      %dma_wait3A_92 = arith.constant 0 : i32
      %dma_wait3A_93 = tpu.memref_slice %arg4[%run_scoped3A_53, %add3A_30, %dma_wait3A_92] : memref<50x32x2000xf32, #tpu.memory_space<hbm>> -> memref<1x1x2000xf32, #tpu.memory_space<hbm>>
      %dma_wait3A_94 = tpu.memref_squeeze %dma_wait3A_93 : memref<1x1x2000xf32, #tpu.memory_space<hbm>> -> memref<2000xf32, #tpu.memory_space<hbm>>
      %dma_wait3A_95 = arith.constant 0 : i32
      %dma_wait3A_96 = tpu.memref_slice %arg4[%run_scoped3A_53, %add3A_30, %dma_wait3A_95] : memref<50x32x2000xf32, #tpu.memory_space<hbm>> -> memref<1x1x2000xf32, #tpu.memory_space<hbm>>
      %dma_wait3A_97 = tpu.memref_squeeze %dma_wait3A_96 : memref<1x1x2000xf32, #tpu.memory_space<hbm>> -> memref<2000xf32, #tpu.memory_space<hbm>>
      %dma_wait3A_98 = arith.constant 46000 : i32
      %dma_wait3A_99 = tpu.memref_slice %arg9[%dma_wait3A_98] : memref<100000xf32, #tpu.memory_space<vmem>> -> memref<2000xf32, #tpu.memory_space<vmem>>
      tpu.wait_dma2 semaphore(%run_scoped3A_80 : memref<!tpu.dma_semaphore, #tpu.memory_space<semaphore_mem>>) src(%dma_wait3A_99 : memref<2000xf32, #tpu.memory_space<vmem>>) dst(%dma_wait3A_97 : memref<2000xf32, #tpu.memory_space<hbm>>)
      tpu.yield
    }) : () -> ()
    %run_scoped3A_54 = arith.constant 24 : i32
    "tpu.region"() ({
      %run_scoped3A_80 = tpu.sem_alloc : memref<!tpu.dma_semaphore, #tpu.memory_space<semaphore_mem>>
      %dma_start3A_81 = arith.constant 48000 : i32
      %dma_start3A_82 = tpu.memref_slice %arg9[%dma_start3A_81] : memref<100000xf32, #tpu.memory_space<vmem>> -> memref<2000xf32, #tpu.memory_space<vmem>>
      %dma_start3A_83 = arith.constant 0 : i32
      %dma_start3A_84 = tpu.memref_slice %arg4[%run_scoped3A_54, %add3A_30, %dma_start3A_83] : memref<50x32x2000xf32, #tpu.memory_space<hbm>> -> memref<1x1x2000xf32, #tpu.memory_space<hbm>>
      %dma_start3A_85 = tpu.memref_squeeze %dma_start3A_84 : memref<1x1x2000xf32, #tpu.memory_space<hbm>> -> memref<2000xf32, #tpu.memory_space<hbm>>
      %dma_start3A_86 = arith.constant 0 : i32
      %dma_start3A_87 = tpu.memref_slice %arg4[%run_scoped3A_54, %add3A_30, %dma_start3A_86] : memref<50x32x2000xf32, #tpu.memory_space<hbm>> -> memref<1x1x2000xf32, #tpu.memory_space<hbm>>
      %dma_start3A_88 = tpu.memref_squeeze %dma_start3A_87 : memref<1x1x2000xf32, #tpu.memory_space<hbm>> -> memref<2000xf32, #tpu.memory_space<hbm>>
      %dma_start3A_89 = arith.constant 48000 : i32
      %dma_start3A_90 = tpu.memref_slice %arg9[%dma_start3A_89] : memref<100000xf32, #tpu.memory_space<vmem>> -> memref<2000xf32, #tpu.memory_space<vmem>>
      tpu.enqueue_dma source(%dma_start3A_90 : memref<2000xf32, #tpu.memory_space<vmem>>) target(%dma_start3A_88 : memref<2000xf32, #tpu.memory_space<hbm>>) target_semaphore(%run_scoped3A_80 : memref<!tpu.dma_semaphore, #tpu.memory_space<semaphore_mem>>)
      %dma_wait3A = arith.constant 48000 : i32
      %dma_wait3A_91 = tpu.memref_slice %arg9[%dma_wait3A] : memref<100000xf32, #tpu.memory_space<vmem>> -> memref<2000xf32, #tpu.memory_space<vmem>>
      %dma_wait3A_92 = arith.constant 0 : i32
      %dma_wait3A_93 = tpu.memref_slice %arg4[%run_scoped3A_54, %add3A_30, %dma_wait3A_92] : memref<50x32x2000xf32, #tpu.memory_space<hbm>> -> memref<1x1x2000xf32, #tpu.memory_space<hbm>>
      %dma_wait3A_94 = tpu.memref_squeeze %dma_wait3A_93 : memref<1x1x2000xf32, #tpu.memory_space<hbm>> -> memref<2000xf32, #tpu.memory_space<hbm>>
      %dma_wait3A_95 = arith.constant 0 : i32
      %dma_wait3A_96 = tpu.memref_slice %arg4[%run_scoped3A_54, %add3A_30, %dma_wait3A_95] : memref<50x32x2000xf32, #tpu.memory_space<hbm>> -> memref<1x1x2000xf32, #tpu.memory_space<hbm>>
      %dma_wait3A_97 = tpu.memref_squeeze %dma_wait3A_96 : memref<1x1x2000xf32, #tpu.memory_space<hbm>> -> memref<2000xf32, #tpu.memory_space<hbm>>
      %dma_wait3A_98 = arith.constant 48000 : i32
      %dma_wait3A_99 = tpu.memref_slice %arg9[%dma_wait3A_98] : memref<100000xf32, #tpu.memory_space<vmem>> -> memref<2000xf32, #tpu.memory_space<vmem>>
      tpu.wait_dma2 semaphore(%run_scoped3A_80 : memref<!tpu.dma_semaphore, #tpu.memory_space<semaphore_mem>>) src(%dma_wait3A_99 : memref<2000xf32, #tpu.memory_space<vmem>>) dst(%dma_wait3A_97 : memref<2000xf32, #tpu.memory_space<hbm>>)
      tpu.yield
    }) : () -> ()
    %run_scoped3A_55 = arith.constant 25 : i32
    "tpu.region"() ({
      %run_scoped3A_80 = tpu.sem_alloc : memref<!tpu.dma_semaphore, #tpu.memory_space<semaphore_mem>>
      %dma_start3A_81 = arith.constant 50000 : i32
      %dma_start3A_82 = tpu.memref_slice %arg9[%dma_start3A_81] : memref<100000xf32, #tpu.memory_space<vmem>> -> memref<2000xf32, #tpu.memory_space<vmem>>
      %dma_start3A_83 = arith.constant 0 : i32
      %dma_start3A_84 = tpu.memref_slice %arg4[%run_scoped3A_55, %add3A_30, %dma_start3A_83] : memref<50x32x2000xf32, #tpu.memory_space<hbm>> -> memref<1x1x2000xf32, #tpu.memory_space<hbm>>
      %dma_start3A_85 = tpu.memref_squeeze %dma_start3A_84 : memref<1x1x2000xf32, #tpu.memory_space<hbm>> -> memref<2000xf32, #tpu.memory_space<hbm>>
      %dma_start3A_86 = arith.constant 0 : i32
      %dma_start3A_87 = tpu.memref_slice %arg4[%run_scoped3A_55, %add3A_30, %dma_start3A_86] : memref<50x32x2000xf32, #tpu.memory_space<hbm>> -> memref<1x1x2000xf32, #tpu.memory_space<hbm>>
      %dma_start3A_88 = tpu.memref_squeeze %dma_start3A_87 : memref<1x1x2000xf32, #tpu.memory_space<hbm>> -> memref<2000xf32, #tpu.memory_space<hbm>>
      %dma_start3A_89 = arith.constant 50000 : i32
      %dma_start3A_90 = tpu.memref_slice %arg9[%dma_start3A_89] : memref<100000xf32, #tpu.memory_space<vmem>> -> memref<2000xf32, #tpu.memory_space<vmem>>
      tpu.enqueue_dma source(%dma_start3A_90 : memref<2000xf32, #tpu.memory_space<vmem>>) target(%dma_start3A_88 : memref<2000xf32, #tpu.memory_space<hbm>>) target_semaphore(%run_scoped3A_80 : memref<!tpu.dma_semaphore, #tpu.memory_space<semaphore_mem>>)
      %dma_wait3A = arith.constant 50000 : i32
      %dma_wait3A_91 = tpu.memref_slice %arg9[%dma_wait3A] : memref<100000xf32, #tpu.memory_space<vmem>> -> memref<2000xf32, #tpu.memory_space<vmem>>
      %dma_wait3A_92 = arith.constant 0 : i32
      %dma_wait3A_93 = tpu.memref_slice %arg4[%run_scoped3A_55, %add3A_30, %dma_wait3A_92] : memref<50x32x2000xf32, #tpu.memory_space<hbm>> -> memref<1x1x2000xf32, #tpu.memory_space<hbm>>
      %dma_wait3A_94 = tpu.memref_squeeze %dma_wait3A_93 : memref<1x1x2000xf32, #tpu.memory_space<hbm>> -> memref<2000xf32, #tpu.memory_space<hbm>>
      %dma_wait3A_95 = arith.constant 0 : i32
      %dma_wait3A_96 = tpu.memref_slice %arg4[%run_scoped3A_55, %add3A_30, %dma_wait3A_95] : memref<50x32x2000xf32, #tpu.memory_space<hbm>> -> memref<1x1x2000xf32, #tpu.memory_space<hbm>>
      %dma_wait3A_97 = tpu.memref_squeeze %dma_wait3A_96 : memref<1x1x2000xf32, #tpu.memory_space<hbm>> -> memref<2000xf32, #tpu.memory_space<hbm>>
      %dma_wait3A_98 = arith.constant 50000 : i32
      %dma_wait3A_99 = tpu.memref_slice %arg9[%dma_wait3A_98] : memref<100000xf32, #tpu.memory_space<vmem>> -> memref<2000xf32, #tpu.memory_space<vmem>>
      tpu.wait_dma2 semaphore(%run_scoped3A_80 : memref<!tpu.dma_semaphore, #tpu.memory_space<semaphore_mem>>) src(%dma_wait3A_99 : memref<2000xf32, #tpu.memory_space<vmem>>) dst(%dma_wait3A_97 : memref<2000xf32, #tpu.memory_space<hbm>>)
      tpu.yield
    }) : () -> ()
    %run_scoped3A_56 = arith.constant 26 : i32
    "tpu.region"() ({
      %run_scoped3A_80 = tpu.sem_alloc : memref<!tpu.dma_semaphore, #tpu.memory_space<semaphore_mem>>
      %dma_start3A_81 = arith.constant 52000 : i32
      %dma_start3A_82 = tpu.memref_slice %arg9[%dma_start3A_81] : memref<100000xf32, #tpu.memory_space<vmem>> -> memref<2000xf32, #tpu.memory_space<vmem>>
      %dma_start3A_83 = arith.constant 0 : i32
      %dma_start3A_84 = tpu.memref_slice %arg4[%run_scoped3A_56, %add3A_30, %dma_start3A_83] : memref<50x32x2000xf32, #tpu.memory_space<hbm>> -> memref<1x1x2000xf32, #tpu.memory_space<hbm>>
      %dma_start3A_85 = tpu.memref_squeeze %dma_start3A_84 : memref<1x1x2000xf32, #tpu.memory_space<hbm>> -> memref<2000xf32, #tpu.memory_space<hbm>>
      %dma_start3A_86 = arith.constant 0 : i32
      %dma_start3A_87 = tpu.memref_slice %arg4[%run_scoped3A_56, %add3A_30, %dma_start3A_86] : memref<50x32x2000xf32, #tpu.memory_space<hbm>> -> memref<1x1x2000xf32, #tpu.memory_space<hbm>>
      %dma_start3A_88 = tpu.memref_squeeze %dma_start3A_87 : memref<1x1x2000xf32, #tpu.memory_space<hbm>> -> memref<2000xf32, #tpu.memory_space<hbm>>
      %dma_start3A_89 = arith.constant 52000 : i32
      %dma_start3A_90 = tpu.memref_slice %arg9[%dma_start3A_89] : memref<100000xf32, #tpu.memory_space<vmem>> -> memref<2000xf32, #tpu.memory_space<vmem>>
      tpu.enqueue_dma source(%dma_start3A_90 : memref<2000xf32, #tpu.memory_space<vmem>>) target(%dma_start3A_88 : memref<2000xf32, #tpu.memory_space<hbm>>) target_semaphore(%run_scoped3A_80 : memref<!tpu.dma_semaphore, #tpu.memory_space<semaphore_mem>>)
      %dma_wait3A = arith.constant 52000 : i32
      %dma_wait3A_91 = tpu.memref_slice %arg9[%dma_wait3A] : memref<100000xf32, #tpu.memory_space<vmem>> -> memref<2000xf32, #tpu.memory_space<vmem>>
      %dma_wait3A_92 = arith.constant 0 : i32
      %dma_wait3A_93 = tpu.memref_slice %arg4[%run_scoped3A_56, %add3A_30, %dma_wait3A_92] : memref<50x32x2000xf32, #tpu.memory_space<hbm>> -> memref<1x1x2000xf32, #tpu.memory_space<hbm>>
      %dma_wait3A_94 = tpu.memref_squeeze %dma_wait3A_93 : memref<1x1x2000xf32, #tpu.memory_space<hbm>> -> memref<2000xf32, #tpu.memory_space<hbm>>
      %dma_wait3A_95 = arith.constant 0 : i32
      %dma_wait3A_96 = tpu.memref_slice %arg4[%run_scoped3A_56, %add3A_30, %dma_wait3A_95] : memref<50x32x2000xf32, #tpu.memory_space<hbm>> -> memref<1x1x2000xf32, #tpu.memory_space<hbm>>
      %dma_wait3A_97 = tpu.memref_squeeze %dma_wait3A_96 : memref<1x1x2000xf32, #tpu.memory_space<hbm>> -> memref<2000xf32, #tpu.memory_space<hbm>>
      %dma_wait3A_98 = arith.constant 52000 : i32
      %dma_wait3A_99 = tpu.memref_slice %arg9[%dma_wait3A_98] : memref<100000xf32, #tpu.memory_space<vmem>> -> memref<2000xf32, #tpu.memory_space<vmem>>
      tpu.wait_dma2 semaphore(%run_scoped3A_80 : memref<!tpu.dma_semaphore, #tpu.memory_space<semaphore_mem>>) src(%dma_wait3A_99 : memref<2000xf32, #tpu.memory_space<vmem>>) dst(%dma_wait3A_97 : memref<2000xf32, #tpu.memory_space<hbm>>)
      tpu.yield
    }) : () -> ()
    %run_scoped3A_57 = arith.constant 27 : i32
    "tpu.region"() ({
      %run_scoped3A_80 = tpu.sem_alloc : memref<!tpu.dma_semaphore, #tpu.memory_space<semaphore_mem>>
      %dma_start3A_81 = arith.constant 54000 : i32
      %dma_start3A_82 = tpu.memref_slice %arg9[%dma_start3A_81] : memref<100000xf32, #tpu.memory_space<vmem>> -> memref<2000xf32, #tpu.memory_space<vmem>>
      %dma_start3A_83 = arith.constant 0 : i32
      %dma_start3A_84 = tpu.memref_slice %arg4[%run_scoped3A_57, %add3A_30, %dma_start3A_83] : memref<50x32x2000xf32, #tpu.memory_space<hbm>> -> memref<1x1x2000xf32, #tpu.memory_space<hbm>>
      %dma_start3A_85 = tpu.memref_squeeze %dma_start3A_84 : memref<1x1x2000xf32, #tpu.memory_space<hbm>> -> memref<2000xf32, #tpu.memory_space<hbm>>
      %dma_start3A_86 = arith.constant 0 : i32
      %dma_start3A_87 = tpu.memref_slice %arg4[%run_scoped3A_57, %add3A_30, %dma_start3A_86] : memref<50x32x2000xf32, #tpu.memory_space<hbm>> -> memref<1x1x2000xf32, #tpu.memory_space<hbm>>
      %dma_start3A_88 = tpu.memref_squeeze %dma_start3A_87 : memref<1x1x2000xf32, #tpu.memory_space<hbm>> -> memref<2000xf32, #tpu.memory_space<hbm>>
      %dma_start3A_89 = arith.constant 54000 : i32
      %dma_start3A_90 = tpu.memref_slice %arg9[%dma_start3A_89] : memref<100000xf32, #tpu.memory_space<vmem>> -> memref<2000xf32, #tpu.memory_space<vmem>>
      tpu.enqueue_dma source(%dma_start3A_90 : memref<2000xf32, #tpu.memory_space<vmem>>) target(%dma_start3A_88 : memref<2000xf32, #tpu.memory_space<hbm>>) target_semaphore(%run_scoped3A_80 : memref<!tpu.dma_semaphore, #tpu.memory_space<semaphore_mem>>)
      %dma_wait3A = arith.constant 54000 : i32
      %dma_wait3A_91 = tpu.memref_slice %arg9[%dma_wait3A] : memref<100000xf32, #tpu.memory_space<vmem>> -> memref<2000xf32, #tpu.memory_space<vmem>>
      %dma_wait3A_92 = arith.constant 0 : i32
      %dma_wait3A_93 = tpu.memref_slice %arg4[%run_scoped3A_57, %add3A_30, %dma_wait3A_92] : memref<50x32x2000xf32, #tpu.memory_space<hbm>> -> memref<1x1x2000xf32, #tpu.memory_space<hbm>>
      %dma_wait3A_94 = tpu.memref_squeeze %dma_wait3A_93 : memref<1x1x2000xf32, #tpu.memory_space<hbm>> -> memref<2000xf32, #tpu.memory_space<hbm>>
      %dma_wait3A_95 = arith.constant 0 : i32
      %dma_wait3A_96 = tpu.memref_slice %arg4[%run_scoped3A_57, %add3A_30, %dma_wait3A_95] : memref<50x32x2000xf32, #tpu.memory_space<hbm>> -> memref<1x1x2000xf32, #tpu.memory_space<hbm>>
      %dma_wait3A_97 = tpu.memref_squeeze %dma_wait3A_96 : memref<1x1x2000xf32, #tpu.memory_space<hbm>> -> memref<2000xf32, #tpu.memory_space<hbm>>
      %dma_wait3A_98 = arith.constant 54000 : i32
      %dma_wait3A_99 = tpu.memref_slice %arg9[%dma_wait3A_98] : memref<100000xf32, #tpu.memory_space<vmem>> -> memref<2000xf32, #tpu.memory_space<vmem>>
      tpu.wait_dma2 semaphore(%run_scoped3A_80 : memref<!tpu.dma_semaphore, #tpu.memory_space<semaphore_mem>>) src(%dma_wait3A_99 : memref<2000xf32, #tpu.memory_space<vmem>>) dst(%dma_wait3A_97 : memref<2000xf32, #tpu.memory_space<hbm>>)
      tpu.yield
    }) : () -> ()
    %run_scoped3A_58 = arith.constant 28 : i32
    "tpu.region"() ({
      %run_scoped3A_80 = tpu.sem_alloc : memref<!tpu.dma_semaphore, #tpu.memory_space<semaphore_mem>>
      %dma_start3A_81 = arith.constant 56000 : i32
      %dma_start3A_82 = tpu.memref_slice %arg9[%dma_start3A_81] : memref<100000xf32, #tpu.memory_space<vmem>> -> memref<2000xf32, #tpu.memory_space<vmem>>
      %dma_start3A_83 = arith.constant 0 : i32
      %dma_start3A_84 = tpu.memref_slice %arg4[%run_scoped3A_58, %add3A_30, %dma_start3A_83] : memref<50x32x2000xf32, #tpu.memory_space<hbm>> -> memref<1x1x2000xf32, #tpu.memory_space<hbm>>
      %dma_start3A_85 = tpu.memref_squeeze %dma_start3A_84 : memref<1x1x2000xf32, #tpu.memory_space<hbm>> -> memref<2000xf32, #tpu.memory_space<hbm>>
      %dma_start3A_86 = arith.constant 0 : i32
      %dma_start3A_87 = tpu.memref_slice %arg4[%run_scoped3A_58, %add3A_30, %dma_start3A_86] : memref<50x32x2000xf32, #tpu.memory_space<hbm>> -> memref<1x1x2000xf32, #tpu.memory_space<hbm>>
      %dma_start3A_88 = tpu.memref_squeeze %dma_start3A_87 : memref<1x1x2000xf32, #tpu.memory_space<hbm>> -> memref<2000xf32, #tpu.memory_space<hbm>>
      %dma_start3A_89 = arith.constant 56000 : i32
      %dma_start3A_90 = tpu.memref_slice %arg9[%dma_start3A_89] : memref<100000xf32, #tpu.memory_space<vmem>> -> memref<2000xf32, #tpu.memory_space<vmem>>
      tpu.enqueue_dma source(%dma_start3A_90 : memref<2000xf32, #tpu.memory_space<vmem>>) target(%dma_start3A_88 : memref<2000xf32, #tpu.memory_space<hbm>>) target_semaphore(%run_scoped3A_80 : memref<!tpu.dma_semaphore, #tpu.memory_space<semaphore_mem>>)
      %dma_wait3A = arith.constant 56000 : i32
      %dma_wait3A_91 = tpu.memref_slice %arg9[%dma_wait3A] : memref<100000xf32, #tpu.memory_space<vmem>> -> memref<2000xf32, #tpu.memory_space<vmem>>
      %dma_wait3A_92 = arith.constant 0 : i32
      %dma_wait3A_93 = tpu.memref_slice %arg4[%run_scoped3A_58, %add3A_30, %dma_wait3A_92] : memref<50x32x2000xf32, #tpu.memory_space<hbm>> -> memref<1x1x2000xf32, #tpu.memory_space<hbm>>
      %dma_wait3A_94 = tpu.memref_squeeze %dma_wait3A_93 : memref<1x1x2000xf32, #tpu.memory_space<hbm>> -> memref<2000xf32, #tpu.memory_space<hbm>>
      %dma_wait3A_95 = arith.constant 0 : i32
      %dma_wait3A_96 = tpu.memref_slice %arg4[%run_scoped3A_58, %add3A_30, %dma_wait3A_95] : memref<50x32x2000xf32, #tpu.memory_space<hbm>> -> memref<1x1x2000xf32, #tpu.memory_space<hbm>>
      %dma_wait3A_97 = tpu.memref_squeeze %dma_wait3A_96 : memref<1x1x2000xf32, #tpu.memory_space<hbm>> -> memref<2000xf32, #tpu.memory_space<hbm>>
      %dma_wait3A_98 = arith.constant 56000 : i32
      %dma_wait3A_99 = tpu.memref_slice %arg9[%dma_wait3A_98] : memref<100000xf32, #tpu.memory_space<vmem>> -> memref<2000xf32, #tpu.memory_space<vmem>>
      tpu.wait_dma2 semaphore(%run_scoped3A_80 : memref<!tpu.dma_semaphore, #tpu.memory_space<semaphore_mem>>) src(%dma_wait3A_99 : memref<2000xf32, #tpu.memory_space<vmem>>) dst(%dma_wait3A_97 : memref<2000xf32, #tpu.memory_space<hbm>>)
      tpu.yield
    }) : () -> ()
    %run_scoped3A_59 = arith.constant 29 : i32
    "tpu.region"() ({
      %run_scoped3A_80 = tpu.sem_alloc : memref<!tpu.dma_semaphore, #tpu.memory_space<semaphore_mem>>
      %dma_start3A_81 = arith.constant 58000 : i32
      %dma_start3A_82 = tpu.memref_slice %arg9[%dma_start3A_81] : memref<100000xf32, #tpu.memory_space<vmem>> -> memref<2000xf32, #tpu.memory_space<vmem>>
      %dma_start3A_83 = arith.constant 0 : i32
      %dma_start3A_84 = tpu.memref_slice %arg4[%run_scoped3A_59, %add3A_30, %dma_start3A_83] : memref<50x32x2000xf32, #tpu.memory_space<hbm>> -> memref<1x1x2000xf32, #tpu.memory_space<hbm>>
      %dma_start3A_85 = tpu.memref_squeeze %dma_start3A_84 : memref<1x1x2000xf32, #tpu.memory_space<hbm>> -> memref<2000xf32, #tpu.memory_space<hbm>>
      %dma_start3A_86 = arith.constant 0 : i32
      %dma_start3A_87 = tpu.memref_slice %arg4[%run_scoped3A_59, %add3A_30, %dma_start3A_86] : memref<50x32x2000xf32, #tpu.memory_space<hbm>> -> memref<1x1x2000xf32, #tpu.memory_space<hbm>>
      %dma_start3A_88 = tpu.memref_squeeze %dma_start3A_87 : memref<1x1x2000xf32, #tpu.memory_space<hbm>> -> memref<2000xf32, #tpu.memory_space<hbm>>
      %dma_start3A_89 = arith.constant 58000 : i32
      %dma_start3A_90 = tpu.memref_slice %arg9[%dma_start3A_89] : memref<100000xf32, #tpu.memory_space<vmem>> -> memref<2000xf32, #tpu.memory_space<vmem>>
      tpu.enqueue_dma source(%dma_start3A_90 : memref<2000xf32, #tpu.memory_space<vmem>>) target(%dma_start3A_88 : memref<2000xf32, #tpu.memory_space<hbm>>) target_semaphore(%run_scoped3A_80 : memref<!tpu.dma_semaphore, #tpu.memory_space<semaphore_mem>>)
      %dma_wait3A = arith.constant 58000 : i32
      %dma_wait3A_91 = tpu.memref_slice %arg9[%dma_wait3A] : memref<100000xf32, #tpu.memory_space<vmem>> -> memref<2000xf32, #tpu.memory_space<vmem>>
      %dma_wait3A_92 = arith.constant 0 : i32
      %dma_wait3A_93 = tpu.memref_slice %arg4[%run_scoped3A_59, %add3A_30, %dma_wait3A_92] : memref<50x32x2000xf32, #tpu.memory_space<hbm>> -> memref<1x1x2000xf32, #tpu.memory_space<hbm>>
      %dma_wait3A_94 = tpu.memref_squeeze %dma_wait3A_93 : memref<1x1x2000xf32, #tpu.memory_space<hbm>> -> memref<2000xf32, #tpu.memory_space<hbm>>
      %dma_wait3A_95 = arith.constant 0 : i32
      %dma_wait3A_96 = tpu.memref_slice %arg4[%run_scoped3A_59, %add3A_30, %dma_wait3A_95] : memref<50x32x2000xf32, #tpu.memory_space<hbm>> -> memref<1x1x2000xf32, #tpu.memory_space<hbm>>
      %dma_wait3A_97 = tpu.memref_squeeze %dma_wait3A_96 : memref<1x1x2000xf32, #tpu.memory_space<hbm>> -> memref<2000xf32, #tpu.memory_space<hbm>>
      %dma_wait3A_98 = arith.constant 58000 : i32
      %dma_wait3A_99 = tpu.memref_slice %arg9[%dma_wait3A_98] : memref<100000xf32, #tpu.memory_space<vmem>> -> memref<2000xf32, #tpu.memory_space<vmem>>
      tpu.wait_dma2 semaphore(%run_scoped3A_80 : memref<!tpu.dma_semaphore, #tpu.memory_space<semaphore_mem>>) src(%dma_wait3A_99 : memref<2000xf32, #tpu.memory_space<vmem>>) dst(%dma_wait3A_97 : memref<2000xf32, #tpu.memory_space<hbm>>)
      tpu.yield
    }) : () -> ()
    %run_scoped3A_60 = arith.constant 30 : i32
    "tpu.region"() ({
      %run_scoped3A_80 = tpu.sem_alloc : memref<!tpu.dma_semaphore, #tpu.memory_space<semaphore_mem>>
      %dma_start3A_81 = arith.constant 60000 : i32
      %dma_start3A_82 = tpu.memref_slice %arg9[%dma_start3A_81] : memref<100000xf32, #tpu.memory_space<vmem>> -> memref<2000xf32, #tpu.memory_space<vmem>>
      %dma_start3A_83 = arith.constant 0 : i32
      %dma_start3A_84 = tpu.memref_slice %arg4[%run_scoped3A_60, %add3A_30, %dma_start3A_83] : memref<50x32x2000xf32, #tpu.memory_space<hbm>> -> memref<1x1x2000xf32, #tpu.memory_space<hbm>>
      %dma_start3A_85 = tpu.memref_squeeze %dma_start3A_84 : memref<1x1x2000xf32, #tpu.memory_space<hbm>> -> memref<2000xf32, #tpu.memory_space<hbm>>
      %dma_start3A_86 = arith.constant 0 : i32
      %dma_start3A_87 = tpu.memref_slice %arg4[%run_scoped3A_60, %add3A_30, %dma_start3A_86] : memref<50x32x2000xf32, #tpu.memory_space<hbm>> -> memref<1x1x2000xf32, #tpu.memory_space<hbm>>
      %dma_start3A_88 = tpu.memref_squeeze %dma_start3A_87 : memref<1x1x2000xf32, #tpu.memory_space<hbm>> -> memref<2000xf32, #tpu.memory_space<hbm>>
      %dma_start3A_89 = arith.constant 60000 : i32
      %dma_start3A_90 = tpu.memref_slice %arg9[%dma_start3A_89] : memref<100000xf32, #tpu.memory_space<vmem>> -> memref<2000xf32, #tpu.memory_space<vmem>>
      tpu.enqueue_dma source(%dma_start3A_90 : memref<2000xf32, #tpu.memory_space<vmem>>) target(%dma_start3A_88 : memref<2000xf32, #tpu.memory_space<hbm>>) target_semaphore(%run_scoped3A_80 : memref<!tpu.dma_semaphore, #tpu.memory_space<semaphore_mem>>)
      %dma_wait3A = arith.constant 60000 : i32
      %dma_wait3A_91 = tpu.memref_slice %arg9[%dma_wait3A] : memref<100000xf32, #tpu.memory_space<vmem>> -> memref<2000xf32, #tpu.memory_space<vmem>>
      %dma_wait3A_92 = arith.constant 0 : i32
      %dma_wait3A_93 = tpu.memref_slice %arg4[%run_scoped3A_60, %add3A_30, %dma_wait3A_92] : memref<50x32x2000xf32, #tpu.memory_space<hbm>> -> memref<1x1x2000xf32, #tpu.memory_space<hbm>>
      %dma_wait3A_94 = tpu.memref_squeeze %dma_wait3A_93 : memref<1x1x2000xf32, #tpu.memory_space<hbm>> -> memref<2000xf32, #tpu.memory_space<hbm>>
      %dma_wait3A_95 = arith.constant 0 : i32
      %dma_wait3A_96 = tpu.memref_slice %arg4[%run_scoped3A_60, %add3A_30, %dma_wait3A_95] : memref<50x32x2000xf32, #tpu.memory_space<hbm>> -> memref<1x1x2000xf32, #tpu.memory_space<hbm>>
      %dma_wait3A_97 = tpu.memref_squeeze %dma_wait3A_96 : memref<1x1x2000xf32, #tpu.memory_space<hbm>> -> memref<2000xf32, #tpu.memory_space<hbm>>
      %dma_wait3A_98 = arith.constant 60000 : i32
      %dma_wait3A_99 = tpu.memref_slice %arg9[%dma_wait3A_98] : memref<100000xf32, #tpu.memory_space<vmem>> -> memref<2000xf32, #tpu.memory_space<vmem>>
      tpu.wait_dma2 semaphore(%run_scoped3A_80 : memref<!tpu.dma_semaphore, #tpu.memory_space<semaphore_mem>>) src(%dma_wait3A_99 : memref<2000xf32, #tpu.memory_space<vmem>>) dst(%dma_wait3A_97 : memref<2000xf32, #tpu.memory_space<hbm>>)
      tpu.yield
    }) : () -> ()
    %run_scoped3A_61 = arith.constant 31 : i32
    "tpu.region"() ({
      %run_scoped3A_80 = tpu.sem_alloc : memref<!tpu.dma_semaphore, #tpu.memory_space<semaphore_mem>>
      %dma_start3A_81 = arith.constant 62000 : i32
      %dma_start3A_82 = tpu.memref_slice %arg9[%dma_start3A_81] : memref<100000xf32, #tpu.memory_space<vmem>> -> memref<2000xf32, #tpu.memory_space<vmem>>
      %dma_start3A_83 = arith.constant 0 : i32
      %dma_start3A_84 = tpu.memref_slice %arg4[%run_scoped3A_61, %add3A_30, %dma_start3A_83] : memref<50x32x2000xf32, #tpu.memory_space<hbm>> -> memref<1x1x2000xf32, #tpu.memory_space<hbm>>
      %dma_start3A_85 = tpu.memref_squeeze %dma_start3A_84 : memref<1x1x2000xf32, #tpu.memory_space<hbm>> -> memref<2000xf32, #tpu.memory_space<hbm>>
      %dma_start3A_86 = arith.constant 0 : i32
      %dma_start3A_87 = tpu.memref_slice %arg4[%run_scoped3A_61, %add3A_30, %dma_start3A_86] : memref<50x32x2000xf32, #tpu.memory_space<hbm>> -> memref<1x1x2000xf32, #tpu.memory_space<hbm>>
      %dma_start3A_88 = tpu.memref_squeeze %dma_start3A_87 : memref<1x1x2000xf32, #tpu.memory_space<hbm>> -> memref<2000xf32, #tpu.memory_space<hbm>>
      %dma_start3A_89 = arith.constant 62000 : i32
      %dma_start3A_90 = tpu.memref_slice %arg9[%dma_start3A_89] : memref<100000xf32, #tpu.memory_space<vmem>> -> memref<2000xf32, #tpu.memory_space<vmem>>
      tpu.enqueue_dma source(%dma_start3A_90 : memref<2000xf32, #tpu.memory_space<vmem>>) target(%dma_start3A_88 : memref<2000xf32, #tpu.memory_space<hbm>>) target_semaphore(%run_scoped3A_80 : memref<!tpu.dma_semaphore, #tpu.memory_space<semaphore_mem>>)
      %dma_wait3A = arith.constant 62000 : i32
      %dma_wait3A_91 = tpu.memref_slice %arg9[%dma_wait3A] : memref<100000xf32, #tpu.memory_space<vmem>> -> memref<2000xf32, #tpu.memory_space<vmem>>
      %dma_wait3A_92 = arith.constant 0 : i32
      %dma_wait3A_93 = tpu.memref_slice %arg4[%run_scoped3A_61, %add3A_30, %dma_wait3A_92] : memref<50x32x2000xf32, #tpu.memory_space<hbm>> -> memref<1x1x2000xf32, #tpu.memory_space<hbm>>
      %dma_wait3A_94 = tpu.memref_squeeze %dma_wait3A_93 : memref<1x1x2000xf32, #tpu.memory_space<hbm>> -> memref<2000xf32, #tpu.memory_space<hbm>>
      %dma_wait3A_95 = arith.constant 0 : i32
      %dma_wait3A_96 = tpu.memref_slice %arg4[%run_scoped3A_61, %add3A_30, %dma_wait3A_95] : memref<50x32x2000xf32, #tpu.memory_space<hbm>> -> memref<1x1x2000xf32, #tpu.memory_space<hbm>>
      %dma_wait3A_97 = tpu.memref_squeeze %dma_wait3A_96 : memref<1x1x2000xf32, #tpu.memory_space<hbm>> -> memref<2000xf32, #tpu.memory_space<hbm>>
      %dma_wait3A_98 = arith.constant 62000 : i32
      %dma_wait3A_99 = tpu.memref_slice %arg9[%dma_wait3A_98] : memref<100000xf32, #tpu.memory_space<vmem>> -> memref<2000xf32, #tpu.memory_space<vmem>>
      tpu.wait_dma2 semaphore(%run_scoped3A_80 : memref<!tpu.dma_semaphore, #tpu.memory_space<semaphore_mem>>) src(%dma_wait3A_99 : memref<2000xf32, #tpu.memory_space<vmem>>) dst(%dma_wait3A_97 : memref<2000xf32, #tpu.memory_space<hbm>>)
      tpu.yield
    }) : () -> ()
    %run_scoped3A_62 = arith.constant 32 : i32
    "tpu.region"() ({
      %run_scoped3A_80 = tpu.sem_alloc : memref<!tpu.dma_semaphore, #tpu.memory_space<semaphore_mem>>
      %dma_start3A_81 = arith.constant 64000 : i32
      %dma_start3A_82 = tpu.memref_slice %arg9[%dma_start3A_81] : memref<100000xf32, #tpu.memory_space<vmem>> -> memref<2000xf32, #tpu.memory_space<vmem>>
      %dma_start3A_83 = arith.constant 0 : i32
      %dma_start3A_84 = tpu.memref_slice %arg4[%run_scoped3A_62, %add3A_30, %dma_start3A_83] : memref<50x32x2000xf32, #tpu.memory_space<hbm>> -> memref<1x1x2000xf32, #tpu.memory_space<hbm>>
      %dma_start3A_85 = tpu.memref_squeeze %dma_start3A_84 : memref<1x1x2000xf32, #tpu.memory_space<hbm>> -> memref<2000xf32, #tpu.memory_space<hbm>>
      %dma_start3A_86 = arith.constant 0 : i32
      %dma_start3A_87 = tpu.memref_slice %arg4[%run_scoped3A_62, %add3A_30, %dma_start3A_86] : memref<50x32x2000xf32, #tpu.memory_space<hbm>> -> memref<1x1x2000xf32, #tpu.memory_space<hbm>>
      %dma_start3A_88 = tpu.memref_squeeze %dma_start3A_87 : memref<1x1x2000xf32, #tpu.memory_space<hbm>> -> memref<2000xf32, #tpu.memory_space<hbm>>
      %dma_start3A_89 = arith.constant 64000 : i32
      %dma_start3A_90 = tpu.memref_slice %arg9[%dma_start3A_89] : memref<100000xf32, #tpu.memory_space<vmem>> -> memref<2000xf32, #tpu.memory_space<vmem>>
      tpu.enqueue_dma source(%dma_start3A_90 : memref<2000xf32, #tpu.memory_space<vmem>>) target(%dma_start3A_88 : memref<2000xf32, #tpu.memory_space<hbm>>) target_semaphore(%run_scoped3A_80 : memref<!tpu.dma_semaphore, #tpu.memory_space<semaphore_mem>>)
      %dma_wait3A = arith.constant 64000 : i32
      %dma_wait3A_91 = tpu.memref_slice %arg9[%dma_wait3A] : memref<100000xf32, #tpu.memory_space<vmem>> -> memref<2000xf32, #tpu.memory_space<vmem>>
      %dma_wait3A_92 = arith.constant 0 : i32
      %dma_wait3A_93 = tpu.memref_slice %arg4[%run_scoped3A_62, %add3A_30, %dma_wait3A_92] : memref<50x32x2000xf32, #tpu.memory_space<hbm>> -> memref<1x1x2000xf32, #tpu.memory_space<hbm>>
      %dma_wait3A_94 = tpu.memref_squeeze %dma_wait3A_93 : memref<1x1x2000xf32, #tpu.memory_space<hbm>> -> memref<2000xf32, #tpu.memory_space<hbm>>
      %dma_wait3A_95 = arith.constant 0 : i32
      %dma_wait3A_96 = tpu.memref_slice %arg4[%run_scoped3A_62, %add3A_30, %dma_wait3A_95] : memref<50x32x2000xf32, #tpu.memory_space<hbm>> -> memref<1x1x2000xf32, #tpu.memory_space<hbm>>
      %dma_wait3A_97 = tpu.memref_squeeze %dma_wait3A_96 : memref<1x1x2000xf32, #tpu.memory_space<hbm>> -> memref<2000xf32, #tpu.memory_space<hbm>>
      %dma_wait3A_98 = arith.constant 64000 : i32
      %dma_wait3A_99 = tpu.memref_slice %arg9[%dma_wait3A_98] : memref<100000xf32, #tpu.memory_space<vmem>> -> memref<2000xf32, #tpu.memory_space<vmem>>
      tpu.wait_dma2 semaphore(%run_scoped3A_80 : memref<!tpu.dma_semaphore, #tpu.memory_space<semaphore_mem>>) src(%dma_wait3A_99 : memref<2000xf32, #tpu.memory_space<vmem>>) dst(%dma_wait3A_97 : memref<2000xf32, #tpu.memory_space<hbm>>)
      tpu.yield
    }) : () -> ()
    %run_scoped3A_63 = arith.constant 33 : i32
    "tpu.region"() ({
      %run_scoped3A_80 = tpu.sem_alloc : memref<!tpu.dma_semaphore, #tpu.memory_space<semaphore_mem>>
      %dma_start3A_81 = arith.constant 66000 : i32
      %dma_start3A_82 = tpu.memref_slice %arg9[%dma_start3A_81] : memref<100000xf32, #tpu.memory_space<vmem>> -> memref<2000xf32, #tpu.memory_space<vmem>>
      %dma_start3A_83 = arith.constant 0 : i32
      %dma_start3A_84 = tpu.memref_slice %arg4[%run_scoped3A_63, %add3A_30, %dma_start3A_83] : memref<50x32x2000xf32, #tpu.memory_space<hbm>> -> memref<1x1x2000xf32, #tpu.memory_space<hbm>>
      %dma_start3A_85 = tpu.memref_squeeze %dma_start3A_84 : memref<1x1x2000xf32, #tpu.memory_space<hbm>> -> memref<2000xf32, #tpu.memory_space<hbm>>
      %dma_start3A_86 = arith.constant 0 : i32
      %dma_start3A_87 = tpu.memref_slice %arg4[%run_scoped3A_63, %add3A_30, %dma_start3A_86] : memref<50x32x2000xf32, #tpu.memory_space<hbm>> -> memref<1x1x2000xf32, #tpu.memory_space<hbm>>
      %dma_start3A_88 = tpu.memref_squeeze %dma_start3A_87 : memref<1x1x2000xf32, #tpu.memory_space<hbm>> -> memref<2000xf32, #tpu.memory_space<hbm>>
      %dma_start3A_89 = arith.constant 66000 : i32
      %dma_start3A_90 = tpu.memref_slice %arg9[%dma_start3A_89] : memref<100000xf32, #tpu.memory_space<vmem>> -> memref<2000xf32, #tpu.memory_space<vmem>>
      tpu.enqueue_dma source(%dma_start3A_90 : memref<2000xf32, #tpu.memory_space<vmem>>) target(%dma_start3A_88 : memref<2000xf32, #tpu.memory_space<hbm>>) target_semaphore(%run_scoped3A_80 : memref<!tpu.dma_semaphore, #tpu.memory_space<semaphore_mem>>)
      %dma_wait3A = arith.constant 66000 : i32
      %dma_wait3A_91 = tpu.memref_slice %arg9[%dma_wait3A] : memref<100000xf32, #tpu.memory_space<vmem>> -> memref<2000xf32, #tpu.memory_space<vmem>>
      %dma_wait3A_92 = arith.constant 0 : i32
      %dma_wait3A_93 = tpu.memref_slice %arg4[%run_scoped3A_63, %add3A_30, %dma_wait3A_92] : memref<50x32x2000xf32, #tpu.memory_space<hbm>> -> memref<1x1x2000xf32, #tpu.memory_space<hbm>>
      %dma_wait3A_94 = tpu.memref_squeeze %dma_wait3A_93 : memref<1x1x2000xf32, #tpu.memory_space<hbm>> -> memref<2000xf32, #tpu.memory_space<hbm>>
      %dma_wait3A_95 = arith.constant 0 : i32
      %dma_wait3A_96 = tpu.memref_slice %arg4[%run_scoped3A_63, %add3A_30, %dma_wait3A_95] : memref<50x32x2000xf32, #tpu.memory_space<hbm>> -> memref<1x1x2000xf32, #tpu.memory_space<hbm>>
      %dma_wait3A_97 = tpu.memref_squeeze %dma_wait3A_96 : memref<1x1x2000xf32, #tpu.memory_space<hbm>> -> memref<2000xf32, #tpu.memory_space<hbm>>
      %dma_wait3A_98 = arith.constant 66000 : i32
      %dma_wait3A_99 = tpu.memref_slice %arg9[%dma_wait3A_98] : memref<100000xf32, #tpu.memory_space<vmem>> -> memref<2000xf32, #tpu.memory_space<vmem>>
      tpu.wait_dma2 semaphore(%run_scoped3A_80 : memref<!tpu.dma_semaphore, #tpu.memory_space<semaphore_mem>>) src(%dma_wait3A_99 : memref<2000xf32, #tpu.memory_space<vmem>>) dst(%dma_wait3A_97 : memref<2000xf32, #tpu.memory_space<hbm>>)
      tpu.yield
    }) : () -> ()
    %run_scoped3A_64 = arith.constant 34 : i32
    "tpu.region"() ({
      %run_scoped3A_80 = tpu.sem_alloc : memref<!tpu.dma_semaphore, #tpu.memory_space<semaphore_mem>>
      %dma_start3A_81 = arith.constant 68000 : i32
      %dma_start3A_82 = tpu.memref_slice %arg9[%dma_start3A_81] : memref<100000xf32, #tpu.memory_space<vmem>> -> memref<2000xf32, #tpu.memory_space<vmem>>
      %dma_start3A_83 = arith.constant 0 : i32
      %dma_start3A_84 = tpu.memref_slice %arg4[%run_scoped3A_64, %add3A_30, %dma_start3A_83] : memref<50x32x2000xf32, #tpu.memory_space<hbm>> -> memref<1x1x2000xf32, #tpu.memory_space<hbm>>
      %dma_start3A_85 = tpu.memref_squeeze %dma_start3A_84 : memref<1x1x2000xf32, #tpu.memory_space<hbm>> -> memref<2000xf32, #tpu.memory_space<hbm>>
      %dma_start3A_86 = arith.constant 0 : i32
      %dma_start3A_87 = tpu.memref_slice %arg4[%run_scoped3A_64, %add3A_30, %dma_start3A_86] : memref<50x32x2000xf32, #tpu.memory_space<hbm>> -> memref<1x1x2000xf32, #tpu.memory_space<hbm>>
      %dma_start3A_88 = tpu.memref_squeeze %dma_start3A_87 : memref<1x1x2000xf32, #tpu.memory_space<hbm>> -> memref<2000xf32, #tpu.memory_space<hbm>>
      %dma_start3A_89 = arith.constant 68000 : i32
      %dma_start3A_90 = tpu.memref_slice %arg9[%dma_start3A_89] : memref<100000xf32, #tpu.memory_space<vmem>> -> memref<2000xf32, #tpu.memory_space<vmem>>
      tpu.enqueue_dma source(%dma_start3A_90 : memref<2000xf32, #tpu.memory_space<vmem>>) target(%dma_start3A_88 : memref<2000xf32, #tpu.memory_space<hbm>>) target_semaphore(%run_scoped3A_80 : memref<!tpu.dma_semaphore, #tpu.memory_space<semaphore_mem>>)
      %dma_wait3A = arith.constant 68000 : i32
      %dma_wait3A_91 = tpu.memref_slice %arg9[%dma_wait3A] : memref<100000xf32, #tpu.memory_space<vmem>> -> memref<2000xf32, #tpu.memory_space<vmem>>
      %dma_wait3A_92 = arith.constant 0 : i32
      %dma_wait3A_93 = tpu.memref_slice %arg4[%run_scoped3A_64, %add3A_30, %dma_wait3A_92] : memref<50x32x2000xf32, #tpu.memory_space<hbm>> -> memref<1x1x2000xf32, #tpu.memory_space<hbm>>
      %dma_wait3A_94 = tpu.memref_squeeze %dma_wait3A_93 : memref<1x1x2000xf32, #tpu.memory_space<hbm>> -> memref<2000xf32, #tpu.memory_space<hbm>>
      %dma_wait3A_95 = arith.constant 0 : i32
      %dma_wait3A_96 = tpu.memref_slice %arg4[%run_scoped3A_64, %add3A_30, %dma_wait3A_95] : memref<50x32x2000xf32, #tpu.memory_space<hbm>> -> memref<1x1x2000xf32, #tpu.memory_space<hbm>>
      %dma_wait3A_97 = tpu.memref_squeeze %dma_wait3A_96 : memref<1x1x2000xf32, #tpu.memory_space<hbm>> -> memref<2000xf32, #tpu.memory_space<hbm>>
      %dma_wait3A_98 = arith.constant 68000 : i32
      %dma_wait3A_99 = tpu.memref_slice %arg9[%dma_wait3A_98] : memref<100000xf32, #tpu.memory_space<vmem>> -> memref<2000xf32, #tpu.memory_space<vmem>>
      tpu.wait_dma2 semaphore(%run_scoped3A_80 : memref<!tpu.dma_semaphore, #tpu.memory_space<semaphore_mem>>) src(%dma_wait3A_99 : memref<2000xf32, #tpu.memory_space<vmem>>) dst(%dma_wait3A_97 : memref<2000xf32, #tpu.memory_space<hbm>>)
      tpu.yield
    }) : () -> ()
    %run_scoped3A_65 = arith.constant 35 : i32
    "tpu.region"() ({
      %run_scoped3A_80 = tpu.sem_alloc : memref<!tpu.dma_semaphore, #tpu.memory_space<semaphore_mem>>
      %dma_start3A_81 = arith.constant 70000 : i32
      %dma_start3A_82 = tpu.memref_slice %arg9[%dma_start3A_81] : memref<100000xf32, #tpu.memory_space<vmem>> -> memref<2000xf32, #tpu.memory_space<vmem>>
      %dma_start3A_83 = arith.constant 0 : i32
      %dma_start3A_84 = tpu.memref_slice %arg4[%run_scoped3A_65, %add3A_30, %dma_start3A_83] : memref<50x32x2000xf32, #tpu.memory_space<hbm>> -> memref<1x1x2000xf32, #tpu.memory_space<hbm>>
      %dma_start3A_85 = tpu.memref_squeeze %dma_start3A_84 : memref<1x1x2000xf32, #tpu.memory_space<hbm>> -> memref<2000xf32, #tpu.memory_space<hbm>>
      %dma_start3A_86 = arith.constant 0 : i32
      %dma_start3A_87 = tpu.memref_slice %arg4[%run_scoped3A_65, %add3A_30, %dma_start3A_86] : memref<50x32x2000xf32, #tpu.memory_space<hbm>> -> memref<1x1x2000xf32, #tpu.memory_space<hbm>>
      %dma_start3A_88 = tpu.memref_squeeze %dma_start3A_87 : memref<1x1x2000xf32, #tpu.memory_space<hbm>> -> memref<2000xf32, #tpu.memory_space<hbm>>
      %dma_start3A_89 = arith.constant 70000 : i32
      %dma_start3A_90 = tpu.memref_slice %arg9[%dma_start3A_89] : memref<100000xf32, #tpu.memory_space<vmem>> -> memref<2000xf32, #tpu.memory_space<vmem>>
      tpu.enqueue_dma source(%dma_start3A_90 : memref<2000xf32, #tpu.memory_space<vmem>>) target(%dma_start3A_88 : memref<2000xf32, #tpu.memory_space<hbm>>) target_semaphore(%run_scoped3A_80 : memref<!tpu.dma_semaphore, #tpu.memory_space<semaphore_mem>>)
      %dma_wait3A = arith.constant 70000 : i32
      %dma_wait3A_91 = tpu.memref_slice %arg9[%dma_wait3A] : memref<100000xf32, #tpu.memory_space<vmem>> -> memref<2000xf32, #tpu.memory_space<vmem>>
      %dma_wait3A_92 = arith.constant 0 : i32
      %dma_wait3A_93 = tpu.memref_slice %arg4[%run_scoped3A_65, %add3A_30, %dma_wait3A_92] : memref<50x32x2000xf32, #tpu.memory_space<hbm>> -> memref<1x1x2000xf32, #tpu.memory_space<hbm>>
      %dma_wait3A_94 = tpu.memref_squeeze %dma_wait3A_93 : memref<1x1x2000xf32, #tpu.memory_space<hbm>> -> memref<2000xf32, #tpu.memory_space<hbm>>
      %dma_wait3A_95 = arith.constant 0 : i32
      %dma_wait3A_96 = tpu.memref_slice %arg4[%run_scoped3A_65, %add3A_30, %dma_wait3A_95] : memref<50x32x2000xf32, #tpu.memory_space<hbm>> -> memref<1x1x2000xf32, #tpu.memory_space<hbm>>
      %dma_wait3A_97 = tpu.memref_squeeze %dma_wait3A_96 : memref<1x1x2000xf32, #tpu.memory_space<hbm>> -> memref<2000xf32, #tpu.memory_space<hbm>>
      %dma_wait3A_98 = arith.constant 70000 : i32
      %dma_wait3A_99 = tpu.memref_slice %arg9[%dma_wait3A_98] : memref<100000xf32, #tpu.memory_space<vmem>> -> memref<2000xf32, #tpu.memory_space<vmem>>
      tpu.wait_dma2 semaphore(%run_scoped3A_80 : memref<!tpu.dma_semaphore, #tpu.memory_space<semaphore_mem>>) src(%dma_wait3A_99 : memref<2000xf32, #tpu.memory_space<vmem>>) dst(%dma_wait3A_97 : memref<2000xf32, #tpu.memory_space<hbm>>)
      tpu.yield
    }) : () -> ()
    %run_scoped3A_66 = arith.constant 36 : i32
    "tpu.region"() ({
      %run_scoped3A_80 = tpu.sem_alloc : memref<!tpu.dma_semaphore, #tpu.memory_space<semaphore_mem>>
      %dma_start3A_81 = arith.constant 72000 : i32
      %dma_start3A_82 = tpu.memref_slice %arg9[%dma_start3A_81] : memref<100000xf32, #tpu.memory_space<vmem>> -> memref<2000xf32, #tpu.memory_space<vmem>>
      %dma_start3A_83 = arith.constant 0 : i32
      %dma_start3A_84 = tpu.memref_slice %arg4[%run_scoped3A_66, %add3A_30, %dma_start3A_83] : memref<50x32x2000xf32, #tpu.memory_space<hbm>> -> memref<1x1x2000xf32, #tpu.memory_space<hbm>>
      %dma_start3A_85 = tpu.memref_squeeze %dma_start3A_84 : memref<1x1x2000xf32, #tpu.memory_space<hbm>> -> memref<2000xf32, #tpu.memory_space<hbm>>
      %dma_start3A_86 = arith.constant 0 : i32
      %dma_start3A_87 = tpu.memref_slice %arg4[%run_scoped3A_66, %add3A_30, %dma_start3A_86] : memref<50x32x2000xf32, #tpu.memory_space<hbm>> -> memref<1x1x2000xf32, #tpu.memory_space<hbm>>
      %dma_start3A_88 = tpu.memref_squeeze %dma_start3A_87 : memref<1x1x2000xf32, #tpu.memory_space<hbm>> -> memref<2000xf32, #tpu.memory_space<hbm>>
      %dma_start3A_89 = arith.constant 72000 : i32
      %dma_start3A_90 = tpu.memref_slice %arg9[%dma_start3A_89] : memref<100000xf32, #tpu.memory_space<vmem>> -> memref<2000xf32, #tpu.memory_space<vmem>>
      tpu.enqueue_dma source(%dma_start3A_90 : memref<2000xf32, #tpu.memory_space<vmem>>) target(%dma_start3A_88 : memref<2000xf32, #tpu.memory_space<hbm>>) target_semaphore(%run_scoped3A_80 : memref<!tpu.dma_semaphore, #tpu.memory_space<semaphore_mem>>)
      %dma_wait3A = arith.constant 72000 : i32
      %dma_wait3A_91 = tpu.memref_slice %arg9[%dma_wait3A] : memref<100000xf32, #tpu.memory_space<vmem>> -> memref<2000xf32, #tpu.memory_space<vmem>>
      %dma_wait3A_92 = arith.constant 0 : i32
      %dma_wait3A_93 = tpu.memref_slice %arg4[%run_scoped3A_66, %add3A_30, %dma_wait3A_92] : memref<50x32x2000xf32, #tpu.memory_space<hbm>> -> memref<1x1x2000xf32, #tpu.memory_space<hbm>>
      %dma_wait3A_94 = tpu.memref_squeeze %dma_wait3A_93 : memref<1x1x2000xf32, #tpu.memory_space<hbm>> -> memref<2000xf32, #tpu.memory_space<hbm>>
      %dma_wait3A_95 = arith.constant 0 : i32
      %dma_wait3A_96 = tpu.memref_slice %arg4[%run_scoped3A_66, %add3A_30, %dma_wait3A_95] : memref<50x32x2000xf32, #tpu.memory_space<hbm>> -> memref<1x1x2000xf32, #tpu.memory_space<hbm>>
      %dma_wait3A_97 = tpu.memref_squeeze %dma_wait3A_96 : memref<1x1x2000xf32, #tpu.memory_space<hbm>> -> memref<2000xf32, #tpu.memory_space<hbm>>
      %dma_wait3A_98 = arith.constant 72000 : i32
      %dma_wait3A_99 = tpu.memref_slice %arg9[%dma_wait3A_98] : memref<100000xf32, #tpu.memory_space<vmem>> -> memref<2000xf32, #tpu.memory_space<vmem>>
      tpu.wait_dma2 semaphore(%run_scoped3A_80 : memref<!tpu.dma_semaphore, #tpu.memory_space<semaphore_mem>>) src(%dma_wait3A_99 : memref<2000xf32, #tpu.memory_space<vmem>>) dst(%dma_wait3A_97 : memref<2000xf32, #tpu.memory_space<hbm>>)
      tpu.yield
    }) : () -> ()
    %run_scoped3A_67 = arith.constant 37 : i32
    "tpu.region"() ({
      %run_scoped3A_80 = tpu.sem_alloc : memref<!tpu.dma_semaphore, #tpu.memory_space<semaphore_mem>>
      %dma_start3A_81 = arith.constant 74000 : i32
      %dma_start3A_82 = tpu.memref_slice %arg9[%dma_start3A_81] : memref<100000xf32, #tpu.memory_space<vmem>> -> memref<2000xf32, #tpu.memory_space<vmem>>
      %dma_start3A_83 = arith.constant 0 : i32
      %dma_start3A_84 = tpu.memref_slice %arg4[%run_scoped3A_67, %add3A_30, %dma_start3A_83] : memref<50x32x2000xf32, #tpu.memory_space<hbm>> -> memref<1x1x2000xf32, #tpu.memory_space<hbm>>
      %dma_start3A_85 = tpu.memref_squeeze %dma_start3A_84 : memref<1x1x2000xf32, #tpu.memory_space<hbm>> -> memref<2000xf32, #tpu.memory_space<hbm>>
      %dma_start3A_86 = arith.constant 0 : i32
      %dma_start3A_87 = tpu.memref_slice %arg4[%run_scoped3A_67, %add3A_30, %dma_start3A_86] : memref<50x32x2000xf32, #tpu.memory_space<hbm>> -> memref<1x1x2000xf32, #tpu.memory_space<hbm>>
      %dma_start3A_88 = tpu.memref_squeeze %dma_start3A_87 : memref<1x1x2000xf32, #tpu.memory_space<hbm>> -> memref<2000xf32, #tpu.memory_space<hbm>>
      %dma_start3A_89 = arith.constant 74000 : i32
      %dma_start3A_90 = tpu.memref_slice %arg9[%dma_start3A_89] : memref<100000xf32, #tpu.memory_space<vmem>> -> memref<2000xf32, #tpu.memory_space<vmem>>
      tpu.enqueue_dma source(%dma_start3A_90 : memref<2000xf32, #tpu.memory_space<vmem>>) target(%dma_start3A_88 : memref<2000xf32, #tpu.memory_space<hbm>>) target_semaphore(%run_scoped3A_80 : memref<!tpu.dma_semaphore, #tpu.memory_space<semaphore_mem>>)
      %dma_wait3A = arith.constant 74000 : i32
      %dma_wait3A_91 = tpu.memref_slice %arg9[%dma_wait3A] : memref<100000xf32, #tpu.memory_space<vmem>> -> memref<2000xf32, #tpu.memory_space<vmem>>
      %dma_wait3A_92 = arith.constant 0 : i32
      %dma_wait3A_93 = tpu.memref_slice %arg4[%run_scoped3A_67, %add3A_30, %dma_wait3A_92] : memref<50x32x2000xf32, #tpu.memory_space<hbm>> -> memref<1x1x2000xf32, #tpu.memory_space<hbm>>
      %dma_wait3A_94 = tpu.memref_squeeze %dma_wait3A_93 : memref<1x1x2000xf32, #tpu.memory_space<hbm>> -> memref<2000xf32, #tpu.memory_space<hbm>>
      %dma_wait3A_95 = arith.constant 0 : i32
      %dma_wait3A_96 = tpu.memref_slice %arg4[%run_scoped3A_67, %add3A_30, %dma_wait3A_95] : memref<50x32x2000xf32, #tpu.memory_space<hbm>> -> memref<1x1x2000xf32, #tpu.memory_space<hbm>>
      %dma_wait3A_97 = tpu.memref_squeeze %dma_wait3A_96 : memref<1x1x2000xf32, #tpu.memory_space<hbm>> -> memref<2000xf32, #tpu.memory_space<hbm>>
      %dma_wait3A_98 = arith.constant 74000 : i32
      %dma_wait3A_99 = tpu.memref_slice %arg9[%dma_wait3A_98] : memref<100000xf32, #tpu.memory_space<vmem>> -> memref<2000xf32, #tpu.memory_space<vmem>>
      tpu.wait_dma2 semaphore(%run_scoped3A_80 : memref<!tpu.dma_semaphore, #tpu.memory_space<semaphore_mem>>) src(%dma_wait3A_99 : memref<2000xf32, #tpu.memory_space<vmem>>) dst(%dma_wait3A_97 : memref<2000xf32, #tpu.memory_space<hbm>>)
      tpu.yield
    }) : () -> ()
    %run_scoped3A_68 = arith.constant 38 : i32
    "tpu.region"() ({
      %run_scoped3A_80 = tpu.sem_alloc : memref<!tpu.dma_semaphore, #tpu.memory_space<semaphore_mem>>
      %dma_start3A_81 = arith.constant 76000 : i32
      %dma_start3A_82 = tpu.memref_slice %arg9[%dma_start3A_81] : memref<100000xf32, #tpu.memory_space<vmem>> -> memref<2000xf32, #tpu.memory_space<vmem>>
      %dma_start3A_83 = arith.constant 0 : i32
      %dma_start3A_84 = tpu.memref_slice %arg4[%run_scoped3A_68, %add3A_30, %dma_start3A_83] : memref<50x32x2000xf32, #tpu.memory_space<hbm>> -> memref<1x1x2000xf32, #tpu.memory_space<hbm>>
      %dma_start3A_85 = tpu.memref_squeeze %dma_start3A_84 : memref<1x1x2000xf32, #tpu.memory_space<hbm>> -> memref<2000xf32, #tpu.memory_space<hbm>>
      %dma_start3A_86 = arith.constant 0 : i32
      %dma_start3A_87 = tpu.memref_slice %arg4[%run_scoped3A_68, %add3A_30, %dma_start3A_86] : memref<50x32x2000xf32, #tpu.memory_space<hbm>> -> memref<1x1x2000xf32, #tpu.memory_space<hbm>>
      %dma_start3A_88 = tpu.memref_squeeze %dma_start3A_87 : memref<1x1x2000xf32, #tpu.memory_space<hbm>> -> memref<2000xf32, #tpu.memory_space<hbm>>
      %dma_start3A_89 = arith.constant 76000 : i32
      %dma_start3A_90 = tpu.memref_slice %arg9[%dma_start3A_89] : memref<100000xf32, #tpu.memory_space<vmem>> -> memref<2000xf32, #tpu.memory_space<vmem>>
      tpu.enqueue_dma source(%dma_start3A_90 : memref<2000xf32, #tpu.memory_space<vmem>>) target(%dma_start3A_88 : memref<2000xf32, #tpu.memory_space<hbm>>) target_semaphore(%run_scoped3A_80 : memref<!tpu.dma_semaphore, #tpu.memory_space<semaphore_mem>>)
      %dma_wait3A = arith.constant 76000 : i32
      %dma_wait3A_91 = tpu.memref_slice %arg9[%dma_wait3A] : memref<100000xf32, #tpu.memory_space<vmem>> -> memref<2000xf32, #tpu.memory_space<vmem>>
      %dma_wait3A_92 = arith.constant 0 : i32
      %dma_wait3A_93 = tpu.memref_slice %arg4[%run_scoped3A_68, %add3A_30, %dma_wait3A_92] : memref<50x32x2000xf32, #tpu.memory_space<hbm>> -> memref<1x1x2000xf32, #tpu.memory_space<hbm>>
      %dma_wait3A_94 = tpu.memref_squeeze %dma_wait3A_93 : memref<1x1x2000xf32, #tpu.memory_space<hbm>> -> memref<2000xf32, #tpu.memory_space<hbm>>
      %dma_wait3A_95 = arith.constant 0 : i32
      %dma_wait3A_96 = tpu.memref_slice %arg4[%run_scoped3A_68, %add3A_30, %dma_wait3A_95] : memref<50x32x2000xf32, #tpu.memory_space<hbm>> -> memref<1x1x2000xf32, #tpu.memory_space<hbm>>
      %dma_wait3A_97 = tpu.memref_squeeze %dma_wait3A_96 : memref<1x1x2000xf32, #tpu.memory_space<hbm>> -> memref<2000xf32, #tpu.memory_space<hbm>>
      %dma_wait3A_98 = arith.constant 76000 : i32
      %dma_wait3A_99 = tpu.memref_slice %arg9[%dma_wait3A_98] : memref<100000xf32, #tpu.memory_space<vmem>> -> memref<2000xf32, #tpu.memory_space<vmem>>
      tpu.wait_dma2 semaphore(%run_scoped3A_80 : memref<!tpu.dma_semaphore, #tpu.memory_space<semaphore_mem>>) src(%dma_wait3A_99 : memref<2000xf32, #tpu.memory_space<vmem>>) dst(%dma_wait3A_97 : memref<2000xf32, #tpu.memory_space<hbm>>)
      tpu.yield
    }) : () -> ()
    %run_scoped3A_69 = arith.constant 39 : i32
    "tpu.region"() ({
      %run_scoped3A_80 = tpu.sem_alloc : memref<!tpu.dma_semaphore, #tpu.memory_space<semaphore_mem>>
      %dma_start3A_81 = arith.constant 78000 : i32
      %dma_start3A_82 = tpu.memref_slice %arg9[%dma_start3A_81] : memref<100000xf32, #tpu.memory_space<vmem>> -> memref<2000xf32, #tpu.memory_space<vmem>>
      %dma_start3A_83 = arith.constant 0 : i32
      %dma_start3A_84 = tpu.memref_slice %arg4[%run_scoped3A_69, %add3A_30, %dma_start3A_83] : memref<50x32x2000xf32, #tpu.memory_space<hbm>> -> memref<1x1x2000xf32, #tpu.memory_space<hbm>>
      %dma_start3A_85 = tpu.memref_squeeze %dma_start3A_84 : memref<1x1x2000xf32, #tpu.memory_space<hbm>> -> memref<2000xf32, #tpu.memory_space<hbm>>
      %dma_start3A_86 = arith.constant 0 : i32
      %dma_start3A_87 = tpu.memref_slice %arg4[%run_scoped3A_69, %add3A_30, %dma_start3A_86] : memref<50x32x2000xf32, #tpu.memory_space<hbm>> -> memref<1x1x2000xf32, #tpu.memory_space<hbm>>
      %dma_start3A_88 = tpu.memref_squeeze %dma_start3A_87 : memref<1x1x2000xf32, #tpu.memory_space<hbm>> -> memref<2000xf32, #tpu.memory_space<hbm>>
      %dma_start3A_89 = arith.constant 78000 : i32
      %dma_start3A_90 = tpu.memref_slice %arg9[%dma_start3A_89] : memref<100000xf32, #tpu.memory_space<vmem>> -> memref<2000xf32, #tpu.memory_space<vmem>>
      tpu.enqueue_dma source(%dma_start3A_90 : memref<2000xf32, #tpu.memory_space<vmem>>) target(%dma_start3A_88 : memref<2000xf32, #tpu.memory_space<hbm>>) target_semaphore(%run_scoped3A_80 : memref<!tpu.dma_semaphore, #tpu.memory_space<semaphore_mem>>)
      %dma_wait3A = arith.constant 78000 : i32
      %dma_wait3A_91 = tpu.memref_slice %arg9[%dma_wait3A] : memref<100000xf32, #tpu.memory_space<vmem>> -> memref<2000xf32, #tpu.memory_space<vmem>>
      %dma_wait3A_92 = arith.constant 0 : i32
      %dma_wait3A_93 = tpu.memref_slice %arg4[%run_scoped3A_69, %add3A_30, %dma_wait3A_92] : memref<50x32x2000xf32, #tpu.memory_space<hbm>> -> memref<1x1x2000xf32, #tpu.memory_space<hbm>>
      %dma_wait3A_94 = tpu.memref_squeeze %dma_wait3A_93 : memref<1x1x2000xf32, #tpu.memory_space<hbm>> -> memref<2000xf32, #tpu.memory_space<hbm>>
      %dma_wait3A_95 = arith.constant 0 : i32
      %dma_wait3A_96 = tpu.memref_slice %arg4[%run_scoped3A_69, %add3A_30, %dma_wait3A_95] : memref<50x32x2000xf32, #tpu.memory_space<hbm>> -> memref<1x1x2000xf32, #tpu.memory_space<hbm>>
      %dma_wait3A_97 = tpu.memref_squeeze %dma_wait3A_96 : memref<1x1x2000xf32, #tpu.memory_space<hbm>> -> memref<2000xf32, #tpu.memory_space<hbm>>
      %dma_wait3A_98 = arith.constant 78000 : i32
      %dma_wait3A_99 = tpu.memref_slice %arg9[%dma_wait3A_98] : memref<100000xf32, #tpu.memory_space<vmem>> -> memref<2000xf32, #tpu.memory_space<vmem>>
      tpu.wait_dma2 semaphore(%run_scoped3A_80 : memref<!tpu.dma_semaphore, #tpu.memory_space<semaphore_mem>>) src(%dma_wait3A_99 : memref<2000xf32, #tpu.memory_space<vmem>>) dst(%dma_wait3A_97 : memref<2000xf32, #tpu.memory_space<hbm>>)
      tpu.yield
    }) : () -> ()
    %run_scoped3A_70 = arith.constant 40 : i32
    "tpu.region"() ({
      %run_scoped3A_80 = tpu.sem_alloc : memref<!tpu.dma_semaphore, #tpu.memory_space<semaphore_mem>>
      %dma_start3A_81 = arith.constant 80000 : i32
      %dma_start3A_82 = tpu.memref_slice %arg9[%dma_start3A_81] : memref<100000xf32, #tpu.memory_space<vmem>> -> memref<2000xf32, #tpu.memory_space<vmem>>
      %dma_start3A_83 = arith.constant 0 : i32
      %dma_start3A_84 = tpu.memref_slice %arg4[%run_scoped3A_70, %add3A_30, %dma_start3A_83] : memref<50x32x2000xf32, #tpu.memory_space<hbm>> -> memref<1x1x2000xf32, #tpu.memory_space<hbm>>
      %dma_start3A_85 = tpu.memref_squeeze %dma_start3A_84 : memref<1x1x2000xf32, #tpu.memory_space<hbm>> -> memref<2000xf32, #tpu.memory_space<hbm>>
      %dma_start3A_86 = arith.constant 0 : i32
      %dma_start3A_87 = tpu.memref_slice %arg4[%run_scoped3A_70, %add3A_30, %dma_start3A_86] : memref<50x32x2000xf32, #tpu.memory_space<hbm>> -> memref<1x1x2000xf32, #tpu.memory_space<hbm>>
      %dma_start3A_88 = tpu.memref_squeeze %dma_start3A_87 : memref<1x1x2000xf32, #tpu.memory_space<hbm>> -> memref<2000xf32, #tpu.memory_space<hbm>>
      %dma_start3A_89 = arith.constant 80000 : i32
      %dma_start3A_90 = tpu.memref_slice %arg9[%dma_start3A_89] : memref<100000xf32, #tpu.memory_space<vmem>> -> memref<2000xf32, #tpu.memory_space<vmem>>
      tpu.enqueue_dma source(%dma_start3A_90 : memref<2000xf32, #tpu.memory_space<vmem>>) target(%dma_start3A_88 : memref<2000xf32, #tpu.memory_space<hbm>>) target_semaphore(%run_scoped3A_80 : memref<!tpu.dma_semaphore, #tpu.memory_space<semaphore_mem>>)
      %dma_wait3A = arith.constant 80000 : i32
      %dma_wait3A_91 = tpu.memref_slice %arg9[%dma_wait3A] : memref<100000xf32, #tpu.memory_space<vmem>> -> memref<2000xf32, #tpu.memory_space<vmem>>
      %dma_wait3A_92 = arith.constant 0 : i32
      %dma_wait3A_93 = tpu.memref_slice %arg4[%run_scoped3A_70, %add3A_30, %dma_wait3A_92] : memref<50x32x2000xf32, #tpu.memory_space<hbm>> -> memref<1x1x2000xf32, #tpu.memory_space<hbm>>
      %dma_wait3A_94 = tpu.memref_squeeze %dma_wait3A_93 : memref<1x1x2000xf32, #tpu.memory_space<hbm>> -> memref<2000xf32, #tpu.memory_space<hbm>>
      %dma_wait3A_95 = arith.constant 0 : i32
      %dma_wait3A_96 = tpu.memref_slice %arg4[%run_scoped3A_70, %add3A_30, %dma_wait3A_95] : memref<50x32x2000xf32, #tpu.memory_space<hbm>> -> memref<1x1x2000xf32, #tpu.memory_space<hbm>>
      %dma_wait3A_97 = tpu.memref_squeeze %dma_wait3A_96 : memref<1x1x2000xf32, #tpu.memory_space<hbm>> -> memref<2000xf32, #tpu.memory_space<hbm>>
      %dma_wait3A_98 = arith.constant 80000 : i32
      %dma_wait3A_99 = tpu.memref_slice %arg9[%dma_wait3A_98] : memref<100000xf32, #tpu.memory_space<vmem>> -> memref<2000xf32, #tpu.memory_space<vmem>>
      tpu.wait_dma2 semaphore(%run_scoped3A_80 : memref<!tpu.dma_semaphore, #tpu.memory_space<semaphore_mem>>) src(%dma_wait3A_99 : memref<2000xf32, #tpu.memory_space<vmem>>) dst(%dma_wait3A_97 : memref<2000xf32, #tpu.memory_space<hbm>>)
      tpu.yield
    }) : () -> ()
    %run_scoped3A_71 = arith.constant 41 : i32
    "tpu.region"() ({
      %run_scoped3A_80 = tpu.sem_alloc : memref<!tpu.dma_semaphore, #tpu.memory_space<semaphore_mem>>
      %dma_start3A_81 = arith.constant 82000 : i32
      %dma_start3A_82 = tpu.memref_slice %arg9[%dma_start3A_81] : memref<100000xf32, #tpu.memory_space<vmem>> -> memref<2000xf32, #tpu.memory_space<vmem>>
      %dma_start3A_83 = arith.constant 0 : i32
      %dma_start3A_84 = tpu.memref_slice %arg4[%run_scoped3A_71, %add3A_30, %dma_start3A_83] : memref<50x32x2000xf32, #tpu.memory_space<hbm>> -> memref<1x1x2000xf32, #tpu.memory_space<hbm>>
      %dma_start3A_85 = tpu.memref_squeeze %dma_start3A_84 : memref<1x1x2000xf32, #tpu.memory_space<hbm>> -> memref<2000xf32, #tpu.memory_space<hbm>>
      %dma_start3A_86 = arith.constant 0 : i32
      %dma_start3A_87 = tpu.memref_slice %arg4[%run_scoped3A_71, %add3A_30, %dma_start3A_86] : memref<50x32x2000xf32, #tpu.memory_space<hbm>> -> memref<1x1x2000xf32, #tpu.memory_space<hbm>>
      %dma_start3A_88 = tpu.memref_squeeze %dma_start3A_87 : memref<1x1x2000xf32, #tpu.memory_space<hbm>> -> memref<2000xf32, #tpu.memory_space<hbm>>
      %dma_start3A_89 = arith.constant 82000 : i32
      %dma_start3A_90 = tpu.memref_slice %arg9[%dma_start3A_89] : memref<100000xf32, #tpu.memory_space<vmem>> -> memref<2000xf32, #tpu.memory_space<vmem>>
      tpu.enqueue_dma source(%dma_start3A_90 : memref<2000xf32, #tpu.memory_space<vmem>>) target(%dma_start3A_88 : memref<2000xf32, #tpu.memory_space<hbm>>) target_semaphore(%run_scoped3A_80 : memref<!tpu.dma_semaphore, #tpu.memory_space<semaphore_mem>>)
      %dma_wait3A = arith.constant 82000 : i32
      %dma_wait3A_91 = tpu.memref_slice %arg9[%dma_wait3A] : memref<100000xf32, #tpu.memory_space<vmem>> -> memref<2000xf32, #tpu.memory_space<vmem>>
      %dma_wait3A_92 = arith.constant 0 : i32
      %dma_wait3A_93 = tpu.memref_slice %arg4[%run_scoped3A_71, %add3A_30, %dma_wait3A_92] : memref<50x32x2000xf32, #tpu.memory_space<hbm>> -> memref<1x1x2000xf32, #tpu.memory_space<hbm>>
      %dma_wait3A_94 = tpu.memref_squeeze %dma_wait3A_93 : memref<1x1x2000xf32, #tpu.memory_space<hbm>> -> memref<2000xf32, #tpu.memory_space<hbm>>
      %dma_wait3A_95 = arith.constant 0 : i32
      %dma_wait3A_96 = tpu.memref_slice %arg4[%run_scoped3A_71, %add3A_30, %dma_wait3A_95] : memref<50x32x2000xf32, #tpu.memory_space<hbm>> -> memref<1x1x2000xf32, #tpu.memory_space<hbm>>
      %dma_wait3A_97 = tpu.memref_squeeze %dma_wait3A_96 : memref<1x1x2000xf32, #tpu.memory_space<hbm>> -> memref<2000xf32, #tpu.memory_space<hbm>>
      %dma_wait3A_98 = arith.constant 82000 : i32
      %dma_wait3A_99 = tpu.memref_slice %arg9[%dma_wait3A_98] : memref<100000xf32, #tpu.memory_space<vmem>> -> memref<2000xf32, #tpu.memory_space<vmem>>
      tpu.wait_dma2 semaphore(%run_scoped3A_80 : memref<!tpu.dma_semaphore, #tpu.memory_space<semaphore_mem>>) src(%dma_wait3A_99 : memref<2000xf32, #tpu.memory_space<vmem>>) dst(%dma_wait3A_97 : memref<2000xf32, #tpu.memory_space<hbm>>)
      tpu.yield
    }) : () -> ()
    %run_scoped3A_72 = arith.constant 42 : i32
    "tpu.region"() ({
      %run_scoped3A_80 = tpu.sem_alloc : memref<!tpu.dma_semaphore, #tpu.memory_space<semaphore_mem>>
      %dma_start3A_81 = arith.constant 84000 : i32
      %dma_start3A_82 = tpu.memref_slice %arg9[%dma_start3A_81] : memref<100000xf32, #tpu.memory_space<vmem>> -> memref<2000xf32, #tpu.memory_space<vmem>>
      %dma_start3A_83 = arith.constant 0 : i32
      %dma_start3A_84 = tpu.memref_slice %arg4[%run_scoped3A_72, %add3A_30, %dma_start3A_83] : memref<50x32x2000xf32, #tpu.memory_space<hbm>> -> memref<1x1x2000xf32, #tpu.memory_space<hbm>>
      %dma_start3A_85 = tpu.memref_squeeze %dma_start3A_84 : memref<1x1x2000xf32, #tpu.memory_space<hbm>> -> memref<2000xf32, #tpu.memory_space<hbm>>
      %dma_start3A_86 = arith.constant 0 : i32
      %dma_start3A_87 = tpu.memref_slice %arg4[%run_scoped3A_72, %add3A_30, %dma_start3A_86] : memref<50x32x2000xf32, #tpu.memory_space<hbm>> -> memref<1x1x2000xf32, #tpu.memory_space<hbm>>
      %dma_start3A_88 = tpu.memref_squeeze %dma_start3A_87 : memref<1x1x2000xf32, #tpu.memory_space<hbm>> -> memref<2000xf32, #tpu.memory_space<hbm>>
      %dma_start3A_89 = arith.constant 84000 : i32
      %dma_start3A_90 = tpu.memref_slice %arg9[%dma_start3A_89] : memref<100000xf32, #tpu.memory_space<vmem>> -> memref<2000xf32, #tpu.memory_space<vmem>>
      tpu.enqueue_dma source(%dma_start3A_90 : memref<2000xf32, #tpu.memory_space<vmem>>) target(%dma_start3A_88 : memref<2000xf32, #tpu.memory_space<hbm>>) target_semaphore(%run_scoped3A_80 : memref<!tpu.dma_semaphore, #tpu.memory_space<semaphore_mem>>)
      %dma_wait3A = arith.constant 84000 : i32
      %dma_wait3A_91 = tpu.memref_slice %arg9[%dma_wait3A] : memref<100000xf32, #tpu.memory_space<vmem>> -> memref<2000xf32, #tpu.memory_space<vmem>>
      %dma_wait3A_92 = arith.constant 0 : i32
      %dma_wait3A_93 = tpu.memref_slice %arg4[%run_scoped3A_72, %add3A_30, %dma_wait3A_92] : memref<50x32x2000xf32, #tpu.memory_space<hbm>> -> memref<1x1x2000xf32, #tpu.memory_space<hbm>>
      %dma_wait3A_94 = tpu.memref_squeeze %dma_wait3A_93 : memref<1x1x2000xf32, #tpu.memory_space<hbm>> -> memref<2000xf32, #tpu.memory_space<hbm>>
      %dma_wait3A_95 = arith.constant 0 : i32
      %dma_wait3A_96 = tpu.memref_slice %arg4[%run_scoped3A_72, %add3A_30, %dma_wait3A_95] : memref<50x32x2000xf32, #tpu.memory_space<hbm>> -> memref<1x1x2000xf32, #tpu.memory_space<hbm>>
      %dma_wait3A_97 = tpu.memref_squeeze %dma_wait3A_96 : memref<1x1x2000xf32, #tpu.memory_space<hbm>> -> memref<2000xf32, #tpu.memory_space<hbm>>
      %dma_wait3A_98 = arith.constant 84000 : i32
      %dma_wait3A_99 = tpu.memref_slice %arg9[%dma_wait3A_98] : memref<100000xf32, #tpu.memory_space<vmem>> -> memref<2000xf32, #tpu.memory_space<vmem>>
      tpu.wait_dma2 semaphore(%run_scoped3A_80 : memref<!tpu.dma_semaphore, #tpu.memory_space<semaphore_mem>>) src(%dma_wait3A_99 : memref<2000xf32, #tpu.memory_space<vmem>>) dst(%dma_wait3A_97 : memref<2000xf32, #tpu.memory_space<hbm>>)
      tpu.yield
    }) : () -> ()
    %run_scoped3A_73 = arith.constant 43 : i32
    "tpu.region"() ({
      %run_scoped3A_80 = tpu.sem_alloc : memref<!tpu.dma_semaphore, #tpu.memory_space<semaphore_mem>>
      %dma_start3A_81 = arith.constant 86000 : i32
      %dma_start3A_82 = tpu.memref_slice %arg9[%dma_start3A_81] : memref<100000xf32, #tpu.memory_space<vmem>> -> memref<2000xf32, #tpu.memory_space<vmem>>
      %dma_start3A_83 = arith.constant 0 : i32
      %dma_start3A_84 = tpu.memref_slice %arg4[%run_scoped3A_73, %add3A_30, %dma_start3A_83] : memref<50x32x2000xf32, #tpu.memory_space<hbm>> -> memref<1x1x2000xf32, #tpu.memory_space<hbm>>
      %dma_start3A_85 = tpu.memref_squeeze %dma_start3A_84 : memref<1x1x2000xf32, #tpu.memory_space<hbm>> -> memref<2000xf32, #tpu.memory_space<hbm>>
      %dma_start3A_86 = arith.constant 0 : i32
      %dma_start3A_87 = tpu.memref_slice %arg4[%run_scoped3A_73, %add3A_30, %dma_start3A_86] : memref<50x32x2000xf32, #tpu.memory_space<hbm>> -> memref<1x1x2000xf32, #tpu.memory_space<hbm>>
      %dma_start3A_88 = tpu.memref_squeeze %dma_start3A_87 : memref<1x1x2000xf32, #tpu.memory_space<hbm>> -> memref<2000xf32, #tpu.memory_space<hbm>>
      %dma_start3A_89 = arith.constant 86000 : i32
      %dma_start3A_90 = tpu.memref_slice %arg9[%dma_start3A_89] : memref<100000xf32, #tpu.memory_space<vmem>> -> memref<2000xf32, #tpu.memory_space<vmem>>
      tpu.enqueue_dma source(%dma_start3A_90 : memref<2000xf32, #tpu.memory_space<vmem>>) target(%dma_start3A_88 : memref<2000xf32, #tpu.memory_space<hbm>>) target_semaphore(%run_scoped3A_80 : memref<!tpu.dma_semaphore, #tpu.memory_space<semaphore_mem>>)
      %dma_wait3A = arith.constant 86000 : i32
      %dma_wait3A_91 = tpu.memref_slice %arg9[%dma_wait3A] : memref<100000xf32, #tpu.memory_space<vmem>> -> memref<2000xf32, #tpu.memory_space<vmem>>
      %dma_wait3A_92 = arith.constant 0 : i32
      %dma_wait3A_93 = tpu.memref_slice %arg4[%run_scoped3A_73, %add3A_30, %dma_wait3A_92] : memref<50x32x2000xf32, #tpu.memory_space<hbm>> -> memref<1x1x2000xf32, #tpu.memory_space<hbm>>
      %dma_wait3A_94 = tpu.memref_squeeze %dma_wait3A_93 : memref<1x1x2000xf32, #tpu.memory_space<hbm>> -> memref<2000xf32, #tpu.memory_space<hbm>>
      %dma_wait3A_95 = arith.constant 0 : i32
      %dma_wait3A_96 = tpu.memref_slice %arg4[%run_scoped3A_73, %add3A_30, %dma_wait3A_95] : memref<50x32x2000xf32, #tpu.memory_space<hbm>> -> memref<1x1x2000xf32, #tpu.memory_space<hbm>>
      %dma_wait3A_97 = tpu.memref_squeeze %dma_wait3A_96 : memref<1x1x2000xf32, #tpu.memory_space<hbm>> -> memref<2000xf32, #tpu.memory_space<hbm>>
      %dma_wait3A_98 = arith.constant 86000 : i32
      %dma_wait3A_99 = tpu.memref_slice %arg9[%dma_wait3A_98] : memref<100000xf32, #tpu.memory_space<vmem>> -> memref<2000xf32, #tpu.memory_space<vmem>>
      tpu.wait_dma2 semaphore(%run_scoped3A_80 : memref<!tpu.dma_semaphore, #tpu.memory_space<semaphore_mem>>) src(%dma_wait3A_99 : memref<2000xf32, #tpu.memory_space<vmem>>) dst(%dma_wait3A_97 : memref<2000xf32, #tpu.memory_space<hbm>>)
      tpu.yield
    }) : () -> ()
    %run_scoped3A_74 = arith.constant 44 : i32
    "tpu.region"() ({
      %run_scoped3A_80 = tpu.sem_alloc : memref<!tpu.dma_semaphore, #tpu.memory_space<semaphore_mem>>
      %dma_start3A_81 = arith.constant 88000 : i32
      %dma_start3A_82 = tpu.memref_slice %arg9[%dma_start3A_81] : memref<100000xf32, #tpu.memory_space<vmem>> -> memref<2000xf32, #tpu.memory_space<vmem>>
      %dma_start3A_83 = arith.constant 0 : i32
      %dma_start3A_84 = tpu.memref_slice %arg4[%run_scoped3A_74, %add3A_30, %dma_start3A_83] : memref<50x32x2000xf32, #tpu.memory_space<hbm>> -> memref<1x1x2000xf32, #tpu.memory_space<hbm>>
      %dma_start3A_85 = tpu.memref_squeeze %dma_start3A_84 : memref<1x1x2000xf32, #tpu.memory_space<hbm>> -> memref<2000xf32, #tpu.memory_space<hbm>>
      %dma_start3A_86 = arith.constant 0 : i32
      %dma_start3A_87 = tpu.memref_slice %arg4[%run_scoped3A_74, %add3A_30, %dma_start3A_86] : memref<50x32x2000xf32, #tpu.memory_space<hbm>> -> memref<1x1x2000xf32, #tpu.memory_space<hbm>>
      %dma_start3A_88 = tpu.memref_squeeze %dma_start3A_87 : memref<1x1x2000xf32, #tpu.memory_space<hbm>> -> memref<2000xf32, #tpu.memory_space<hbm>>
      %dma_start3A_89 = arith.constant 88000 : i32
      %dma_start3A_90 = tpu.memref_slice %arg9[%dma_start3A_89] : memref<100000xf32, #tpu.memory_space<vmem>> -> memref<2000xf32, #tpu.memory_space<vmem>>
      tpu.enqueue_dma source(%dma_start3A_90 : memref<2000xf32, #tpu.memory_space<vmem>>) target(%dma_start3A_88 : memref<2000xf32, #tpu.memory_space<hbm>>) target_semaphore(%run_scoped3A_80 : memref<!tpu.dma_semaphore, #tpu.memory_space<semaphore_mem>>)
      %dma_wait3A = arith.constant 88000 : i32
      %dma_wait3A_91 = tpu.memref_slice %arg9[%dma_wait3A] : memref<100000xf32, #tpu.memory_space<vmem>> -> memref<2000xf32, #tpu.memory_space<vmem>>
      %dma_wait3A_92 = arith.constant 0 : i32
      %dma_wait3A_93 = tpu.memref_slice %arg4[%run_scoped3A_74, %add3A_30, %dma_wait3A_92] : memref<50x32x2000xf32, #tpu.memory_space<hbm>> -> memref<1x1x2000xf32, #tpu.memory_space<hbm>>
      %dma_wait3A_94 = tpu.memref_squeeze %dma_wait3A_93 : memref<1x1x2000xf32, #tpu.memory_space<hbm>> -> memref<2000xf32, #tpu.memory_space<hbm>>
      %dma_wait3A_95 = arith.constant 0 : i32
      %dma_wait3A_96 = tpu.memref_slice %arg4[%run_scoped3A_74, %add3A_30, %dma_wait3A_95] : memref<50x32x2000xf32, #tpu.memory_space<hbm>> -> memref<1x1x2000xf32, #tpu.memory_space<hbm>>
      %dma_wait3A_97 = tpu.memref_squeeze %dma_wait3A_96 : memref<1x1x2000xf32, #tpu.memory_space<hbm>> -> memref<2000xf32, #tpu.memory_space<hbm>>
      %dma_wait3A_98 = arith.constant 88000 : i32
      %dma_wait3A_99 = tpu.memref_slice %arg9[%dma_wait3A_98] : memref<100000xf32, #tpu.memory_space<vmem>> -> memref<2000xf32, #tpu.memory_space<vmem>>
      tpu.wait_dma2 semaphore(%run_scoped3A_80 : memref<!tpu.dma_semaphore, #tpu.memory_space<semaphore_mem>>) src(%dma_wait3A_99 : memref<2000xf32, #tpu.memory_space<vmem>>) dst(%dma_wait3A_97 : memref<2000xf32, #tpu.memory_space<hbm>>)
      tpu.yield
    }) : () -> ()
    %run_scoped3A_75 = arith.constant 45 : i32
    "tpu.region"() ({
      %run_scoped3A_80 = tpu.sem_alloc : memref<!tpu.dma_semaphore, #tpu.memory_space<semaphore_mem>>
      %dma_start3A_81 = arith.constant 90000 : i32
      %dma_start3A_82 = tpu.memref_slice %arg9[%dma_start3A_81] : memref<100000xf32, #tpu.memory_space<vmem>> -> memref<2000xf32, #tpu.memory_space<vmem>>
      %dma_start3A_83 = arith.constant 0 : i32
      %dma_start3A_84 = tpu.memref_slice %arg4[%run_scoped3A_75, %add3A_30, %dma_start3A_83] : memref<50x32x2000xf32, #tpu.memory_space<hbm>> -> memref<1x1x2000xf32, #tpu.memory_space<hbm>>
      %dma_start3A_85 = tpu.memref_squeeze %dma_start3A_84 : memref<1x1x2000xf32, #tpu.memory_space<hbm>> -> memref<2000xf32, #tpu.memory_space<hbm>>
      %dma_start3A_86 = arith.constant 0 : i32
      %dma_start3A_87 = tpu.memref_slice %arg4[%run_scoped3A_75, %add3A_30, %dma_start3A_86] : memref<50x32x2000xf32, #tpu.memory_space<hbm>> -> memref<1x1x2000xf32, #tpu.memory_space<hbm>>
      %dma_start3A_88 = tpu.memref_squeeze %dma_start3A_87 : memref<1x1x2000xf32, #tpu.memory_space<hbm>> -> memref<2000xf32, #tpu.memory_space<hbm>>
      %dma_start3A_89 = arith.constant 90000 : i32
      %dma_start3A_90 = tpu.memref_slice %arg9[%dma_start3A_89] : memref<100000xf32, #tpu.memory_space<vmem>> -> memref<2000xf32, #tpu.memory_space<vmem>>
      tpu.enqueue_dma source(%dma_start3A_90 : memref<2000xf32, #tpu.memory_space<vmem>>) target(%dma_start3A_88 : memref<2000xf32, #tpu.memory_space<hbm>>) target_semaphore(%run_scoped3A_80 : memref<!tpu.dma_semaphore, #tpu.memory_space<semaphore_mem>>)
      %dma_wait3A = arith.constant 90000 : i32
      %dma_wait3A_91 = tpu.memref_slice %arg9[%dma_wait3A] : memref<100000xf32, #tpu.memory_space<vmem>> -> memref<2000xf32, #tpu.memory_space<vmem>>
      %dma_wait3A_92 = arith.constant 0 : i32
      %dma_wait3A_93 = tpu.memref_slice %arg4[%run_scoped3A_75, %add3A_30, %dma_wait3A_92] : memref<50x32x2000xf32, #tpu.memory_space<hbm>> -> memref<1x1x2000xf32, #tpu.memory_space<hbm>>
      %dma_wait3A_94 = tpu.memref_squeeze %dma_wait3A_93 : memref<1x1x2000xf32, #tpu.memory_space<hbm>> -> memref<2000xf32, #tpu.memory_space<hbm>>
      %dma_wait3A_95 = arith.constant 0 : i32
      %dma_wait3A_96 = tpu.memref_slice %arg4[%run_scoped3A_75, %add3A_30, %dma_wait3A_95] : memref<50x32x2000xf32, #tpu.memory_space<hbm>> -> memref<1x1x2000xf32, #tpu.memory_space<hbm>>
      %dma_wait3A_97 = tpu.memref_squeeze %dma_wait3A_96 : memref<1x1x2000xf32, #tpu.memory_space<hbm>> -> memref<2000xf32, #tpu.memory_space<hbm>>
      %dma_wait3A_98 = arith.constant 90000 : i32
      %dma_wait3A_99 = tpu.memref_slice %arg9[%dma_wait3A_98] : memref<100000xf32, #tpu.memory_space<vmem>> -> memref<2000xf32, #tpu.memory_space<vmem>>
      tpu.wait_dma2 semaphore(%run_scoped3A_80 : memref<!tpu.dma_semaphore, #tpu.memory_space<semaphore_mem>>) src(%dma_wait3A_99 : memref<2000xf32, #tpu.memory_space<vmem>>) dst(%dma_wait3A_97 : memref<2000xf32, #tpu.memory_space<hbm>>)
      tpu.yield
    }) : () -> ()
    %run_scoped3A_76 = arith.constant 46 : i32
    "tpu.region"() ({
      %run_scoped3A_80 = tpu.sem_alloc : memref<!tpu.dma_semaphore, #tpu.memory_space<semaphore_mem>>
      %dma_start3A_81 = arith.constant 92000 : i32
      %dma_start3A_82 = tpu.memref_slice %arg9[%dma_start3A_81] : memref<100000xf32, #tpu.memory_space<vmem>> -> memref<2000xf32, #tpu.memory_space<vmem>>
      %dma_start3A_83 = arith.constant 0 : i32
      %dma_start3A_84 = tpu.memref_slice %arg4[%run_scoped3A_76, %add3A_30, %dma_start3A_83] : memref<50x32x2000xf32, #tpu.memory_space<hbm>> -> memref<1x1x2000xf32, #tpu.memory_space<hbm>>
      %dma_start3A_85 = tpu.memref_squeeze %dma_start3A_84 : memref<1x1x2000xf32, #tpu.memory_space<hbm>> -> memref<2000xf32, #tpu.memory_space<hbm>>
      %dma_start3A_86 = arith.constant 0 : i32
      %dma_start3A_87 = tpu.memref_slice %arg4[%run_scoped3A_76, %add3A_30, %dma_start3A_86] : memref<50x32x2000xf32, #tpu.memory_space<hbm>> -> memref<1x1x2000xf32, #tpu.memory_space<hbm>>
      %dma_start3A_88 = tpu.memref_squeeze %dma_start3A_87 : memref<1x1x2000xf32, #tpu.memory_space<hbm>> -> memref<2000xf32, #tpu.memory_space<hbm>>
      %dma_start3A_89 = arith.constant 92000 : i32
      %dma_start3A_90 = tpu.memref_slice %arg9[%dma_start3A_89] : memref<100000xf32, #tpu.memory_space<vmem>> -> memref<2000xf32, #tpu.memory_space<vmem>>
      tpu.enqueue_dma source(%dma_start3A_90 : memref<2000xf32, #tpu.memory_space<vmem>>) target(%dma_start3A_88 : memref<2000xf32, #tpu.memory_space<hbm>>) target_semaphore(%run_scoped3A_80 : memref<!tpu.dma_semaphore, #tpu.memory_space<semaphore_mem>>)
      %dma_wait3A = arith.constant 92000 : i32
      %dma_wait3A_91 = tpu.memref_slice %arg9[%dma_wait3A] : memref<100000xf32, #tpu.memory_space<vmem>> -> memref<2000xf32, #tpu.memory_space<vmem>>
      %dma_wait3A_92 = arith.constant 0 : i32
      %dma_wait3A_93 = tpu.memref_slice %arg4[%run_scoped3A_76, %add3A_30, %dma_wait3A_92] : memref<50x32x2000xf32, #tpu.memory_space<hbm>> -> memref<1x1x2000xf32, #tpu.memory_space<hbm>>
      %dma_wait3A_94 = tpu.memref_squeeze %dma_wait3A_93 : memref<1x1x2000xf32, #tpu.memory_space<hbm>> -> memref<2000xf32, #tpu.memory_space<hbm>>
      %dma_wait3A_95 = arith.constant 0 : i32
      %dma_wait3A_96 = tpu.memref_slice %arg4[%run_scoped3A_76, %add3A_30, %dma_wait3A_95] : memref<50x32x2000xf32, #tpu.memory_space<hbm>> -> memref<1x1x2000xf32, #tpu.memory_space<hbm>>
      %dma_wait3A_97 = tpu.memref_squeeze %dma_wait3A_96 : memref<1x1x2000xf32, #tpu.memory_space<hbm>> -> memref<2000xf32, #tpu.memory_space<hbm>>
      %dma_wait3A_98 = arith.constant 92000 : i32
      %dma_wait3A_99 = tpu.memref_slice %arg9[%dma_wait3A_98] : memref<100000xf32, #tpu.memory_space<vmem>> -> memref<2000xf32, #tpu.memory_space<vmem>>
      tpu.wait_dma2 semaphore(%run_scoped3A_80 : memref<!tpu.dma_semaphore, #tpu.memory_space<semaphore_mem>>) src(%dma_wait3A_99 : memref<2000xf32, #tpu.memory_space<vmem>>) dst(%dma_wait3A_97 : memref<2000xf32, #tpu.memory_space<hbm>>)
      tpu.yield
    }) : () -> ()
    %run_scoped3A_77 = arith.constant 47 : i32
    "tpu.region"() ({
      %run_scoped3A_80 = tpu.sem_alloc : memref<!tpu.dma_semaphore, #tpu.memory_space<semaphore_mem>>
      %dma_start3A_81 = arith.constant 94000 : i32
      %dma_start3A_82 = tpu.memref_slice %arg9[%dma_start3A_81] : memref<100000xf32, #tpu.memory_space<vmem>> -> memref<2000xf32, #tpu.memory_space<vmem>>
      %dma_start3A_83 = arith.constant 0 : i32
      %dma_start3A_84 = tpu.memref_slice %arg4[%run_scoped3A_77, %add3A_30, %dma_start3A_83] : memref<50x32x2000xf32, #tpu.memory_space<hbm>> -> memref<1x1x2000xf32, #tpu.memory_space<hbm>>
      %dma_start3A_85 = tpu.memref_squeeze %dma_start3A_84 : memref<1x1x2000xf32, #tpu.memory_space<hbm>> -> memref<2000xf32, #tpu.memory_space<hbm>>
      %dma_start3A_86 = arith.constant 0 : i32
      %dma_start3A_87 = tpu.memref_slice %arg4[%run_scoped3A_77, %add3A_30, %dma_start3A_86] : memref<50x32x2000xf32, #tpu.memory_space<hbm>> -> memref<1x1x2000xf32, #tpu.memory_space<hbm>>
      %dma_start3A_88 = tpu.memref_squeeze %dma_start3A_87 : memref<1x1x2000xf32, #tpu.memory_space<hbm>> -> memref<2000xf32, #tpu.memory_space<hbm>>
      %dma_start3A_89 = arith.constant 94000 : i32
      %dma_start3A_90 = tpu.memref_slice %arg9[%dma_start3A_89] : memref<100000xf32, #tpu.memory_space<vmem>> -> memref<2000xf32, #tpu.memory_space<vmem>>
      tpu.enqueue_dma source(%dma_start3A_90 : memref<2000xf32, #tpu.memory_space<vmem>>) target(%dma_start3A_88 : memref<2000xf32, #tpu.memory_space<hbm>>) target_semaphore(%run_scoped3A_80 : memref<!tpu.dma_semaphore, #tpu.memory_space<semaphore_mem>>)
      %dma_wait3A = arith.constant 94000 : i32
      %dma_wait3A_91 = tpu.memref_slice %arg9[%dma_wait3A] : memref<100000xf32, #tpu.memory_space<vmem>> -> memref<2000xf32, #tpu.memory_space<vmem>>
      %dma_wait3A_92 = arith.constant 0 : i32
      %dma_wait3A_93 = tpu.memref_slice %arg4[%run_scoped3A_77, %add3A_30, %dma_wait3A_92] : memref<50x32x2000xf32, #tpu.memory_space<hbm>> -> memref<1x1x2000xf32, #tpu.memory_space<hbm>>
      %dma_wait3A_94 = tpu.memref_squeeze %dma_wait3A_93 : memref<1x1x2000xf32, #tpu.memory_space<hbm>> -> memref<2000xf32, #tpu.memory_space<hbm>>
      %dma_wait3A_95 = arith.constant 0 : i32
      %dma_wait3A_96 = tpu.memref_slice %arg4[%run_scoped3A_77, %add3A_30, %dma_wait3A_95] : memref<50x32x2000xf32, #tpu.memory_space<hbm>> -> memref<1x1x2000xf32, #tpu.memory_space<hbm>>
      %dma_wait3A_97 = tpu.memref_squeeze %dma_wait3A_96 : memref<1x1x2000xf32, #tpu.memory_space<hbm>> -> memref<2000xf32, #tpu.memory_space<hbm>>
      %dma_wait3A_98 = arith.constant 94000 : i32
      %dma_wait3A_99 = tpu.memref_slice %arg9[%dma_wait3A_98] : memref<100000xf32, #tpu.memory_space<vmem>> -> memref<2000xf32, #tpu.memory_space<vmem>>
      tpu.wait_dma2 semaphore(%run_scoped3A_80 : memref<!tpu.dma_semaphore, #tpu.memory_space<semaphore_mem>>) src(%dma_wait3A_99 : memref<2000xf32, #tpu.memory_space<vmem>>) dst(%dma_wait3A_97 : memref<2000xf32, #tpu.memory_space<hbm>>)
      tpu.yield
    }) : () -> ()
    %run_scoped3A_78 = arith.constant 48 : i32
    "tpu.region"() ({
      %run_scoped3A_80 = tpu.sem_alloc : memref<!tpu.dma_semaphore, #tpu.memory_space<semaphore_mem>>
      %dma_start3A_81 = arith.constant 96000 : i32
      %dma_start3A_82 = tpu.memref_slice %arg9[%dma_start3A_81] : memref<100000xf32, #tpu.memory_space<vmem>> -> memref<2000xf32, #tpu.memory_space<vmem>>
      %dma_start3A_83 = arith.constant 0 : i32
      %dma_start3A_84 = tpu.memref_slice %arg4[%run_scoped3A_78, %add3A_30, %dma_start3A_83] : memref<50x32x2000xf32, #tpu.memory_space<hbm>> -> memref<1x1x2000xf32, #tpu.memory_space<hbm>>
      %dma_start3A_85 = tpu.memref_squeeze %dma_start3A_84 : memref<1x1x2000xf32, #tpu.memory_space<hbm>> -> memref<2000xf32, #tpu.memory_space<hbm>>
      %dma_start3A_86 = arith.constant 0 : i32
      %dma_start3A_87 = tpu.memref_slice %arg4[%run_scoped3A_78, %add3A_30, %dma_start3A_86] : memref<50x32x2000xf32, #tpu.memory_space<hbm>> -> memref<1x1x2000xf32, #tpu.memory_space<hbm>>
      %dma_start3A_88 = tpu.memref_squeeze %dma_start3A_87 : memref<1x1x2000xf32, #tpu.memory_space<hbm>> -> memref<2000xf32, #tpu.memory_space<hbm>>
      %dma_start3A_89 = arith.constant 96000 : i32
      %dma_start3A_90 = tpu.memref_slice %arg9[%dma_start3A_89] : memref<100000xf32, #tpu.memory_space<vmem>> -> memref<2000xf32, #tpu.memory_space<vmem>>
      tpu.enqueue_dma source(%dma_start3A_90 : memref<2000xf32, #tpu.memory_space<vmem>>) target(%dma_start3A_88 : memref<2000xf32, #tpu.memory_space<hbm>>) target_semaphore(%run_scoped3A_80 : memref<!tpu.dma_semaphore, #tpu.memory_space<semaphore_mem>>)
      %dma_wait3A = arith.constant 96000 : i32
      %dma_wait3A_91 = tpu.memref_slice %arg9[%dma_wait3A] : memref<100000xf32, #tpu.memory_space<vmem>> -> memref<2000xf32, #tpu.memory_space<vmem>>
      %dma_wait3A_92 = arith.constant 0 : i32
      %dma_wait3A_93 = tpu.memref_slice %arg4[%run_scoped3A_78, %add3A_30, %dma_wait3A_92] : memref<50x32x2000xf32, #tpu.memory_space<hbm>> -> memref<1x1x2000xf32, #tpu.memory_space<hbm>>
      %dma_wait3A_94 = tpu.memref_squeeze %dma_wait3A_93 : memref<1x1x2000xf32, #tpu.memory_space<hbm>> -> memref<2000xf32, #tpu.memory_space<hbm>>
      %dma_wait3A_95 = arith.constant 0 : i32
      %dma_wait3A_96 = tpu.memref_slice %arg4[%run_scoped3A_78, %add3A_30, %dma_wait3A_95] : memref<50x32x2000xf32, #tpu.memory_space<hbm>> -> memref<1x1x2000xf32, #tpu.memory_space<hbm>>
      %dma_wait3A_97 = tpu.memref_squeeze %dma_wait3A_96 : memref<1x1x2000xf32, #tpu.memory_space<hbm>> -> memref<2000xf32, #tpu.memory_space<hbm>>
      %dma_wait3A_98 = arith.constant 96000 : i32
      %dma_wait3A_99 = tpu.memref_slice %arg9[%dma_wait3A_98] : memref<100000xf32, #tpu.memory_space<vmem>> -> memref<2000xf32, #tpu.memory_space<vmem>>
      tpu.wait_dma2 semaphore(%run_scoped3A_80 : memref<!tpu.dma_semaphore, #tpu.memory_space<semaphore_mem>>) src(%dma_wait3A_99 : memref<2000xf32, #tpu.memory_space<vmem>>) dst(%dma_wait3A_97 : memref<2000xf32, #tpu.memory_space<hbm>>)
      tpu.yield
    }) : () -> ()
    %run_scoped3A_79 = arith.constant 49 : i32
    "tpu.region"() ({
      %run_scoped3A_80 = tpu.sem_alloc : memref<!tpu.dma_semaphore, #tpu.memory_space<semaphore_mem>>
      %dma_start3A_81 = arith.constant 98000 : i32
      %dma_start3A_82 = tpu.memref_slice %arg9[%dma_start3A_81] : memref<100000xf32, #tpu.memory_space<vmem>> -> memref<2000xf32, #tpu.memory_space<vmem>>
      %dma_start3A_83 = arith.constant 0 : i32
      %dma_start3A_84 = tpu.memref_slice %arg4[%run_scoped3A_79, %add3A_30, %dma_start3A_83] : memref<50x32x2000xf32, #tpu.memory_space<hbm>> -> memref<1x1x2000xf32, #tpu.memory_space<hbm>>
      %dma_start3A_85 = tpu.memref_squeeze %dma_start3A_84 : memref<1x1x2000xf32, #tpu.memory_space<hbm>> -> memref<2000xf32, #tpu.memory_space<hbm>>
      %dma_start3A_86 = arith.constant 0 : i32
      %dma_start3A_87 = tpu.memref_slice %arg4[%run_scoped3A_79, %add3A_30, %dma_start3A_86] : memref<50x32x2000xf32, #tpu.memory_space<hbm>> -> memref<1x1x2000xf32, #tpu.memory_space<hbm>>
      %dma_start3A_88 = tpu.memref_squeeze %dma_start3A_87 : memref<1x1x2000xf32, #tpu.memory_space<hbm>> -> memref<2000xf32, #tpu.memory_space<hbm>>
      %dma_start3A_89 = arith.constant 98000 : i32
      %dma_start3A_90 = tpu.memref_slice %arg9[%dma_start3A_89] : memref<100000xf32, #tpu.memory_space<vmem>> -> memref<2000xf32, #tpu.memory_space<vmem>>
      tpu.enqueue_dma source(%dma_start3A_90 : memref<2000xf32, #tpu.memory_space<vmem>>) target(%dma_start3A_88 : memref<2000xf32, #tpu.memory_space<hbm>>) target_semaphore(%run_scoped3A_80 : memref<!tpu.dma_semaphore, #tpu.memory_space<semaphore_mem>>)
      %dma_wait3A = arith.constant 98000 : i32
      %dma_wait3A_91 = tpu.memref_slice %arg9[%dma_wait3A] : memref<100000xf32, #tpu.memory_space<vmem>> -> memref<2000xf32, #tpu.memory_space<vmem>>
      %dma_wait3A_92 = arith.constant 0 : i32
      %dma_wait3A_93 = tpu.memref_slice %arg4[%run_scoped3A_79, %add3A_30, %dma_wait3A_92] : memref<50x32x2000xf32, #tpu.memory_space<hbm>> -> memref<1x1x2000xf32, #tpu.memory_space<hbm>>
      %dma_wait3A_94 = tpu.memref_squeeze %dma_wait3A_93 : memref<1x1x2000xf32, #tpu.memory_space<hbm>> -> memref<2000xf32, #tpu.memory_space<hbm>>
      %dma_wait3A_95 = arith.constant 0 : i32
      %dma_wait3A_96 = tpu.memref_slice %arg4[%run_scoped3A_79, %add3A_30, %dma_wait3A_95] : memref<50x32x2000xf32, #tpu.memory_space<hbm>> -> memref<1x1x2000xf32, #tpu.memory_space<hbm>>
      %dma_wait3A_97 = tpu.memref_squeeze %dma_wait3A_96 : memref<1x1x2000xf32, #tpu.memory_space<hbm>> -> memref<2000xf32, #tpu.memory_space<hbm>>
      %dma_wait3A_98 = arith.constant 98000 : i32
      %dma_wait3A_99 = tpu.memref_slice %arg9[%dma_wait3A_98] : memref<100000xf32, #tpu.memory_space<vmem>> -> memref<2000xf32, #tpu.memory_space<vmem>>
      tpu.wait_dma2 semaphore(%run_scoped3A_80 : memref<!tpu.dma_semaphore, #tpu.memory_space<semaphore_mem>>) src(%dma_wait3A_99 : memref<2000xf32, #tpu.memory_space<vmem>>) dst(%dma_wait3A_97 : memref<2000xf32, #tpu.memory_space<hbm>>)
      tpu.yield
    }) : () -> ()
    return
  }
}

module attributes {stable_mosaic.version = 14 : i64} {
  func.func @_bond_ce_body(%arg0: i32, %arg1: memref<200x1024xf32, #tpu.memory_space<vmem>>, %arg2: memref<200x128xi32, #tpu.memory_space<vmem>>, %arg3: memref<1024x128xf32, #tpu.memory_space<vmem>>, %arg4: memref<128x1024xf32, #tpu.memory_space<vmem>>, %arg5: memref<25600xf32, #tpu.memory_space<vmem>>) attributes {dimension_semantics = [#tpu.dimension_semantics<arbitrary>], iteration_bounds = array<i64: 128>, scalar_prefetch = 0 : i64, scratch_operands = 0 : i64, tpu.core_type = #tpu.core_type<tc>, window_params = [{transform_indices = @transform_0, window_bounds = array<i64: 200, 1024>}, {transform_indices = @transform_1, window_bounds = array<i64: 200, 128>}, {pipeline_mode = #tpu.pipeline_mode<synchronous>, transform_indices = @transform_2, window_bounds = array<i64: 1024, 128>}, {pipeline_mode = #tpu.pipeline_mode<synchronous>, transform_indices = @transform_3, window_bounds = array<i64: 128, 1024>}, {transform_indices = @transform_4, window_bounds = array<i64: 25600>}]} {
    %get3A = arith.constant 0 : index
    %get3A_0 = arith.constant 0 : index
    %get3A_1 = vector.load %arg1[%get3A, %get3A_0] : memref<200x1024xf32, #tpu.memory_space<vmem>>, vector<200x1024xf32>
    %get3A_2 = arith.constant 0 : index
    %get3A_3 = arith.constant 0 : index
    %get3A_4 = vector.load %arg2[%get3A_2, %get3A_3] : memref<200x128xi32, #tpu.memory_space<vmem>>, vector<200x128xi32>
    %convert_element_type3A = arith.sitofp %get3A_4 : vector<200x128xi32> to vector<200x128xf32>
    %get3A_5 = arith.constant 0 : index
    %get3A_6 = arith.constant 0 : index
    %get3A_7 = vector.load %arg3[%get3A_5, %get3A_6] : memref<1024x128xf32, #tpu.memory_space<vmem>>, vector<1024x128xf32>
    %reduce_max3A = arith.constant dense<0xFF800000> : vector<200xf32>
    %reduce_max3A_8 = vector.multi_reduction <maximumf>, %get3A_1, %reduce_max3A [1] : vector<200x1024xf32> to vector<200xf32>
    %broadcast_in_dim3A = vector.shape_cast %reduce_max3A_8 : vector<200xf32> to vector<200x1xf32>
    %sub3A = vector.broadcast %broadcast_in_dim3A : vector<200x1xf32> to vector<200x1024xf32>
    %sub3A_9 = arith.subf %get3A_1, %sub3A : vector<200x1024xf32>
    %exp3A = math.exp %sub3A_9 : vector<200x1024xf32>
    %get3A_10 = arith.constant 0 : index
    %get3A_11 = arith.constant 0 : index
    %get3A_12 = vector.load %arg4[%get3A_10, %get3A_11] : memref<128x1024xf32, #tpu.memory_space<vmem>>, vector<128x1024xf32>
    %dot_general3A = arith.constant dense<0.000000e+00> : vector<200x1024xf32>
    %dot_general3A_13 = tpu.matmul %convert_element_type3A, %get3A_12, %dot_general3A {dimension_numbers = #tpu.dot_dimension_numbers<[1], [0], [0], [1], [0, 0, 1, 1], [], []>, transpose_lhs_hint = false} : vector<200x128xf32>, vector<128x1024xf32>, vector<200x1024xf32> -> vector<200x1024xf32>
    %iota3A = tpu.iota {dimensions = array<i32: 1>} : vector<200x1024xi32>
    %and3A = arith.constant 7 : i32
    %and3A_14 = vector.broadcast %and3A : i32 to vector<200x1024xi32>
    %and3A_15 = arith.andi %iota3A, %and3A_14 : vector<200x1024xi32>
    %convert_element_type3A_16 = arith.sitofp %and3A_15 : vector<200x1024xi32> to vector<200x1024xf32>
    %eq3A = arith.cmpf oeq, %convert_element_type3A_16, %dot_general3A_13 : vector<200x1024xf32>
    %jit3A = arith.constant 0.000000e+00 : f32
    %broadcast_in_dim3A_17 = vector.broadcast %jit3A : f32 to vector<200x1024xf32>
    %select_n3A = arith.select %eq3A, %get3A_1, %broadcast_in_dim3A_17 : vector<200x1024xi1>, vector<200x1024xf32>
    %concatenate3A = tpu.concatenate %exp3A, %select_n3A in 0 : vector<200x1024xf32>, vector<200x1024xf32> -> vector<400x1024xf32>
    %dot_general3A_18 = arith.constant dense<0.000000e+00> : vector<400x128xf32>
    %dot_general3A_19 = tpu.matmul %concatenate3A, %get3A_7, %dot_general3A_18 {dimension_numbers = #tpu.dot_dimension_numbers<[1], [0], [0], [1], [0, 0, 1, 1], [], []>, precision = #tpu.contract_precision<fp32>, transpose_lhs_hint = false} : vector<400x1024xf32>, vector<1024x128xf32>, vector<400x128xf32> -> vector<400x128xf32>
    %slice3A = vector.extract_strided_slice %dot_general3A_19 {offsets = [0, 0], sizes = [200, 128], strides = [1, 1]} : vector<400x128xf32> to vector<200x128xf32>
    %log3A = math.log %slice3A : vector<200x128xf32>
    %add3A = vector.broadcast %broadcast_in_dim3A : vector<200x1xf32> to vector<200x128xf32>
    %add3A_20 = arith.addf %log3A, %add3A : vector<200x128xf32>
    %slice3A_21 = vector.extract_strided_slice %dot_general3A_19 {offsets = [200, 0], sizes = [200, 128], strides = [1, 1]} : vector<400x128xf32> to vector<200x128xf32>
    %sub3A_22 = arith.subf %add3A_20, %slice3A_21 : vector<200x128xf32>
    %mul3A = arith.constant 25600 : i32
    %mul3A_23 = arith.muli %arg0, %mul3A : i32
    %iota3A_24 = tpu.iota {dimensions = array<i32: 0>} : vector<200x128xi32>
    %mul3A_25 = arith.constant 128 : i32
    %mul3A_26 = vector.broadcast %mul3A_25 : i32 to vector<200x128xi32>
    %mul3A_27 = arith.muli %iota3A_24, %mul3A_26 : vector<200x128xi32>
    %add3A_28 = vector.broadcast %mul3A_23 : i32 to vector<200x128xi32>
    %add3A_29 = arith.addi %add3A_28, %mul3A_27 : vector<200x128xi32>
    %iota3A_30 = tpu.iota {dimensions = array<i32: 1>} : vector<200x128xi32>
    %add3A_31 = arith.addi %add3A_29, %iota3A_30 : vector<200x128xi32>
    %lt3A = arith.constant 3200000 : i32
    %lt3A_32 = vector.broadcast %lt3A : i32 to vector<200x128xi32>
    %lt3A_33 = arith.cmpi slt, %add3A_31, %lt3A_32 : vector<200x128xi32>
    %jit3A_34 = arith.constant 0.000000e+00 : f32
    %broadcast_in_dim3A_35 = vector.broadcast %jit3A_34 : f32 to vector<200x128xf32>
    %select_n3A_36 = arith.select %lt3A_33, %sub3A_22, %broadcast_in_dim3A_35 : vector<200x128xi1>, vector<200x128xf32>
    %reshape3A = vector.shape_cast %select_n3A_36 : vector<200x128xf32> to vector<25600xf32>
    %swap3A = arith.constant 0 : index
    %swap3A_37 = vector.load %arg5[%swap3A] : memref<25600xf32, #tpu.memory_space<vmem>>, vector<25600xf32>
    tpu.vector_store %arg5[%swap3A], %reshape3A {strides = array<i32>} : memref<25600xf32, #tpu.memory_space<vmem>>, vector<25600xf32>,
    return
  }
  func.func @transform_0(%arg0: i32) -> (i32, i32) {
    %min3A = arith.constant 124 : i32
    %min3A_0 = arith.minsi %arg0, %min3A : i32
    %c0_i32 = arith.constant 0 : i32
    %c0_i32_1 = arith.constant 0 : i32
    return %min3A_0, %c0_i32 : i32, i32
  }
  func.func @transform_1(%arg0: i32) -> (i32, i32) {
    %min3A = arith.constant 124 : i32
    %min3A_0 = arith.minsi %arg0, %min3A : i32
    %c0_i32 = arith.constant 0 : i32
    %c0_i32_1 = arith.constant 0 : i32
    return %min3A_0, %c0_i32 : i32, i32
  }
  func.func @transform_2(%arg0: i32) -> (i32, i32) {
    %c0_i32 = arith.constant 0 : i32
    %c0_i32_0 = arith.constant 0 : i32
    %c0_i32_1 = arith.constant 0 : i32
    return %c0_i32, %c0_i32_0 : i32, i32
  }
  func.func @transform_3(%arg0: i32) -> (i32, i32) {
    %c0_i32 = arith.constant 0 : i32
    %c0_i32_0 = arith.constant 0 : i32
    %c0_i32_1 = arith.constant 0 : i32
    return %c0_i32, %c0_i32_0 : i32, i32
  }
  func.func @transform_4(%arg0: i32) -> i32 {
    %c0_i32 = arith.constant 0 : i32
    return %arg0 : i32
  }
}

module attributes {stable_mosaic.version = 14 : i64} {
  func.func @_atom_side_body(%arg0: i32, %arg1: memref<2000x3xf32, #tpu.memory_space<vmem>>, %arg2: memref<2000x3xf32, #tpu.memory_space<vmem>>, %arg3: memref<2000x1xi32, #tpu.memory_space<vmem>>, %arg4: memref<2000x64xf32, #tpu.memory_space<vmem>>, %arg5: memref<2000x1xi32, #tpu.memory_space<vmem>>, %arg6: memref<2000x8xf32, #tpu.memory_space<vmem>>, %arg7: memref<2000x1xi32, #tpu.memory_space<vmem>>, %arg8: memref<1x32x2000xf32, #tpu.memory_space<vmem>>, %arg9: memref<512x1xf32, #tpu.memory_space<vmem>>, %arg10: memref<1x8xf32, #tpu.memory_space<vmem>>, %arg11: memref<512x8xf32, #tpu.memory_space<vmem>>, %arg12: memref<8x512xf32, #tpu.memory_space<vmem>>) attributes {dimension_semantics = [#tpu.dimension_semantics<arbitrary>], iteration_bounds = array<i64: 50>, scalar_prefetch = 0 : i64, scratch_operands = 2 : i64, tpu.core_type = #tpu.core_type<tc>, window_params = [{transform_indices = @transform_0, window_bounds = array<i64: 2000, 3>}, {transform_indices = @transform_1, window_bounds = array<i64: 2000, 3>}, {transform_indices = @transform_2, window_bounds = array<i64: 2000, 1>}, {transform_indices = @transform_3, window_bounds = array<i64: 2000, 64>}, {transform_indices = @transform_4, window_bounds = array<i64: 2000, 1>}, {transform_indices = @transform_5, window_bounds = array<i64: 2000, 8>}, {transform_indices = @transform_6, window_bounds = array<i64: 2000, 1>}, {transform_indices = @transform_7, window_bounds = array<i64: 1, 32, 2000>}, {pipeline_mode = #tpu.pipeline_mode<synchronous>, transform_indices = @transform_8, window_bounds = array<i64: 512, 1>}, {pipeline_mode = #tpu.pipeline_mode<synchronous>, transform_indices = @transform_9, window_bounds = array<i64: 1, 8>}]} {
    %eq3A = arith.constant 0 : i32
    %eq3A_0 = arith.cmpi eq, %arg0, %eq3A : i32
    %convert_element_type3A = arith.extui %eq3A_0 : i1 to i32
    %cond3A = arith.constant 0 : i32
    %cond3A_1 = arith.cmpi ne, %convert_element_type3A, %cond3A : i32
    scf.if %cond3A_1 {
      %broadcast_in_dim3A_116 = arith.constant 0.000000e+00 : f32
      %broadcast_in_dim3A_117 = vector.broadcast %broadcast_in_dim3A_116 : f32 to vector<512x8xf32>
      %swap3A_118 = arith.constant 0 : index
      %swap3A_119 = arith.constant 0 : index
      %swap3A_120 = vector.load %arg11[%swap3A_118, %swap3A_119] : memref<512x8xf32, #tpu.memory_space<vmem>>, vector<512x8xf32>
      tpu.vector_store %arg11[%swap3A_118, %swap3A_119], %broadcast_in_dim3A_117 {strides = array<i32>} : memref<512x8xf32, #tpu.memory_space<vmem>>, vector<512x8xf32>,
      %broadcast_in_dim3A_121 = arith.constant 0.000000e+00 : f32
      %broadcast_in_dim3A_122 = vector.broadcast %broadcast_in_dim3A_121 : f32 to vector<8x512xf32>
      %swap3A_123 = arith.constant 0 : index
      %swap3A_124 = arith.constant 0 : index
      %swap3A_125 = vector.load %arg12[%swap3A_123, %swap3A_124] : memref<8x512xf32, #tpu.memory_space<vmem>>, vector<8x512xf32>
      tpu.vector_store %arg12[%swap3A_123, %swap3A_124], %broadcast_in_dim3A_122 {strides = array<i32>} : memref<8x512xf32, #tpu.memory_space<vmem>>, vector<8x512xf32>,
    } else {
    }
    %get3A = arith.constant 0 : index
    %get3A_2 = arith.constant 0 : index
    %get3A_3 = vector.load %arg2[%get3A, %get3A_2] : memref<2000x3xf32, #tpu.memory_space<vmem>>, vector<2000x3xf32>
    %get3A_4 = arith.constant 0 : index
    %get3A_5 = arith.constant 0 : index
    %get3A_6 = vector.load %arg1[%get3A_4, %get3A_5] : memref<2000x3xf32, #tpu.memory_space<vmem>>, vector<2000x3xf32>
    %sub3A = arith.subf %get3A_3, %get3A_6 : vector<2000x3xf32>
    %mul3A = arith.mulf %sub3A, %sub3A : vector<2000x3xf32>
    %reduce_sum3A = arith.constant dense<0.000000e+00> : vector<2000xf32>
    %reduce_sum3A_7 = vector.multi_reduction <add>, %mul3A, %reduce_sum3A [1] : vector<2000x3xf32> to vector<2000xf32>
    %broadcast_in_dim3A = vector.shape_cast %reduce_sum3A_7 : vector<2000xf32> to vector<2000x1xf32>
    %mul3A_8 = arith.constant 0.333333343 : f32
    %mul3A_9 = vector.broadcast %mul3A_8 : f32 to vector<2000x1xf32>
    %mul3A_10 = arith.mulf %broadcast_in_dim3A, %mul3A_9 : vector<2000x1xf32>
    %get3A_11 = arith.constant 0 : index
    %get3A_12 = arith.constant 0 : index
    %get3A_13 = vector.load %arg4[%get3A_11, %get3A_12] : memref<2000x64xf32, #tpu.memory_space<vmem>>, vector<2000x64xf32>
    %get3A_14 = arith.constant 0 : index
    %get3A_15 = arith.constant 0 : index
    %get3A_16 = vector.load %arg3[%get3A_14, %get3A_15] : memref<2000x1xi32, #tpu.memory_space<vmem>>, vector<2000x1xi32>
    %reduce_max3A = arith.constant dense<0xFF800000> : vector<2000xf32>
    %reduce_max3A_17 = vector.multi_reduction <maximumf>, %get3A_13, %reduce_max3A [1] : vector<2000x64xf32> to vector<2000xf32>
    %broadcast_in_dim3A_18 = vector.shape_cast %reduce_max3A_17 : vector<2000xf32> to vector<2000x1xf32>
    %sub3A_19 = vector.broadcast %broadcast_in_dim3A_18 : vector<2000x1xf32> to vector<2000x64xf32>
    %sub3A_20 = arith.subf %get3A_13, %sub3A_19 : vector<2000x64xf32>
    %exp3A = math.exp %sub3A_20 : vector<2000x64xf32>
    %reduce_sum3A_21 = arith.constant dense<0.000000e+00> : vector<2000xf32>
    %reduce_sum3A_22 = vector.multi_reduction <add>, %exp3A, %reduce_sum3A_21 [1] : vector<2000x64xf32> to vector<2000xf32>
    %broadcast_in_dim3A_23 = vector.shape_cast %reduce_sum3A_22 : vector<2000xf32> to vector<2000x1xf32>
    %log3A = math.log %broadcast_in_dim3A_23 : vector<2000x1xf32>
    %add3A = arith.addf %log3A, %broadcast_in_dim3A_18 : vector<2000x1xf32>
    %iota3A = tpu.iota {dimensions = array<i32: 1>} : vector<2000x64xi32>
    %eq3A_24 = vector.broadcast %get3A_16 : vector<2000x1xi32> to vector<2000x64xi32>
    %eq3A_25 = arith.cmpi eq, %iota3A, %eq3A_24 : vector<2000x64xi32>
    %jit3A = arith.constant 0.000000e+00 : f32
    %broadcast_in_dim3A_26 = vector.broadcast %jit3A : f32 to vector<2000x64xf32>
    %select_n3A = arith.select %eq3A_25, %get3A_13, %broadcast_in_dim3A_26 : vector<2000x64xi1>, vector<2000x64xf32>
    %reduce_sum3A_27 = arith.constant dense<0.000000e+00> : vector<2000xf32>
    %reduce_sum3A_28 = vector.multi_reduction <add>, %select_n3A, %reduce_sum3A_27 [1] : vector<2000x64xf32> to vector<2000xf32>
    %broadcast_in_dim3A_29 = vector.shape_cast %reduce_sum3A_28 : vector<2000xf32> to vector<2000x1xf32>
    %sub3A_30 = arith.subf %add3A, %broadcast_in_dim3A_29 : vector<2000x1xf32>
    %get3A_31 = arith.constant 0 : index
    %get3A_32 = arith.constant 0 : index
    %get3A_33 = vector.load %arg6[%get3A_31, %get3A_32] : memref<2000x8xf32, #tpu.memory_space<vmem>>, vector<2000x8xf32>
    %get3A_34 = arith.constant 0 : index
    %get3A_35 = arith.constant 0 : index
    %get3A_36 = vector.load %arg5[%get3A_34, %get3A_35] : memref<2000x1xi32, #tpu.memory_space<vmem>>, vector<2000x1xi32>
    %reduce_max3A_37 = arith.constant dense<0xFF800000> : vector<2000xf32>
    %reduce_max3A_38 = vector.multi_reduction <maximumf>, %get3A_33, %reduce_max3A_37 [1] : vector<2000x8xf32> to vector<2000xf32>
    %broadcast_in_dim3A_39 = vector.shape_cast %reduce_max3A_38 : vector<2000xf32> to vector<2000x1xf32>
    %sub3A_40 = vector.broadcast %broadcast_in_dim3A_39 : vector<2000x1xf32> to vector<2000x8xf32>
    %sub3A_41 = arith.subf %get3A_33, %sub3A_40 : vector<2000x8xf32>
    %exp3A_42 = math.exp %sub3A_41 : vector<2000x8xf32>
    %reduce_sum3A_43 = arith.constant dense<0.000000e+00> : vector<2000xf32>
    %reduce_sum3A_44 = vector.multi_reduction <add>, %exp3A_42, %reduce_sum3A_43 [1] : vector<2000x8xf32> to vector<2000xf32>
    %broadcast_in_dim3A_45 = vector.shape_cast %reduce_sum3A_44 : vector<2000xf32> to vector<2000x1xf32>
    %log3A_46 = math.log %broadcast_in_dim3A_45 : vector<2000x1xf32>
    %add3A_47 = arith.addf %log3A_46, %broadcast_in_dim3A_39 : vector<2000x1xf32>
    %iota3A_48 = tpu.iota {dimensions = array<i32: 1>} : vector<2000x8xi32>
    %eq3A_49 = vector.broadcast %get3A_36 : vector<2000x1xi32> to vector<2000x8xi32>
    %eq3A_50 = arith.cmpi eq, %iota3A_48, %eq3A_49 : vector<2000x8xi32>
    %jit3A_51 = arith.constant 0.000000e+00 : f32
    %broadcast_in_dim3A_52 = vector.broadcast %jit3A_51 : f32 to vector<2000x8xf32>
    %select_n3A_53 = arith.select %eq3A_50, %get3A_33, %broadcast_in_dim3A_52 : vector<2000x8xi1>, vector<2000x8xf32>
    %reduce_sum3A_54 = arith.constant dense<0.000000e+00> : vector<2000xf32>
    %reduce_sum3A_55 = vector.multi_reduction <add>, %select_n3A_53, %reduce_sum3A_54 [1] : vector<2000x8xf32> to vector<2000xf32>
    %broadcast_in_dim3A_56 = vector.shape_cast %reduce_sum3A_55 : vector<2000xf32> to vector<2000x1xf32>
    %sub3A_57 = arith.subf %add3A_47, %broadcast_in_dim3A_56 : vector<2000x1xf32>
    %broadcast_in_dim3A_58 = arith.constant 1.000000e+00 : f32
    %broadcast_in_dim3A_59 = vector.broadcast %broadcast_in_dim3A_58 : f32 to vector<2000x1xf32>
    %broadcast_in_dim3A_60 = arith.constant 0.000000e+00 : f32
    %broadcast_in_dim3A_61 = vector.broadcast %broadcast_in_dim3A_60 : f32 to vector<2000x4xf32>
    %concatenate3A = tpu.concatenate %mul3A_10, %sub3A_30, %sub3A_57, %broadcast_in_dim3A_59, %broadcast_in_dim3A_61 in 1 : vector<2000x1xf32>, vector<2000x1xf32>, vector<2000x1xf32>, vector<2000x1xf32>, vector<2000x4xf32> -> vector<2000x8xf32>
    %iota3A_62 = tpu.iota {dimensions = array<i32: 1>} : vector<2000x512xi32>
    %get3A_63 = arith.constant 0 : index
    %get3A_64 = arith.constant 0 : index
    %get3A_65 = vector.load %arg7[%get3A_63, %get3A_64] : memref<2000x1xi32, #tpu.memory_space<vmem>>, vector<2000x1xi32>
    %eq3A_66 = vector.broadcast %get3A_65 : vector<2000x1xi32> to vector<2000x512xi32>
    %eq3A_67 = arith.cmpi eq, %iota3A_62, %eq3A_66 : vector<2000x512xi32>
    %convert_element_type3A_68 = arith.extui %eq3A_67 : vector<2000x512xi1> to vector<2000x512xi32>
    %convert_element_type3A_69 = arith.sitofp %convert_element_type3A_68 : vector<2000x512xi32> to vector<2000x512xf32>
    %get3A_70 = arith.constant 0 : index
    %get3A_71 = arith.constant 0 : index
    %get3A_72 = vector.load %arg11[%get3A_70, %get3A_71] : memref<512x8xf32, #tpu.memory_space<vmem>>, vector<512x8xf32>
    %dot_general3A = arith.constant dense<0.000000e+00> : vector<512x8xf32>
    %dot_general3A_73 = tpu.matmul %convert_element_type3A_69, %concatenate3A, %dot_general3A {dimension_numbers = #tpu.dot_dimension_numbers<[0], [0], [1], [1], [0, 1, 1, 1], [], []>, precision = #tpu.contract_precision<fp32>, transpose_lhs_hint = false} : vector<2000x512xf32>, vector<2000x8xf32>, vector<512x8xf32> -> vector<512x8xf32>
    %add3A_74 = arith.addf %get3A_72, %dot_general3A_73 : vector<512x8xf32>
    %swap3A = arith.constant 0 : index
    %swap3A_75 = arith.constant 0 : index
    %swap3A_76 = vector.load %arg11[%swap3A, %swap3A_75] : memref<512x8xf32, #tpu.memory_space<vmem>>, vector<512x8xf32>
    tpu.vector_store %arg11[%swap3A, %swap3A_75], %add3A_74 {strides = array<i32>} : memref<512x8xf32, #tpu.memory_space<vmem>>, vector<512x8xf32>,
    %get3A_77 = arith.constant 0 : index
    %get3A_78 = arith.constant 0 : index
    %get3A_79 = arith.constant 0 : index
    %get3A_80 = vector.load %arg8[%get3A_77, %get3A_78, %get3A_79] : memref<1x32x2000xf32, #tpu.memory_space<vmem>>, vector<1x32x2000xf32>
    %get3A_81 = vector.shape_cast %get3A_80 : vector<1x32x2000xf32> to vector<32x2000xf32>
    %slice3A = vector.extract_strided_slice %get3A_81 {offsets = [0, 0], sizes = [16, 2000], strides = [1, 1]} : vector<32x2000xf32> to vector<16x2000xf32>
    %reduce_sum3A_82 = arith.constant dense<0.000000e+00> : vector<2000xf32>
    %reduce_sum3A_83 = vector.multi_reduction <add>, %slice3A, %reduce_sum3A_82 [0] : vector<16x2000xf32> to vector<2000xf32>
    %broadcast_in_dim3A_84 = vector.shape_cast %reduce_sum3A_83 : vector<2000xf32> to vector<1x2000xf32>
    %slice3A_85 = vector.extract_strided_slice %get3A_81 {offsets = [16, 0], sizes = [16, 2000], strides = [1, 1]} : vector<32x2000xf32> to vector<16x2000xf32>
    %reduce_sum3A_86 = arith.constant dense<0.000000e+00> : vector<2000xf32>
    %reduce_sum3A_87 = vector.multi_reduction <add>, %slice3A_85, %reduce_sum3A_86 [0] : vector<16x2000xf32> to vector<2000xf32>
    %broadcast_in_dim3A_88 = vector.shape_cast %reduce_sum3A_87 : vector<2000xf32> to vector<1x2000xf32>
    %gt3A = arith.constant 0.000000e+00 : f32
    %gt3A_89 = vector.broadcast %gt3A : f32 to vector<1x2000xf32>
    %gt3A_90 = arith.cmpf ogt, %broadcast_in_dim3A_88, %gt3A_89 : vector<1x2000xf32>
    %max3A = arith.constant 1.000000e+00 : f32
    %max3A_91 = vector.broadcast %max3A : f32 to vector<1x2000xf32>
    %max3A_92 = arith.maximumf %broadcast_in_dim3A_88, %max3A_91 : vector<1x2000xf32>
    %div3A = arith.divf %broadcast_in_dim3A_84, %max3A_92 : vector<1x2000xf32>
    %jit3A_93 = arith.constant 0.000000e+00 : f32
    %broadcast_in_dim3A_94 = vector.broadcast %jit3A_93 : f32 to vector<1x2000xf32>
    %select_n3A_95 = arith.select %gt3A_90, %div3A, %broadcast_in_dim3A_94 : vector<1x2000xi1>, vector<1x2000xf32>
    %mul3A_96 = arith.constant 5.000000e-01 : f32
    %mul3A_97 = vector.broadcast %mul3A_96 : f32 to vector<1x2000xf32>
    %mul3A_98 = arith.mulf %mul3A_97, %select_n3A_95 : vector<1x2000xf32>
    %broadcast_in_dim3A_99 = arith.constant 0.000000e+00 : f32
    %broadcast_in_dim3A_100 = vector.broadcast %broadcast_in_dim3A_99 : f32 to vector<7x2000xf32>
    %concatenate3A_101 = tpu.concatenate %mul3A_98, %broadcast_in_dim3A_100 in 0 : vector<1x2000xf32>, vector<7x2000xf32> -> vector<8x2000xf32>
    %get3A_102 = arith.constant 0 : index
    %get3A_103 = arith.constant 0 : index
    %get3A_104 = vector.load %arg12[%get3A_102, %get3A_103] : memref<8x512xf32, #tpu.memory_space<vmem>>, vector<8x512xf32>
    %dot_general3A_105 = arith.constant dense<0.000000e+00> : vector<8x512xf32>
    %dot_general3A_106 = tpu.matmul %concatenate3A_101, %convert_element_type3A_69, %dot_general3A_105 {dimension_numbers = #tpu.dot_dimension_numbers<[1], [0], [0], [1], [0, 0, 1, 1], [], []>, precision = #tpu.contract_precision<fp32>, transpose_lhs_hint = false} : vector<8x2000xf32>, vector<2000x512xf32>, vector<8x512xf32> -> vector<8x512xf32>
    %add3A_107 = arith.addf %get3A_104, %dot_general3A_106 : vector<8x512xf32>
    %swap3A_108 = arith.constant 0 : index
    %swap3A_109 = arith.constant 0 : index
    %swap3A_110 = vector.load %arg12[%swap3A_108, %swap3A_109] : memref<8x512xf32, #tpu.memory_space<vmem>>, vector<8x512xf32>
    tpu.vector_store %arg12[%swap3A_108, %swap3A_109], %add3A_107 {strides = array<i32>} : memref<8x512xf32, #tpu.memory_space<vmem>>, vector<8x512xf32>,
    %eq3A_111 = arith.constant 49 : i32
    %eq3A_112 = arith.cmpi eq, %arg0, %eq3A_111 : i32
    %convert_element_type3A_113 = arith.extui %eq3A_112 : i1 to i32
    %cond3A_114 = arith.constant 0 : i32
    %cond3A_115 = arith.cmpi ne, %convert_element_type3A_113, %cond3A_114 : i32
    scf.if %cond3A_115 {
      %get3A_116 = arith.constant 0 : index
      %get3A_117 = arith.constant 0 : index
      %get3A_118 = vector.load %arg11[%get3A_116, %get3A_117] : memref<512x8xf32, #tpu.memory_space<vmem>>, vector<512x8xf32>
      %slice3A_119 = vector.extract_strided_slice %get3A_118 {offsets = [0, 3], sizes = [512, 1], strides = [1, 1]} : vector<512x8xf32> to vector<512x1xf32>
      %gt3A_120 = arith.constant 0.000000e+00 : f32
      %gt3A_121 = vector.broadcast %gt3A_120 : f32 to vector<512x1xf32>
      %gt3A_122 = arith.cmpf ogt, %slice3A_119, %gt3A_121 : vector<512x1xf32>
      %max3A_123 = arith.constant 1.000000e+00 : f32
      %max3A_124 = vector.broadcast %max3A_123 : f32 to vector<512x1xf32>
      %max3A_125 = arith.maximumf %slice3A_119, %max3A_124 : vector<512x1xf32>
      %div3A_126 = arith.constant 1.000000e+00 : f32
      %div3A_127 = vector.broadcast %div3A_126 : f32 to vector<512x1xf32>
      %div3A_128 = arith.divf %div3A_127, %max3A_125 : vector<512x1xf32>
      %jit3A_129 = arith.constant 0.000000e+00 : f32
      %broadcast_in_dim3A_130 = vector.broadcast %jit3A_129 : f32 to vector<512x1xf32>
      %select_n3A_131 = arith.select %gt3A_122, %div3A_128, %broadcast_in_dim3A_130 : vector<512x1xi1>, vector<512x1xf32>
      %get3A_132 = arith.constant 0 : index
      %get3A_133 = arith.constant 0 : index
      %get3A_134 = vector.load %arg9[%get3A_132, %get3A_133] : memref<512x1xf32, #tpu.memory_space<vmem>>, vector<512x1xf32>
      %mul3A_135 = arith.mulf %get3A_134, %select_n3A_131 : vector<512x1xf32>
      %dot_general3A_136 = arith.constant dense<0.000000e+00> : vector<1x8xf32>
      %dot_general3A_137 = tpu.matmul %mul3A_135, %get3A_118, %dot_general3A_136 {dimension_numbers = #tpu.dot_dimension_numbers<[0], [0], [1], [1], [0, 1, 1, 1], [], []>, precision = #tpu.contract_precision<fp32>, transpose_lhs_hint = false} : vector<512x1xf32>, vector<512x8xf32>, vector<1x8xf32> -> vector<1x8xf32>
      %get3A_138 = arith.constant 0 : index
      %get3A_139 = arith.constant 0 : index
      %get3A_140 = vector.load %arg12[%get3A_138, %get3A_139] : memref<8x512xf32, #tpu.memory_space<vmem>>, vector<1x512xf32>
      %dot_general3A_141 = arith.constant dense<0.000000e+00> : vector<1x1xf32>
      %dot_general3A_142 = tpu.matmul %get3A_140, %mul3A_135, %dot_general3A_141 {dimension_numbers = #tpu.dot_dimension_numbers<[1], [0], [0], [1], [0, 0, 1, 1], [], []>, precision = #tpu.contract_precision<fp32>, transpose_lhs_hint = false} : vector<1x512xf32>, vector<512x1xf32>, vector<1x1xf32> -> vector<1x1xf32>
      %slice3A_143 = vector.extract_strided_slice %dot_general3A_137 {offsets = [0, 0], sizes = [1, 3], strides = [1, 1]} : vector<1x8xf32> to vector<1x3xf32>
      %broadcast_in_dim3A_144 = arith.constant 0.000000e+00 : f32
      %broadcast_in_dim3A_145 = vector.broadcast %broadcast_in_dim3A_144 : f32 to vector<1x4xf32>
      %concatenate3A_146 = tpu.concatenate %slice3A_143, %dot_general3A_142, %broadcast_in_dim3A_145 in 1 : vector<1x3xf32>, vector<1x1xf32>, vector<1x4xf32> -> vector<1x8xf32>
      %swap3A_147 = arith.constant 0 : index
      %swap3A_148 = arith.constant 0 : index
      %swap3A_149 = vector.load %arg10[%swap3A_147, %swap3A_148] : memref<1x8xf32, #tpu.memory_space<vmem>>, vector<1x8xf32>
      tpu.vector_store %arg10[%swap3A_147, %swap3A_148], %concatenate3A_146 {strides = array<i32>} : memref<1x8xf32, #tpu.memory_space<vmem>>, vector<1x8xf32>,
    } else {
    }
    return
  }
  func.func @transform_0(%arg0: i32) -> (i32, i32) {
    %c0_i32 = arith.constant 0 : i32
    %c0_i32_0 = arith.constant 0 : i32
    return %arg0, %c0_i32 : i32, i32
  }
  func.func @transform_1(%arg0: i32) -> (i32, i32) {
    %c0_i32 = arith.constant 0 : i32
    %c0_i32_0 = arith.constant 0 : i32
    return %arg0, %c0_i32 : i32, i32
  }
  func.func @transform_2(%arg0: i32) -> (i32, i32) {
    %c0_i32 = arith.constant 0 : i32
    %c0_i32_0 = arith.constant 0 : i32
    return %arg0, %c0_i32 : i32, i32
  }
  func.func @transform_3(%arg0: i32) -> (i32, i32) {
    %c0_i32 = arith.constant 0 : i32
    %c0_i32_0 = arith.constant 0 : i32
    return %arg0, %c0_i32 : i32, i32
  }
  func.func @transform_4(%arg0: i32) -> (i32, i32) {
    %c0_i32 = arith.constant 0 : i32
    %c0_i32_0 = arith.constant 0 : i32
    return %arg0, %c0_i32 : i32, i32
  }
  func.func @transform_5(%arg0: i32) -> (i32, i32) {
    %c0_i32 = arith.constant 0 : i32
    %c0_i32_0 = arith.constant 0 : i32
    return %arg0, %c0_i32 : i32, i32
  }
  func.func @transform_6(%arg0: i32) -> (i32, i32) {
    %c0_i32 = arith.constant 0 : i32
    %c0_i32_0 = arith.constant 0 : i32
    return %arg0, %c0_i32 : i32, i32
  }
  func.func @transform_7(%arg0: i32) -> (i32, i32, i32) {
    %c0_i32 = arith.constant 0 : i32
    %c0_i32_0 = arith.constant 0 : i32
    %c0_i32_1 = arith.constant 0 : i32
    return %arg0, %c0_i32, %c0_i32_0 : i32, i32, i32
  }
  func.func @transform_8(%arg0: i32) -> (i32, i32) {
    %c0_i32 = arith.constant 0 : i32
    %c0_i32_0 = arith.constant 0 : i32
    %c0_i32_1 = arith.constant 0 : i32
    return %c0_i32, %c0_i32_0 : i32, i32
  }
  func.func @transform_9(%arg0: i32) -> (i32, i32) {
    %c0_i32 = arith.constant 0 : i32
    %c0_i32_0 = arith.constant 0 : i32
    %c0_i32_1 = arith.constant 0 : i32
    return %c0_i32, %c0_i32_0 : i32, i32
  }
}

</mosaic_0001>

<sc_bundles>
// kernel: kernel.5.cloned.1.call-start
scs
__scs_entry_jumppad:
0x0: {  	(pc) =	sbr.rel $0x88, $3  }
0x1: {  	(tag) =	ssettag $0x0;
	lr =	simm.s32 $0x1  }
0x2: {  	[smem:$0x3F96] =	sst lr;
	_ =	strace $0xD0000000  }
0x3: {  	_ = 	snop  }
0x4: {  	_ = 	snop  }
0x5: {  	_ = 	snop  }
0x6: {  	_ = 	snop  }
0x7: {  	_ = 	snop  }
__scs_overlays_trampoline_lowered:
0x8: {  	[smem:$0x3FA5] =	sst s0  }
0x9: {  	[smem:$0x3FA6] =	sst s1  }
0xa: {  	[smem:$0x3FA7] =	sst s2  }
0xb: {  	[smem:$0x3FA8] =	sst s3  }
0xc: {  	[smem:$0x3FA9] =	sst s4  }
0xd: {  	[smem:$0x3FAA] =	sst s5  }
0xe: {  	[smem:$0x3FAB] =	sst s6  }
0xf: {  	[smem:$0x3FAC] =	sst s7  }
0x10: {  	[smem:$0x3FAD] =	sst s8  }
0x11: {  	[smem:$0x3FAE] =	sst s9;
	s0 =	simm.s32 @!p0 $0x0  }
0x12: {  	s1 =	sld [smem:$0x3F94];
	s0 =	simm.s32 @p0 $0x1  }
0x13: {  	[smem:$0x3FAF] =	sst s0;
	s0 =	simm.s32 @!p1 $0x0  }
0x14: {  	s2 =	sld [smem:$0x3F93];
	s0 =	simm.s32 @p1 $0x1  }
0x15: {  	[smem:$0x3FB0] =	sst s0;
	s0 =	simm.s32 @!p2 $0x0  }
0x16: {  	s3 =	sld [smem:$0x3FDB];
	s0 =	simm.s32 @p2 $0x1  }
0x17: {  	s4 =	simm.s32 $0x1BF5;
	[smem:$0x3FB2] =	sst s0  }
0x18: {  	s0 =	sld [smem:$0x3F95];
	_ =	swait.ge [sflag:s4], $0x0  }
0x19: {  	s7 =	sld [smem:$0x3F96]  }
0x1a: {  	s8 =	sadd.s32 $0xFFFFE003, lr  }
0x1b: {  	s9 =	sadd.s32 $0xFFFFFEF7, lr;
	s5 =	simm.s32 $0xFFFFFFFF;
	p2 =	slt.u32 s8, $0xFFFFF086  }
0x1c: {  	p1 =	slt.u32 s9, $0xF7A;
	s5 =	simm.s32 @!p2 $0x0  }
0x1d: {  	s5 =	simm.s32 @p1 $0x1;
	p0 =	seq.s32 s7, s2  }
0x1e: {  	s7 =	smul.u32 @!p0 $0xF7A, s2;
	p2 =	seq.s32 @!p0 s5, $0x0  }
0x1f: {  	s9 =	smul.u32 $0xF7A, s1;
	s8 =	simm.s32 @!p0 $0x1BF5;
	p2 =	por !p2, p0  }
0x20: {  	[sflag:s8] =	ssyncset.s32 @!p0 $0xFFFFF086;
	s6 =	sadd.s32 @!p0 s3, s7;
	s7 =	simm.s32 @!p0 $0x108  }
0x21: {  	s3 =	sadd.s32 s3, s9;
	s6 =	sadd.s32 @!p0 $0x88, s6;
	s7 =	simm.s32 @p2 $0x1082  }
0x22: {  	[simem:s7], [sflag:s8] =	dma.local @!p0 [hbm:s6], $0xF7A  }
0x23: {  	s9 =	sor.u32 $0xD0000000, s2;
	s6 =	simm.s32 $0x108;
	_ =	swait.ge @!p0 [sflag:s8], $0x0  }
0x24: {  	s3 =	sadd.s32 $0x88, s3;
	s6 =	simm.s32 @!p1 $0x1082;
	[sflag:s4] =	ssyncset.s32 $0xFFFFF086  }
0x25: {  	[simem:s6], [sflag:s4] =	dma.local [hbm:s3], $0xF7A  }
0x26: {  	[smem:$0x3F96] =	sst s1;
	(tag) =	ssettag s2;
	_ =	strace s9  }
0x27: {  	s1 =	sld [smem:$0x3FA6]  }
0x28: {  	s2 =	sld [smem:$0x3FA7]  }
0x29: {  	s4 =	sld [smem:$0x3FA9]  }
0x2a: {  	p0 =	seq.s32 s5, $0x0;
	s5 =	sld [smem:$0x3FAA]  }
0x2b: {  	s6 =	sld [smem:$0x3FAB]  }
0x2c: {  	s7 =	sld [smem:$0x3FAC]  }
0x2d: {  	s3 =	simm.s32 $0x108;
	s8 =	sld [smem:$0x3FAD]  }
0x2e: {  	s3 =	simm.s32 @!p0 $0x1082;
	s9 =	sld [smem:$0x3FAE]  }
0x2f: {  	lr =	sadd.s32 s0, s3;
	s0 =	sld [smem:$0x3FA5]  }
0x30: {  	s3 =	sld [smem:$0x3FA8]  }
0x31: {  	[smem:$0x3FB1] =	sst s10  }
0x32: {  	s10 =	sld [smem:$0x3FAF];
	_ =	sdelay $0x3  }
0x33: {  	p0 =	seq.s32 s10, $0x1;
	s10 =	sld [smem:$0x3FB1];
	_ =	sdelay $0x3  }
0x34: {  	[smem:$0x3FB1] =	sst s10  }
0x35: {  	s10 =	sld [smem:$0x3FB0];
	_ =	sdelay $0x3  }
0x36: {  	p1 =	seq.s32 s10, $0x1;
	s10 =	sld [smem:$0x3FB1];
	_ =	sdelay $0x3  }
0x37: {  	[smem:$0x3FB1] =	sst s10  }
0x38: {  	s10 =	sld [smem:$0x3FB2]  }
0x39: {  	_ = 	snop;
	(pc) =	sbr.ind lr, $3  }
0x3a: {  	_ = 	snop  }
0x3b: {  	_ = 	snop  }
0x3c: {  	p2 =	seq.s32 s10, $0x1;
	s10 =	sld [smem:$0x3FB1]  }
0x3d: {  	_ =	shalt  }
0x3e: {  	_ =	shalt  }
0x3f: {  	_ =	shalt  }
0x40: {  	_ =	shalt  }
0x41: {  	_ =	shalt  }
0x42: {  	_ =	shalt  }
0x43: {  	_ =	shalt  }
0x44: {  	_ =	shalt  }
0x45: {  	_ =	shalt  }
0x46: {  	_ =	shalt  }
0x47: {  	_ =	shalt  }
0x48: {  	_ =	shalt  }
0x49: {  	_ =	shalt  }
0x4a: {  	_ =	shalt  }
0x4b: {  	_ =	shalt  }
0x4c: {  	_ =	shalt  }
0x4d: {  	_ =	shalt  }
0x4e: {  	_ =	shalt  }
0x4f: {  	_ =	shalt  }
0x50: {  	_ =	shalt  }
0x51: {  	_ =	shalt  }
0x52: {  	_ =	shalt  }
0x53: {  	_ =	shalt  }
0x54: {  	_ =	shalt  }
0x55: {  	_ =	shalt  }
0x56: {  	_ =	shalt  }
0x57: {  	_ =	shalt  }
0x58: {  	_ =	shalt  }
0x59: {  	_ =	shalt  }
0x5a: {  	_ =	shalt  }
0x5b: {  	_ =	shalt  }
0x5c: {  	_ =	shalt  }
0x5d: {  	_ =	shalt  }
0x5e: {  	_ =	shalt  }
0x5f: {  	_ =	shalt  }
0x60: {  	_ =	shalt  }
0x61: {  	_ =	shalt  }
0x62: {  	_ =	shalt  }
0x63: {  	_ =	shalt  }
0x64: {  	_ =	shalt  }
0x65: {  	_ =	shalt  }
0x66: {  	_ =	shalt  }
0x67: {  	_ =	shalt  }
0x68: {  	_ =	shalt  }
0x69: {  	_ =	shalt  }
0x6a: {  	_ =	shalt  }
0x6b: {  	_ =	shalt  }
0x6c: {  	_ =	shalt  }
0x6d: {  	_ =	shalt  }
0x6e: {  	_ =	shalt  }
0x6f: {  	_ =	shalt  }
0x70: {  	_ =	shalt  }
0x71: {  	_ =	shalt  }
0x72: {  	_ =	shalt  }
0x73: {  	_ =	shalt  }
0x74: {  	_ =	shalt  }
0x75: {  	_ =	shalt  }
0x76: {  	_ =	shalt  }
0x77: {  	_ =	shalt  }
0x78: {  	_ =	shalt  }
0x79: {  	_ =	shalt  }
0x7a: {  	_ =	shalt  }
0x7b: {  	_ =	shalt  }
0x7c: {  	_ =	shalt  }
0x7d: {  	_ =	shalt  }
0x7e: {  	_ =	shalt  }
0x7f: {  	_ =	shalt  }
0x80: {  	_ =	shalt  }
0x81: {  	_ =	shalt  }
0x82: {  	_ =	shalt  }
0x83: {  	_ =	shalt  }
0x84: {  	_ =	shalt  }
0x85: {  	_ =	shalt  }
0x86: {  	_ =	shalt  }
0x87: {  	_ =	shalt  }
.Lfunc_end0:
.L_simem_size_0:
called_computation_lowered:
.L_overlay_start_0:
0x88: {  	s2 =	sld [smem:$0x3FD9]  }
0x89: {  	s3 =	sld [smem:$0x3FFE];
	_ =	sdelay $0x1  }
0x8a: {  	s1 =	srdreg.scid  }
0x8b: {  	s0 =	sand.u32 $0x1, s1  }
0x8c: {  	s16 =	sshll.u32 s0, $0xA;
	s2 =	sadd.s32 s3, s2  }
0x8d: {  	s2 =	sadd.s32 s2, s16  }
0x8e: {  	[smem:$0x3FBD] =	sst s2  }
0x8f: {  	_ = 	snop  }
0x90: {  	(tm) =	ssettm $0x1  }
0x91: {  	s17 =	sld [smem:$0x3FFB];
	_ =	sdelay $0x3  }
0x92: {  	_ =	strace s17  }
0x93: {  	s2 =	sld [smem:$0x3FFC];
	_ =	sdelay $0x3  }
0x94: {  	_ =	strace s2  }
0x95: {  	s2 =	sld [smem:$0x3FFD];
	_ =	sdelay $0x3  }
0x96: {  	_ =	strace s2  }
0x97: {  	_ =	strace $0x8FFFFFFF  }
0x98: {  	s18 =	sld [smem:$0x3FDB];
	_ =	sdelay $0x1  }
0x99: {  	s19 =	simm.s32 $_scs_section_size  }
0x9a: {  	s4 =	simm.s32 $_size__tile_overlayer_lowered;
	s5 =	simm.s32 $_tile_overlayer_lowered  }
0x9b: {  	s22 =	simm.s32 $0x1BFF;
	s21 =	sshll.u32 s5, $0x1;
	s2 =	sadd.s32 s19, s18  }
0x9c: {  	s6 =	simm.s32 $0x0;
	s20 =	sshll.u32 s4, $0x1;
	s4 =	sadd.s32 s21, s2  }
0x9d: {  	[timem:s6], [sflag:s22] =	dma.local [hbm:s4], s20  }
0x9e: {  	_ =	swait.ge [sflag:s22], s20  }
0x9f: {  	s3 =	ssub.s32 $0x0, s20;
	[sflag:s22] =	ssyncset.done $0x0  }
0xa0: {  	[sflag:s22] =	ssyncadd.s32 s3;
	_ =	sdelay $0x1  }
0xa1: {  	s23 =	simm.s32 $0x1B8B  }
0xa2: {  	_ =	swait.ge [sflag:s23], $0x1  }
0xa3: {  	[sflag:s23] =	ssyncset.done $0x0  }
0xa4: {  	s25 =	simm.s32 $0x1B8E;
	s24 =	sld [smem:$0x3FFE];
	[sflag:s23] =	ssyncadd.s32 $0xFFFFFFFF  }
0xa5: {  	s26 =	simm.s32 $execute0_lowered;
	[smem:$0x3FD2] =	sst s25  }
0xa6: {  	s4 =	sshll.u32 s26, $0x1;
	_ =	strace $0x80000046;
	[dreg:$0x1] =	wrdreg $0xFFFFFFFF  }
0xa7: {  	s28 =	simm.s32 $_size_execute0_lowered;
	s2 =	sadd.s32 s2, s4;
	[dreg:$0x0] =	wrdreg $0x0  }
0xa8: {  	s4 =	sshll.u32 s28, $0x1;
	[dreg:$0x2] =	wrdreg s2  }
0xa9: {  	[dreg:$0x3] =	wrdreg s4  }
0xaa: {  	[dreg:$0x4] =	wrdreg $0xC0  }
0xab: {  	_ =	task [dreg:s6], $0x5FFFF  }
0xac: {  	[dreg:$0x1] =	wrdreg $0xFFFFFFFF  }
0xad: {  	[dreg:$0x0] =	wrdreg $0x60  }
0xae: {  	[dreg:$0x2] =	wrdreg s24  }
0xaf: {  	[dreg:$0x3] =	wrdreg $0x9  }
0xb0: {  	_ =	task.clear_ibuf [dreg:s6], $0x4FFFF;
	_ =	strace $0x90000046  }
0xb1: {  	s29 =	simm.s32 $0x9;
	_ =	strace $0x80000048  }
0xb2: {  	_ =	swait.ge [sflag:s29], $0x1  }
0xb3: {  	[sflag:s29] =	ssyncadd.s32 $0xFFFFFFFF  }
0xb4: {  	_ =	strace $0x90000048  }
0xb5: {  	_ =	sfence  }
0xb6: {  	s30 =	sld [smem:$0x0];
	_ =	sdelay $0x2  }
0xb7: {  	s31 =	sshll.u32 s1, $0xD;
	s1 =	sshrl.u32 s1, $0x2  }
0xb8: {  	s3 =	sand.u32 $0x4000, s31;
	s1 =	sadd.s32 s1, s30  }
0xb9: {  	s0 =	sor.u32 s3, s0;
	s1 =	sshll.u32 s1, $0x11  }
0xba: {  	s0 =	sor.u32 s1, s0  }
0xbb: {  	s0 =	sadd.s32 $0x8F2B, s0  }
0xbc: {  	[sflag:s0] =	ssyncadd.remote.s32 $0x1  }
0xbd: {  	_ =	sfence.sel $0xFFFF  }
0xbe: {  	[dreg:$0x0] =	wrdreg $0xFFFFFFFF;
	(pc) =	sbr.abs _section_cstart, $3  }
0xbf: {  	[dreg:$0x1] =	wrdreg $0xFFFFFFFF  }
0xc0: {  	_ =	task.clear_ibuf [dreg:s6], $0x2FFFF;
	_ =	strace $0x9FFFFFFF  }
0xc1: {  	(tm) =	ssettm $0x7FFFFFFF  }
tec
execute0_lowered:
.L_overlay_start_1:
0x0: {  	(tag) =	ssettag $0x1  }
0x1: {  	s0 =	srdreg.scid  }
0x2: {  	s2 =	sand.u32 $0x1, s0  }
0x3: {  	s4 =	stileid.u32;
	s0 =	sshll.u32 s2, $0x4  }
0x4: {  	s0 =	sor.u32 s4, s0  }
0x5: {  	s0 =	smul.u32 $0x7D0, s0;
	_ =	sdelay $0x1  }
0x6: {  	s1 =	rddreg [dreg:$0x0];
	s0 =	sshrl.u32 s0, $0x3  }
0x7: {  	s3 =	simm.s32 $0x0;
	s9 =	sadd.s32 s0, s1  }
0x8: {  	[smem:$0x7FF] =	sst s3;
	s0 =	sadd.s32 $0xD3800, s9  }
0x9: {  	_ =	strace $0x80000047;
	s18 =	sadd.s32 $0xD5740, s9;
	[dreg:$0x2] =	wrdreg s0  }
0xa: {  	s19 =	sadd.s32 $0xD7680, s9;
	[dreg:$0x3] =	wrdreg s18  }
0xb: {  	s20 =	sadd.s32 $0xD95C0, s9;
	[dreg:$0x4] =	wrdreg s19  }
0xc: {  	s21 =	sadd.s32 $0xDB500, s9;
	[dreg:$0x5] =	wrdreg s20  }
0xd: {  	s22 =	sadd.s32 $0xDD440, s9;
	[dreg:$0x6] =	wrdreg s21  }
0xe: {  	s23 =	sadd.s32 $0xDF380, s9;
	[dreg:$0x7] =	wrdreg s22  }
0xf: {  	s24 =	sadd.s32 $0xE12C0, s9;
	[dreg:$0x8] =	wrdreg s23  }
0x10: {  	s8 =	smul.u32 $0x32000, s4;
	s25 =	sadd.s32 $0xE3200, s9;
	[dreg:$0x9] =	wrdreg s24  }
0x11: {  	s5 =	sadd.s32 $0x6F800, s1;
	s26 =	sadd.s32 $0xE5140, s9;
	[dreg:$0xa] =	wrdreg s25  }
0x12: {  	s4 =	sadd.s32 $0xB800, s1;
	s1 =	sadd.s32 $0xE7080, s9;
	[dreg:$0xb] =	wrdreg s26  }
0x13: {  	s10 =	sadd.s32 $0xE8FC0, s9;
	[dreg:$0xc] =	wrdreg s1  }
0x14: {  	s11 =	sadd.s32 $0xEAF00, s9;
	[dreg:$0xd] =	wrdreg s10  }
0x15: {  	s12 =	sadd.s32 $0xECE40, s9;
	[dreg:$0xe] =	wrdreg s11  }
0x16: {  	s13 =	sadd.s32 $0xEED80, s9;
	[dreg:$0xf] =	wrdreg s12  }
0x17: {  	s14 =	sadd.s32 $0xF0CC0, s9;
	[dreg:$0x10] =	wrdreg s13  }
0x18: {  	s15 =	sadd.s32 $0xF2C00, s9;
	[dreg:$0x11] =	wrdreg s14  }
0x19: {  	s16 =	sadd.s32 $0xF4B40, s9;
	[dreg:$0x12] =	wrdreg s15  }
0x1a: {  	s17 =	sadd.s32 $0xF6A80, s9;
	[dreg:$0x13] =	wrdreg s16  }
0x1b: {  	[dreg:$0x14] =	wrdreg s17;
	s18 =	sadd.s32 $0xF89C0, s9  }
0x1c: {  	s19 =	sadd.s32 $0xFA900, s9;
	[dreg:$0x15] =	wrdreg s18  }
0x1d: {  	s20 =	sadd.s32 $0xFC840, s9;
	[dreg:$0x16] =	wrdreg s19  }
0x1e: {  	s21 =	sadd.s32 $0x1006C0, s9;
	[dreg:$0x17] =	wrdreg s20  }
0x1f: {  	s22 =	sadd.s32 $0x102600, s9;
	[dreg:$0x18] =	wrdreg s21  }
0x20: {  	s23 =	sadd.s32 $0x104540, s9;
	[dreg:$0x19] =	wrdreg s22  }
0x21: {  	s24 =	sadd.s32 $0x106480, s9;
	[dreg:$0x1a] =	wrdreg s23  }
0x22: {  	s25 =	sadd.s32 $0x1083C0, s9;
	[dreg:$0x1b] =	wrdreg s24  }
0x23: {  	s28 =	sadd.s32 $0x129700, s9;
	s26 =	sadd.s32 $0x10A300, s9;
	[dreg:$0x1c] =	wrdreg s25  }
0x24: {  	s29 =	sadd.s32 $0x12B640, s9;
	s11 =	sadd.s32 $0x1100C0, s9;
	[dreg:$0x1d] =	wrdreg s26  }
0x25: {  	s31 =	sadd.s32 $0x12D580, s9;
	s12 =	sadd.s32 $0xFE780, s9;
	[smem:$0x7F4] =	sst s11  }
0x26: {  	s1 =	sadd.s32 $0x10C240, s9;
	s13 =	sadd.s32 $0x112000, s9;
	[smem:$0x7F5] =	sst s12  }
0x27: {  	s14 =	sadd.s32 $0x113F40, s9;
	[smem:$0x7F6] =	sst s13  }
0x28: {  	p0 =	sne.s32 s2, $0x0;
	s15 =	sadd.s32 $0x115E80, s9;
	[smem:$0x7F7] =	sst s14  }
0x29: {  	p1 =	seq.s32 s2, $0x0;
	s16 =	sadd.s32 $0x117DC0, s9;
	[smem:$0x7F8] =	sst s15  }
0x2a: {  	s6 =	sor.u32 $0x1000, s8;
	s17 =	sadd.s32 $0x119D00, s9;
	[smem:$0x7F9] =	sst s16  }
0x2b: {  	s7 =	sadd.s32 $0x2000, s8;
	s10 =	sadd.s32 $0x10E180, s9;
	[smem:$0x7FA] =	sst s17  }
0x2c: {  	[dreg:$0x1e] =	wrdreg s1;
	s18 =	sadd.s32 $0x11BC40, s9;
	s1 =	sadd.s32 $0x11DB80, s9  }
0x2d: {  	[dreg:$0x1f] =	wrdreg s10;
	s20 =	sadd.s32 $0x11FAC0, s9;
	s23 =	sadd.s32 $0x121A00, s9  }
0x2e: {  	s19 =	ssub.s32 $0x2, s2;
	s24 =	sadd.s32 $0x123940, s9;
	s25 =	sadd.s32 $0x125880, s9  }
0x2f: {  	s26 =	sadd.s32 $0x1277C0, s9;
	s22 =	sshrl.u32 s8, $0x3;
	s8 =	sadd.s32 $0x131400, s9  }
0x30: {  	s11 =	simm.s32 $0x1;
	s12 =	simm.s32 $0x4000;
	[smem:$0x7FB] =	sst s18  }
0x31: {  	s13 =	simm.s32 $0x2;
	s14 =	simm.s32 $0x3;
	[smem:$0x7FC] =	sst s1  }
0x32: {  	s15 =	simm.s32 $0x0;
	[smem:$0x7FD] =	sst s20;
	s21 =	sshrl.u32 s19, $0x1  }
0x33: {  	s30 =	sadd.s32 s4, s22;
	s1 =	sadd.s32 $0x12F4C0, s9;
	s10 =	ssub.s32 s19, s21  }
0x34: {  	v0 =	vimm.f32 $0.0e+00;
	s0 =	sadd.s32 s5, s22;
	s9 =	sadd.s32 $0x133340, s9;
	s10 =	smax.u32 s10, $0x1  }
.LBB2_1:
0x35: {  	s16 =	simm.s32 $0x4040  }
0x36: {  	[tilespmem:s16+$0xFFFFFFC0] =	vst v0  }
0x37: {  	[tilespmem:s16+$0x30] =	vst v0  }
0x38: {  	[tilespmem:s16+$0x20] =	vst v0  }
0x39: {  	[tilespmem:s16+$0x10] =	vst v0  }
0x3a: {  	[tilespmem:s16+$0x0] =	vst v0  }
0x3b: {  	[tilespmem:s16+$0xFFFFFFF0] =	vst v0  }
0x3c: {  	s17 =	simm.s32 $0x0;
	[tilespmem:s16+$0xFFFFFFE0] =	vst v0  }
.LBB2_2:
0x3d: {  	s17 =	sadd.s32 $0x8, s17;
	[tilespmem:s16+$0xFFFFFFD0] =	vst v0;
	s16 =	sadd.s32 $0x80, s16  }
0x3e: {  	[tilespmem:s16+$0xFFFFFFC0] =	vst v0;
	p2 =	slt.u32 s17, $0x1860  }
0x3f: {  	[tilespmem:s16+$0x30] =	vst v0  }
.Ltmp0:
0x40: {  	[tilespmem:s16+$0x20] =	vst v0;
	(pc) =	sbr.rel @p2 .LBB2_2-.Ltmp0, $4  }
0x41: {  	[tilespmem:s16+$0x10] =	vst v0  }
0x42: {  	[tilespmem:s16+$0x0] =	vst v0  }
0x43: {  	[tilespmem:s16+$0xFFFFFFF0] =	vst v0  }
0x44: {  	[tilespmem:s16+$0xFFFFFFE0] =	vst v0  }
0x45: {  	[tilespmem:s16+$0xFFFFFFD0] =	vst v0  }
0x46: {  	[tilespmem:$0x1C680] =	vst v0  }
0x47: {  	[tilespmem:$0x1C690] =	vst v0  }
0x48: {  	[tilespmem:s3], [sflag:$0x1] =	stream.linear.gather [hbm4b:s30+s3], $0x1000, $0x38;
	[tilespmem:$0x1C6A0] =	vst v63  }
0x49: {  	s16 =	simm.s32 @!p0 $0x0;
	s17 =	simm.s32 @!p0 $0x2000  }
0x4a: {  	[tilespmem:s17], [sflag:$0x1] =	stream.linear.gather @!p0 [hbm4b:s0+s16], $0x1000, $0x38;
	[tilespmem:$0x1C6A0] =	vst v63  }
0x4b: {  	s17 =	simm.s32 $0x0  }
.LBB2_4:
0x4c: {  	_ =	swait.ge [sflag:s11], $0x1000  }
0x4d: {  	[sflag:s11] =	ssyncset.done $0x0  }
0x4e: {  	s18 =	sshll.u32 s17, $0xD;
	s19 =	simm.s32 @!p0 $0x1;
	[sflag:s11] =	ssyncadd.s32 $0xFFFFF000  }
0x4f: {  	s22 =	simm.s32 @!p0 $0x1000;
	s21 =	sadd.s32 @!p0 s18, s6;
	_ =	swait.ge @!p0 [sflag:s19], $0x1000  }
0x50: {  	s20 =	sadd.s32 @p0 s18, s6;
	s21 =	sshrl.u32 @!p0 s21, $0x3;
	[sflag:s19] =	ssyncset.done @!p0 $0x0  }
0x51: {  	s20 =	sshrl.u32 @p0 s20, $0x3;
	[sflag:s19] =	ssyncadd.s32 @!p0 $0xFFFFF000;
	s19 =	sadd.s32 @!p0 s4, s21  }
0x52: {  	[tilespmem:s22], [sflag:$0x2] =	stream.linear.gather @!p0 [hbm4b:s19+s16], $0x1000, $0x38;
	[tilespmem:$0x1C6A0] =	vst v63  }
0x53: {  	s19 =	sadd.s32 @p0 s4, s20;
	s20 =	sadd.s32 @!p0 s5, s21;
	s21 =	simm.s32 @!p0 $0x3000  }
0x54: {  	s20 =	smov.u32 @p0 s19;
	s21 =	simm.s32 @p0 $0x1000  }
0x55: {  	[tilespmem:s21], [sflag:$0x2] =	stream.linear.gather [hbm4b:s20+s3], $0x1000, $0x38;
	[tilespmem:$0x1C6A0] =	vst v63  }
0x56: {  	s19 =	simm.s32 $0xFFFFFFF0;
	s20 =	simm.s32 $0x80;
	s21 =	simm.s32 $0x2080  }
.LBB2_5:
0x57: {  	v1 =	vld [tilespmem:s20+$0xFFFFFF80];
	_ =	sdelay $0x1  }
0x58: {  	v2 =	vld [tilespmem:s21+$0xFFFFFF80];
	_ =	sdelay $0x4  }
0x59: {  	v2 =	vpsel !p1, $0x3F800000, v2  }
0x5a: {  	[tilespmem:v1+s12+$0x0] =	vst.idx.add.f32.msk $0xffff, v2  }
0x5b: {  	v1 =	vld [tilespmem:s20+$0xFFFFFF90];
	_ =	sdelay $0x1  }
0x5c: {  	v2 =	vld [tilespmem:s21+$0xFFFFFF90];
	_ =	sdelay $0x4  }
0x5d: {  	v2 =	vpsel !p1, $0x3F800000, v2  }
0x5e: {  	[tilespmem:v1+s12+$0x0] =	vst.idx.add.f32.msk $0xffff, v2  }
0x5f: {  	v1 =	vld [tilespmem:s20+$0xFFFFFFA0];
	_ =	sdelay $0x1  }
0x60: {  	v2 =	vld [tilespmem:s21+$0xFFFFFFA0];
	_ =	sdelay $0x4  }
0x61: {  	v2 =	vpsel !p1, $0x3F800000, v2  }
0x62: {  	[tilespmem:v1+s12+$0x0] =	vst.idx.add.f32.msk $0xffff, v2  }
0x63: {  	v1 =	vld [tilespmem:s20+$0xFFFFFFB0];
	_ =	sdelay $0x1  }
0x64: {  	v2 =	vld [tilespmem:s21+$0xFFFFFFB0];
	_ =	sdelay $0x4  }
0x65: {  	v2 =	vpsel !p1, $0x3F800000, v2  }
0x66: {  	[tilespmem:v1+s12+$0x0] =	vst.idx.add.f32.msk $0xffff, v2  }
0x67: {  	v1 =	vld [tilespmem:s20+$0xFFFFFFC0];
	_ =	sdelay $0x1  }
0x68: {  	v2 =	vld [tilespmem:s21+$0xFFFFFFC0];
	_ =	sdelay $0x4  }
0x69: {  	v2 =	vpsel !p1, $0x3F800000, v2  }
0x6a: {  	[tilespmem:v1+s12+$0x0] =	vst.idx.add.f32.msk $0xffff, v2  }
0x6b: {  	v1 =	vld [tilespmem:s20+$0xFFFFFFD0];
	_ =	sdelay $0x1  }
0x6c: {  	v2 =	vld [tilespmem:s21+$0xFFFFFFD0];
	_ =	sdelay $0x4  }
0x6d: {  	v2 =	vpsel !p1, $0x3F800000, v2  }
0x6e: {  	[tilespmem:v1+s12+$0x0] =	vst.idx.add.f32.msk $0xffff, v2  }
0x6f: {  	v1 =	vld [tilespmem:s20+$0xFFFFFFE0];
	_ =	sdelay $0x1  }
0x70: {  	v2 =	vld [tilespmem:s21+$0xFFFFFFE0];
	_ =	sdelay $0x4  }
0x71: {  	v2 =	vpsel !p1, $0x3F800000, v2  }
0x72: {  	[tilespmem:v1+s12+$0x0] =	vst.idx.add.f32.msk $0xffff, v2  }
0x73: {  	v1 =	vld [tilespmem:s20+$0xFFFFFFF0];
	_ =	sdelay $0x1  }
0x74: {  	v2 =	vld [tilespmem:s21+$0xFFFFFFF0];
	_ =	sdelay $0x4  }
0x75: {  	v2 =	vpsel !p1, $0x3F800000, v2  }
0x76: {  	[tilespmem:v1+s12+$0x0] =	vst.idx.add.f32.msk $0xffff, v2  }
0x77: {  	v1 =	vld [tilespmem:s20+$0x0];
	_ =	sdelay $0x1  }
0x78: {  	v2 =	vld [tilespmem:s21+$0x0];
	_ =	sdelay $0x4  }
0x79: {  	v2 =	vpsel !p1, $0x3F800000, v2  }
0x7a: {  	[tilespmem:v1+s12+$0x0] =	vst.idx.add.f32.msk $0xffff, v2  }
0x7b: {  	v1 =	vld [tilespmem:s20+$0x10];
	_ =	sdelay $0x1  }
0x7c: {  	v2 =	vld [tilespmem:s21+$0x10];
	_ =	sdelay $0x4  }
0x7d: {  	v2 =	vpsel !p1, $0x3F800000, v2  }
0x7e: {  	[tilespmem:v1+s12+$0x0] =	vst.idx.add.f32.msk $0xffff, v2  }
0x7f: {  	v1 =	vld [tilespmem:s20+$0x20];
	_ =	sdelay $0x1  }
0x80: {  	v2 =	vld [tilespmem:s21+$0x20];
	_ =	sdelay $0x4  }
0x81: {  	v2 =	vpsel !p1, $0x3F800000, v2  }
0x82: {  	[tilespmem:v1+s12+$0x0] =	vst.idx.add.f32.msk $0xffff, v2  }
0x83: {  	v1 =	vld [tilespmem:s20+$0x30];
	_ =	sdelay $0x1  }
0x84: {  	v2 =	vld [tilespmem:s21+$0x30];
	_ =	sdelay $0x4  }
0x85: {  	v2 =	vpsel !p1, $0x3F800000, v2  }
0x86: {  	[tilespmem:v1+s12+$0x0] =	vst.idx.add.f32.msk $0xffff, v2  }
0x87: {  	v1 =	vld [tilespmem:s20+$0x40];
	_ =	sdelay $0x1  }
0x88: {  	v2 =	vld [tilespmem:s21+$0x40];
	_ =	sdelay $0x4  }
0x89: {  	v2 =	vpsel !p1, $0x3F800000, v2  }
0x8a: {  	[tilespmem:v1+s12+$0x0] =	vst.idx.add.f32.msk $0xffff, v2  }
0x8b: {  	v1 =	vld [tilespmem:s20+$0x50];
	_ =	sdelay $0x1  }
0x8c: {  	v2 =	vld [tilespmem:s21+$0x50];
	_ =	sdelay $0x4  }
0x8d: {  	v2 =	vpsel !p1, $0x3F800000, v2  }
0x8e: {  	[tilespmem:v1+s12+$0x0] =	vst.idx.add.f32.msk $0xffff, v2  }
0x8f: {  	v1 =	vld [tilespmem:s20+$0x60];
	_ =	sdelay $0x1  }
0x90: {  	v2 =	vld [tilespmem:s21+$0x60];
	_ =	sdelay $0x4  }
0x91: {  	v2 =	vpsel !p1, $0x3F800000, v2  }
0x92: {  	[tilespmem:v1+s12+$0x0] =	vst.idx.add.f32.msk $0xffff, v2  }
0x93: {  	v1 =	vld [tilespmem:s20+$0x70];
	_ =	sdelay $0x1  }
0x94: {  	s19 =	sadd.s32 $0x10, s19;
	v2 =	vld [tilespmem:s21+$0x70]  }
0x95: {  	p2 =	slt.u32 s19, $0xF0  }
.Ltmp1:
0x96: {  	_ = 	snop;
	(pc) =	sbr.rel @p2 .LBB2_5-.Ltmp1, $3  }
0x97: {  	_ =	sdelay $0x1  }
0x98: {  	v2 =	vpsel !p1, $0x3F800000, v2  }
0x99: {  	s20 =	sadd.s32 $0x100, s20;
	s21 =	sadd.s32 $0x100, s21;
	[tilespmem:v1+s12+$0x0] =	vst.idx.add.f32.msk $0xffff, v2  }
0x9a: {  	_ =	swait.ge [sflag:s13], $0x1000  }
0x9b: {  	[sflag:s13] =	ssyncset.done $0x0  }
0x9c: {  	s19 =	simm.s32 @!p0 $0x2;
	p2 =	seq.s32 s17, $0x18;
	[sflag:s13] =	ssyncadd.s32 $0xFFFFF000  }
0x9d: {  	s18 =	sadd.s32 @!p2 s18, s7;
	_ =	swait.ge @!p0 [sflag:s19], $0x1000  }
0x9e: {  	p3 =	sne.s32 @!p2 s2, $0x0;
	s18 =	sshrl.u32 @!p2 s18, $0x3;
	[sflag:s19] =	ssyncset.done @!p0 $0x0  }
0x9f: {  	s20 =	simm.s32 @!p2 $0x0;
	[sflag:s19] =	ssyncadd.s32 @!p0 $0xFFFFF000;
	s19 =	sadd.s32 @!p2 s4, s18  }
0xa0: {  	[tilespmem:s20], [sflag:$0x1] =	stream.linear.gather @!p2 [hbm4b:s19+s20], $0x1000, $0x38;
	[tilespmem:$0x1C6A0] =	vst v63  }
0xa1: {  	p2 =	por p3, p2  }
0xa2: {  	s18 =	sadd.s32 @!p2 s5, s18;
	s19 =	simm.s32 @!p2 $0x0;
	s20 =	simm.s32 @!p2 $0x2000  }
0xa3: {  	[tilespmem:s20], [sflag:$0x1] =	stream.linear.gather @!p2 [hbm4b:s18+s19], $0x1000, $0x38;
	[tilespmem:$0x1C6A0] =	vst v63  }
0xa4: {  	s18 =	simm.s32 $0xFFFFFFF0;
	s19 =	simm.s32 $0x1080;
	s20 =	simm.s32 $0x3080  }
.LBB2_7:
0xa5: {  	v1 =	vld [tilespmem:s19+$0xFFFFFF80];
	_ =	sdelay $0x1  }
0xa6: {  	v2 =	vld [tilespmem:s20+$0xFFFFFF80];
	_ =	sdelay $0x4  }
0xa7: {  	v2 =	vpsel !p1, $0x3F800000, v2  }
0xa8: {  	[tilespmem:v1+s12+$0x0] =	vst.idx.add.f32.msk $0xffff, v2  }
0xa9: {  	v1 =	vld [tilespmem:s19+$0xFFFFFF90];
	_ =	sdelay $0x1  }
0xaa: {  	v2 =	vld [tilespmem:s20+$0xFFFFFF90];
	_ =	sdelay $0x4  }
0xab: {  	v2 =	vpsel !p1, $0x3F800000, v2  }
0xac: {  	[tilespmem:v1+s12+$0x0] =	vst.idx.add.f32.msk $0xffff, v2  }
0xad: {  	v1 =	vld [tilespmem:s19+$0xFFFFFFA0];
	_ =	sdelay $0x1  }
0xae: {  	v2 =	vld [tilespmem:s20+$0xFFFFFFA0];
	_ =	sdelay $0x4  }
0xaf: {  	v2 =	vpsel !p1, $0x3F800000, v2  }
0xb0: {  	[tilespmem:v1+s12+$0x0] =	vst.idx.add.f32.msk $0xffff, v2  }
0xb1: {  	v1 =	vld [tilespmem:s19+$0xFFFFFFB0];
	_ =	sdelay $0x1  }
0xb2: {  	v2 =	vld [tilespmem:s20+$0xFFFFFFB0];
	_ =	sdelay $0x4  }
0xb3: {  	v2 =	vpsel !p1, $0x3F800000, v2  }
0xb4: {  	[tilespmem:v1+s12+$0x0] =	vst.idx.add.f32.msk $0xffff, v2  }
0xb5: {  	v1 =	vld [tilespmem:s19+$0xFFFFFFC0];
	_ =	sdelay $0x1  }
0xb6: {  	v2 =	vld [tilespmem:s20+$0xFFFFFFC0];
	_ =	sdelay $0x4  }
0xb7: {  	v2 =	vpsel !p1, $0x3F800000, v2  }
0xb8: {  	[tilespmem:v1+s12+$0x0] =	vst.idx.add.f32.msk $0xffff, v2  }
0xb9: {  	v1 =	vld [tilespmem:s19+$0xFFFFFFD0];
	_ =	sdelay $0x1  }
0xba: {  	v2 =	vld [tilespmem:s20+$0xFFFFFFD0];
	_ =	sdelay $0x4  }
0xbb: {  	v2 =	vpsel !p1, $0x3F800000, v2  }
0xbc: {  	[tilespmem:v1+s12+$0x0] =	vst.idx.add.f32.msk $0xffff, v2  }
0xbd: {  	v1 =	vld [tilespmem:s19+$0xFFFFFFE0];
	_ =	sdelay $0x1  }
0xbe: {  	v2 =	vld [tilespmem:s20+$0xFFFFFFE0];
	_ =	sdelay $0x4  }
0xbf: {  	v2 =	vpsel !p1, $0x3F800000, v2  }
0xc0: {  	[tilespmem:v1+s12+$0x0] =	vst.idx.add.f32.msk $0xffff, v2  }
0xc1: {  	v1 =	vld [tilespmem:s19+$0xFFFFFFF0];
	_ =	sdelay $0x1  }
0xc2: {  	v2 =	vld [tilespmem:s20+$0xFFFFFFF0];
	_ =	sdelay $0x4  }
0xc3: {  	v2 =	vpsel !p1, $0x3F800000, v2  }
0xc4: {  	[tilespmem:v1+s12+$0x0] =	vst.idx.add.f32.msk $0xffff, v2  }
0xc5: {  	v1 =	vld [tilespmem:s19+$0x0];
	_ =	sdelay $0x1  }
0xc6: {  	v2 =	vld [tilespmem:s20+$0x0];
	_ =	sdelay $0x4  }
0xc7: {  	v2 =	vpsel !p1, $0x3F800000, v2  }
0xc8: {  	[tilespmem:v1+s12+$0x0] =	vst.idx.add.f32.msk $0xffff, v2  }
0xc9: {  	v1 =	vld [tilespmem:s19+$0x10];
	_ =	sdelay $0x1  }
0xca: {  	v2 =	vld [tilespmem:s20+$0x10];
	_ =	sdelay $0x4  }
0xcb: {  	v2 =	vpsel !p1, $0x3F800000, v2  }
0xcc: {  	[tilespmem:v1+s12+$0x0] =	vst.idx.add.f32.msk $0xffff, v2  }
0xcd: {  	v1 =	vld [tilespmem:s19+$0x20];
	_ =	sdelay $0x1  }
0xce: {  	v2 =	vld [tilespmem:s20+$0x20];
	_ =	sdelay $0x4  }
0xcf: {  	v2 =	vpsel !p1, $0x3F800000, v2  }
0xd0: {  	[tilespmem:v1+s12+$0x0] =	vst.idx.add.f32.msk $0xffff, v2  }
0xd1: {  	v1 =	vld [tilespmem:s19+$0x30];
	_ =	sdelay $0x1  }
0xd2: {  	v2 =	vld [tilespmem:s20+$0x30];
	_ =	sdelay $0x4  }
0xd3: {  	v2 =	vpsel !p1, $0x3F800000, v2  }
0xd4: {  	[tilespmem:v1+s12+$0x0] =	vst.idx.add.f32.msk $0xffff, v2  }
0xd5: {  	v1 =	vld [tilespmem:s19+$0x40];
	_ =	sdelay $0x1  }
0xd6: {  	v2 =	vld [tilespmem:s20+$0x40];
	_ =	sdelay $0x4  }
0xd7: {  	v2 =	vpsel !p1, $0x3F800000, v2  }
0xd8: {  	[tilespmem:v1+s12+$0x0] =	vst.idx.add.f32.msk $0xffff, v2  }
0xd9: {  	v1 =	vld [tilespmem:s19+$0x50];
	_ =	sdelay $0x1  }
0xda: {  	v2 =	vld [tilespmem:s20+$0x50];
	_ =	sdelay $0x4  }
0xdb: {  	v2 =	vpsel !p1, $0x3F800000, v2  }
0xdc: {  	[tilespmem:v1+s12+$0x0] =	vst.idx.add.f32.msk $0xffff, v2  }
0xdd: {  	v1 =	vld [tilespmem:s19+$0x60];
	_ =	sdelay $0x1  }
0xde: {  	v2 =	vld [tilespmem:s20+$0x60];
	_ =	sdelay $0x4  }
0xdf: {  	v2 =	vpsel !p1, $0x3F800000, v2  }
0xe0: {  	[tilespmem:v1+s12+$0x0] =	vst.idx.add.f32.msk $0xffff, v2  }
0xe1: {  	v1 =	vld [tilespmem:s19+$0x70];
	_ =	sdelay $0x1  }
0xe2: {  	s18 =	sadd.s32 $0x10, s18;
	v2 =	vld [tilespmem:s20+$0x70]  }
0xe3: {  	p2 =	slt.u32 s18, $0xF0  }
.Ltmp2:
0xe4: {  	_ = 	snop;
	(pc) =	sbr.rel @p2 .LBB2_7-.Ltmp2, $3  }
0xe5: {  	_ =	sdelay $0x1  }
0xe6: {  	v2 =	vpsel !p1, $0x3F800000, v2  }
0xe7: {  	s19 =	sadd.s32 $0x100, s19;
	s20 =	sadd.s32 $0x100, s20;
	[tilespmem:v1+s12+$0x0] =	vst.idx.add.f32.msk $0xffff, v2  }
0xe8: {  	s17 =	sadd.s32 $0x1, s17  }
0xe9: {  	p2 =	sne.s32 s17, $0x19  }
.Ltmp3:
0xea: {  	_ = 	snop;
	(pc) =	sbr.rel @p2 .LBB2_4-.Ltmp3, $1  }
0xeb: {  	_ =	sdelay $0x3  }
0xec: {  	s16 =	rddreg [dreg:$0x2]  }
0xed: {  	[hbm4b:s16+s3] =	stream.linear.scatter [tilespmem:s12], [sflag:$0x3], $0x7D0, $0x38;
	[tilespmem:$0x1C6A0] =	vst v63  }
0xee: {  	_ =	swait.ge [sflag:s14], $0x7D0  }
0xef: {  	[sflag:s14] =	ssyncset.done $0x0  }
0xf0: {  	s17 =	simm.s32 $0x47D0;
	s20 =	rddreg [dreg:$0x3];
	[sflag:s14] =	ssyncadd.s32 $0xFFFFF830  }
0xf1: {  	[hbm4b:s20+s3] =	stream.linear.scatter [tilespmem:s17], [sflag:$0x3], $0x7D0, $0x38;
	[tilespmem:$0x1C6A0] =	vst v63  }
0xf2: {  	_ =	swait.ge [sflag:s14], $0x7D0  }
0xf3: {  	[sflag:s14] =	ssyncset.done $0x0  }
0xf4: {  	s22 =	simm.s32 $0x4FA0;
	s21 =	rddreg [dreg:$0x4];
	[sflag:s14] =	ssyncadd.s32 $0xFFFFF830  }
0xf5: {  	[hbm4b:s21+s3] =	stream.linear.scatter [tilespmem:s22], [sflag:$0x3], $0x7D0, $0x38;
	[tilespmem:$0x1C6A0] =	vst v63  }
0xf6: {  	_ =	swait.ge [sflag:s14], $0x7D0  }
0xf7: {  	[sflag:s14] =	ssyncset.done $0x0  }
0xf8: {  	s18 =	simm.s32 $0x5770;
	s17 =	rddreg [dreg:$0x5];
	[sflag:s14] =	ssyncadd.s32 $0xFFFFF830  }
0xf9: {  	[hbm4b:s17+s3] =	stream.linear.scatter [tilespmem:s18], [sflag:$0x3], $0x7D0, $0x38;
	[tilespmem:$0x1C6A0] =	vst v63  }
0xfa: {  	_ =	swait.ge [sflag:s14], $0x7D0  }
0xfb: {  	[sflag:s14] =	ssyncset.done $0x0  }
0xfc: {  	s20 =	simm.s32 $0x5F40;
	s19 =	rddreg [dreg:$0x6];
	[sflag:s14] =	ssyncadd.s32 $0xFFFFF830  }
0xfd: {  	[hbm4b:s19+s3] =	stream.linear.scatter [tilespmem:s20], [sflag:$0x3], $0x7D0, $0x38;
	[tilespmem:$0x1C6A0] =	vst v63  }
0xfe: {  	_ =	swait.ge [sflag:s14], $0x7D0  }
0xff: {  	[sflag:s14] =	ssyncset.done $0x0  }
0x100: {  	s22 =	simm.s32 $0x6710;
	s21 =	rddreg [dreg:$0x7];
	[sflag:s14] =	ssyncadd.s32 $0xFFFFF830  }
0x101: {  	[hbm4b:s21+s3] =	stream.linear.scatter [tilespmem:s22], [sflag:$0x3], $0x7D0, $0x38;
	[tilespmem:$0x1C6A0] =	vst v63  }
0x102: {  	_ =	swait.ge [sflag:s14], $0x7D0  }
0x103: {  	[sflag:s14] =	ssyncset.done $0x0  }
0x104: {  	s18 =	simm.s32 $0x6EE0;
	s17 =	rddreg [dreg:$0x8];
	[sflag:s14] =	ssyncadd.s32 $0xFFFFF830  }
0x105: {  	[hbm4b:s17+s3] =	stream.linear.scatter [tilespmem:s18], [sflag:$0x3], $0x7D0, $0x38;
	[tilespmem:$0x1C6A0] =	vst v63  }
0x106: {  	_ =	swait.ge [sflag:s14], $0x7D0  }
0x107: {  	[sflag:s14] =	ssyncset.done $0x0  }
0x108: {  	s20 =	simm.s32 $0x76B0;
	s19 =	rddreg [dreg:$0x9];
	[sflag:s14] =	ssyncadd.s32 $0xFFFFF830  }
0x109: {  	[hbm4b:s19+s3] =	stream.linear.scatter [tilespmem:s20], [sflag:$0x3], $0x7D0, $0x38;
	[tilespmem:$0x1C6A0] =	vst v63  }
0x10a: {  	_ =	swait.ge [sflag:s14], $0x7D0  }
0x10b: {  	[sflag:s14] =	ssyncset.done $0x0  }
0x10c: {  	s22 =	simm.s32 $0x7E80;
	s21 =	rddreg [dreg:$0xa];
	[sflag:s14] =	ssyncadd.s32 $0xFFFFF830  }
0x10d: {  	[hbm4b:s21+s3] =	stream.linear.scatter [tilespmem:s22], [sflag:$0x3], $0x7D0, $0x38;
	[tilespmem:$0x1C6A0] =	vst v63  }
0x10e: {  	_ =	swait.ge [sflag:s14], $0x7D0  }
0x10f: {  	[sflag:s14] =	ssyncset.done $0x0  }
0x110: {  	s18 =	simm.s32 $0x8650;
	s17 =	rddreg [dreg:$0xb];
	[sflag:s14] =	ssyncadd.s32 $0xFFFFF830  }
0x111: {  	[hbm4b:s17+s3] =	stream.linear.scatter [tilespmem:s18], [sflag:$0x3], $0x7D0, $0x38;
	[tilespmem:$0x1C6A0] =	vst v63  }
0x112: {  	_ =	swait.ge [sflag:s14], $0x7D0  }
0x113: {  	[sflag:s14] =	ssyncset.done $0x0  }
0x114: {  	s20 =	simm.s32 $0x8E20;
	s19 =	rddreg [dreg:$0xc];
	[sflag:s14] =	ssyncadd.s32 $0xFFFFF830  }
0x115: {  	[hbm4b:s19+s3] =	stream.linear.scatter [tilespmem:s20], [sflag:$0x3], $0x7D0, $0x38;
	[tilespmem:$0x1C6A0] =	vst v63  }
0x116: {  	_ =	swait.ge [sflag:s14], $0x7D0  }
0x117: {  	[sflag:s14] =	ssyncset.done $0x0  }
0x118: {  	s22 =	simm.s32 $0x95F0;
	s21 =	rddreg [dreg:$0xd];
	[sflag:s14] =	ssyncadd.s32 $0xFFFFF830  }
0x119: {  	[hbm4b:s21+s3] =	stream.linear.scatter [tilespmem:s22], [sflag:$0x3], $0x7D0, $0x38;
	[tilespmem:$0x1C6A0] =	vst v63  }
0x11a: {  	_ =	swait.ge [sflag:s14], $0x7D0  }
0x11b: {  	[sflag:s14] =	ssyncset.done $0x0  }
0x11c: {  	s18 =	simm.s32 $0x9DC0;
	s17 =	rddreg [dreg:$0xe];
	[sflag:s14] =	ssyncadd.s32 $0xFFFFF830  }
0x11d: {  	[hbm4b:s17+s3] =	stream.linear.scatter [tilespmem:s18], [sflag:$0x3], $0x7D0, $0x38;
	[tilespmem:$0x1C6A0] =	vst v63  }
0x11e: {  	_ =	swait.ge [sflag:s14], $0x7D0  }
0x11f: {  	[sflag:s14] =	ssyncset.done $0x0  }
0x120: {  	s20 =	simm.s32 $0xA590;
	s19 =	rddreg [dreg:$0xf];
	[sflag:s14] =	ssyncadd.s32 $0xFFFFF830  }
0x121: {  	[hbm4b:s19+s3] =	stream.linear.scatter [tilespmem:s20], [sflag:$0x3], $0x7D0, $0x38;
	[tilespmem:$0x1C6A0] =	vst v63  }
0x122: {  	_ =	swait.ge [sflag:s14], $0x7D0  }
0x123: {  	[sflag:s14] =	ssyncset.done $0x0  }
0x124: {  	s22 =	simm.s32 $0xAD60;
	s21 =	rddreg [dreg:$0x10];
	[sflag:s14] =	ssyncadd.s32 $0xFFFFF830  }
0x125: {  	[hbm4b:s21+s3] =	stream.linear.scatter [tilespmem:s22], [sflag:$0x3], $0x7D0, $0x38;
	[tilespmem:$0x1C6A0] =	vst v63  }
0x126: {  	_ =	swait.ge [sflag:s14], $0x7D0  }
0x127: {  	[sflag:s14] =	ssyncset.done $0x0  }
0x128: {  	s18 =	simm.s32 $0xB530;
	s17 =	rddreg [dreg:$0x11];
	[sflag:s14] =	ssyncadd.s32 $0xFFFFF830  }
0x129: {  	[hbm4b:s17+s3] =	stream.linear.scatter [tilespmem:s18], [sflag:$0x3], $0x7D0, $0x38;
	[tilespmem:$0x1C6A0] =	vst v63  }
0x12a: {  	_ =	swait.ge [sflag:s14], $0x7D0  }
0x12b: {  	[sflag:s14] =	ssyncset.done $0x0  }
0x12c: {  	s20 =	simm.s32 $0xBD00;
	s19 =	rddreg [dreg:$0x12];
	[sflag:s14] =	ssyncadd.s32 $0xFFFFF830  }
0x12d: {  	[hbm4b:s19+s3] =	stream.linear.scatter [tilespmem:s20], [sflag:$0x3], $0x7D0, $0x38;
	[tilespmem:$0x1C6A0] =	vst v63  }
0x12e: {  	_ =	swait.ge [sflag:s14], $0x7D0  }
0x12f: {  	[sflag:s14] =	ssyncset.done $0x0  }
0x130: {  	s22 =	simm.s32 $0xC4D0;
	s21 =	rddreg [dreg:$0x13];
	[sflag:s14] =	ssyncadd.s32 $0xFFFFF830  }
0x131: {  	[hbm4b:s21+s3] =	stream.linear.scatter [tilespmem:s22], [sflag:$0x3], $0x7D0, $0x38;
	[tilespmem:$0x1C6A0] =	vst v63  }
0x132: {  	_ =	swait.ge [sflag:s14], $0x7D0  }
0x133: {  	[sflag:s14] =	ssyncset.done $0x0  }
0x134: {  	s18 =	simm.s32 $0xCCA0;
	s17 =	rddreg [dreg:$0x14];
	[sflag:s14] =	ssyncadd.s32 $0xFFFFF830  }
0x135: {  	[hbm4b:s17+s3] =	stream.linear.scatter [tilespmem:s18], [sflag:$0x3], $0x7D0, $0x38;
	[tilespmem:$0x1C6A0] =	vst v63  }
0x136: {  	_ =	swait.ge [sflag:s14], $0x7D0  }
0x137: {  	[sflag:s14] =	ssyncset.done $0x0  }
0x138: {  	s20 =	simm.s32 $0xD470;
	s19 =	rddreg [dreg:$0x15];
	[sflag:s14] =	ssyncadd.s32 $0xFFFFF830  }
0x139: {  	[hbm4b:s19+s3] =	stream.linear.scatter [tilespmem:s20], [sflag:$0x3], $0x7D0, $0x38;
	[tilespmem:$0x1C6A0] =	vst v63  }
0x13a: {  	_ =	swait.ge [sflag:s14], $0x7D0  }
0x13b: {  	[sflag:s14] =	ssyncset.done $0x0  }
0x13c: {  	s22 =	simm.s32 $0xDC40;
	s21 =	rddreg [dreg:$0x16];
	[sflag:s14] =	ssyncadd.s32 $0xFFFFF830  }
0x13d: {  	[hbm4b:s21+s3] =	stream.linear.scatter [tilespmem:s22], [sflag:$0x3], $0x7D0, $0x38;
	[tilespmem:$0x1C6A0] =	vst v63  }
0x13e: {  	_ =	swait.ge [sflag:s14], $0x7D0  }
0x13f: {  	[sflag:s14] =	ssyncset.done $0x0  }
0x140: {  	s18 =	simm.s32 $0xE410;
	s17 =	rddreg [dreg:$0x17];
	[sflag:s14] =	ssyncadd.s32 $0xFFFFF830  }
0x141: {  	[hbm4b:s17+s3] =	stream.linear.scatter [tilespmem:s18], [sflag:$0x3], $0x7D0, $0x38;
	[tilespmem:$0x1C6A0] =	vst v63  }
0x142: {  	_ =	swait.ge [sflag:s14], $0x7D0  }
0x143: {  	s19 =	sld [smem:$0x7F5]  }
0x144: {  	[sflag:s14] =	ssyncset.done $0x0  }
0x145: {  	s20 =	simm.s32 $0xEBE0;
	[sflag:s14] =	ssyncadd.s32 $0xFFFFF830  }
0x146: {  	[hbm4b:s19+s3] =	stream.linear.scatter [tilespmem:s20], [sflag:$0x3], $0x7D0, $0x38;
	[tilespmem:$0x1C6A0] =	vst v63  }
0x147: {  	_ =	swait.ge [sflag:s14], $0x7D0  }
0x148: {  	[sflag:s14] =	ssyncset.done $0x0  }
0x149: {  	s22 =	simm.s32 $0xF3B0;
	s21 =	rddreg [dreg:$0x18];
	[sflag:s14] =	ssyncadd.s32 $0xFFFFF830  }
0x14a: {  	[hbm4b:s21+s3] =	stream.linear.scatter [tilespmem:s22], [sflag:$0x3], $0x7D0, $0x38;
	[tilespmem:$0x1C6A0] =	vst v63  }
0x14b: {  	_ =	swait.ge [sflag:s14], $0x7D0  }
0x14c: {  	[sflag:s14] =	ssyncset.done $0x0  }
0x14d: {  	s18 =	simm.s32 $0xFB80;
	s17 =	rddreg [dreg:$0x19];
	[sflag:s14] =	ssyncadd.s32 $0xFFFFF830  }
0x14e: {  	[hbm4b:s17+s3] =	stream.linear.scatter [tilespmem:s18], [sflag:$0x3], $0x7D0, $0x38;
	[tilespmem:$0x1C6A0] =	vst v63  }
0x14f: {  	_ =	swait.ge [sflag:s14], $0x7D0  }
0x150: {  	[sflag:s14] =	ssyncset.done $0x0  }
0x151: {  	s20 =	simm.s32 $0x10350;
	s19 =	rddreg [dreg:$0x1a];
	[sflag:s14] =	ssyncadd.s32 $0xFFFFF830  }
0x152: {  	[hbm4b:s19+s3] =	stream.linear.scatter [tilespmem:s20], [sflag:$0x3], $0x7D0, $0x38;
	[tilespmem:$0x1C6A0] =	vst v63  }
0x153: {  	_ =	swait.ge [sflag:s14], $0x7D0  }
0x154: {  	[sflag:s14] =	ssyncset.done $0x0  }
0x155: {  	s22 =	simm.s32 $0x10B20;
	s21 =	rddreg [dreg:$0x1b];
	[sflag:s14] =	ssyncadd.s32 $0xFFFFF830  }
0x156: {  	[hbm4b:s21+s3] =	stream.linear.scatter [tilespmem:s22], [sflag:$0x3], $0x7D0, $0x38;
	[tilespmem:$0x1C6A0] =	vst v63  }
0x157: {  	_ =	swait.ge [sflag:s14], $0x7D0  }
0x158: {  	[sflag:s14] =	ssyncset.done $0x0  }
0x159: {  	s18 =	simm.s32 $0x112F0;
	s17 =	rddreg [dreg:$0x1c];
	[sflag:s14] =	ssyncadd.s32 $0xFFFFF830  }
0x15a: {  	[hbm4b:s17+s3] =	stream.linear.scatter [tilespmem:s18], [sflag:$0x3], $0x7D0, $0x38;
	[tilespmem:$0x1C6A0] =	vst v63  }
0x15b: {  	_ =	swait.ge [sflag:s14], $0x7D0  }
0x15c: {  	[sflag:s14] =	ssyncset.done $0x0  }
0x15d: {  	s20 =	simm.s32 $0x11AC0;
	s19 =	rddreg [dreg:$0x1d];
	[sflag:s14] =	ssyncadd.s32 $0xFFFFF830  }
0x15e: {  	[hbm4b:s19+s3] =	stream.linear.scatter [tilespmem:s20], [sflag:$0x3], $0x7D0, $0x38;
	[tilespmem:$0x1C6A0] =	vst v63  }
0x15f: {  	_ =	swait.ge [sflag:s14], $0x7D0  }
0x160: {  	[sflag:s14] =	ssyncset.done $0x0  }
0x161: {  	s22 =	simm.s32 $0x12290;
	s21 =	rddreg [dreg:$0x1e];
	[sflag:s14] =	ssyncadd.s32 $0xFFFFF830  }
0x162: {  	[hbm4b:s21+s3] =	stream.linear.scatter [tilespmem:s22], [sflag:$0x3], $0x7D0, $0x38;
	[tilespmem:$0x1C6A0] =	vst v63  }
0x163: {  	_ =	swait.ge [sflag:s14], $0x7D0  }
0x164: {  	[sflag:s14] =	ssyncset.done $0x0  }
0x165: {  	s18 =	simm.s32 $0x12A60;
	s17 =	rddreg [dreg:$0x1f];
	[sflag:s14] =	ssyncadd.s32 $0xFFFFF830  }
0x166: {  	[hbm4b:s17+s3] =	stream.linear.scatter [tilespmem:s18], [sflag:$0x3], $0x7D0, $0x38;
	[tilespmem:$0x1C6A0] =	vst v63  }
0x167: {  	_ =	swait.ge [sflag:s14], $0x7D0  }
0x168: {  	s19 =	sld [smem:$0x7F4]  }
0x169: {  	[sflag:s14] =	ssyncset.done $0x0  }
0x16a: {  	s20 =	simm.s32 $0x13230;
	[sflag:s14] =	ssyncadd.s32 $0xFFFFF830  }
0x16b: {  	[hbm4b:s19+s3] =	stream.linear.scatter [tilespmem:s20], [sflag:$0x3], $0x7D0, $0x38;
	[tilespmem:$0x1C6A0] =	vst v63  }
0x16c: {  	_ =	swait.ge [sflag:s14], $0x7D0  }
0x16d: {  	s21 =	sld [smem:$0x7F6]  }
0x16e: {  	[sflag:s14] =	ssyncset.done $0x0  }
0x16f: {  	s22 =	simm.s32 $0x13A00;
	[sflag:s14] =	ssyncadd.s32 $0xFFFFF830  }
0x170: {  	[hbm4b:s21+s3] =	stream.linear.scatter [tilespmem:s22], [sflag:$0x3], $0x7D0, $0x38;
	[tilespmem:$0x1C6A0] =	vst v63  }
0x171: {  	_ =	swait.ge [sflag:s14], $0x7D0  }
0x172: {  	s17 =	sld [smem:$0x7F7]  }
0x173: {  	[sflag:s14] =	ssyncset.done $0x0  }
0x174: {  	s18 =	simm.s32 $0x141D0;
	[sflag:s14] =	ssyncadd.s32 $0xFFFFF830  }
0x175: {  	[hbm4b:s17+s3] =	stream.linear.scatter [tilespmem:s18], [sflag:$0x3], $0x7D0, $0x38;
	[tilespmem:$0x1C6A0] =	vst v63  }
0x176: {  	_ =	swait.ge [sflag:s14], $0x7D0  }
0x177: {  	s19 =	sld [smem:$0x7F8]  }
0x178: {  	[sflag:s14] =	ssyncset.done $0x0  }
0x179: {  	s20 =	simm.s32 $0x149A0;
	[sflag:s14] =	ssyncadd.s32 $0xFFFFF830  }
0x17a: {  	[hbm4b:s19+s3] =	stream.linear.scatter [tilespmem:s20], [sflag:$0x3], $0x7D0, $0x38;
	[tilespmem:$0x1C6A0] =	vst v63  }
0x17b: {  	_ =	swait.ge [sflag:s14], $0x7D0  }
0x17c: {  	s21 =	sld [smem:$0x7F9]  }
0x17d: {  	[sflag:s14] =	ssyncset.done $0x0  }
0x17e: {  	s22 =	simm.s32 $0x15170;
	[sflag:s14] =	ssyncadd.s32 $0xFFFFF830  }
0x17f: {  	[hbm4b:s21+s3] =	stream.linear.scatter [tilespmem:s22], [sflag:$0x3], $0x7D0, $0x38;
	[tilespmem:$0x1C6A0] =	vst v63  }
0x180: {  	_ =	swait.ge [sflag:s14], $0x7D0  }
0x181: {  	s17 =	sld [smem:$0x7FA]  }
0x182: {  	[sflag:s14] =	ssyncset.done $0x0  }
0x183: {  	s18 =	simm.s32 $0x15940;
	[sflag:s14] =	ssyncadd.s32 $0xFFFFF830  }
0x184: {  	[hbm4b:s17+s3] =	stream.linear.scatter [tilespmem:s18], [sflag:$0x3], $0x7D0, $0x38;
	[tilespmem:$0x1C6A0] =	vst v63  }
0x185: {  	_ =	swait.ge [sflag:s14], $0x7D0  }
0x186: {  	s19 =	sld [smem:$0x7FB]  }
0x187: {  	[sflag:s14] =	ssyncset.done $0x0  }
0x188: {  	s20 =	simm.s32 $0x16110;
	[sflag:s14] =	ssyncadd.s32 $0xFFFFF830  }
0x189: {  	[hbm4b:s19+s3] =	stream.linear.scatter [tilespmem:s20], [sflag:$0x3], $0x7D0, $0x38;
	[tilespmem:$0x1C6A0] =	vst v63  }
0x18a: {  	_ =	swait.ge [sflag:s14], $0x7D0  }
0x18b: {  	s21 =	sld [smem:$0x7FC]  }
0x18c: {  	[sflag:s14] =	ssyncset.done $0x0  }
0x18d: {  	s22 =	simm.s32 $0x168E0;
	[sflag:s14] =	ssyncadd.s32 $0xFFFFF830  }
0x18e: {  	[hbm4b:s21+s3] =	stream.linear.scatter [tilespmem:s22], [sflag:$0x3], $0x7D0, $0x38;
	[tilespmem:$0x1C6A0] =	vst v63  }
0x18f: {  	_ =	swait.ge [sflag:s14], $0x7D0  }
0x190: {  	s17 =	sld [smem:$0x7FD]  }
0x191: {  	[sflag:s14] =	ssyncset.done $0x0  }
0x192: {  	s18 =	simm.s32 $0x170B0;
	[sflag:s14] =	ssyncadd.s32 $0xFFFFF830  }
0x193: {  	[hbm4b:s17+s3] =	stream.linear.scatter [tilespmem:s18], [sflag:$0x3], $0x7D0, $0x38;
	[tilespmem:$0x1C6A0] =	vst v63  }
0x194: {  	_ =	swait.ge [sflag:s14], $0x7D0  }
0x195: {  	[sflag:s14] =	ssyncset.done $0x0  }
0x196: {  	s19 =	simm.s32 $0x17880;
	[sflag:s14] =	ssyncadd.s32 $0xFFFFF830  }
0x197: {  	[hbm4b:s23+s3] =	stream.linear.scatter [tilespmem:s19], [sflag:$0x3], $0x7D0, $0x38;
	[tilespmem:$0x1C6A0] =	vst v63  }
0x198: {  	_ =	swait.ge [sflag:s14], $0x7D0  }
0x199: {  	[sflag:s14] =	ssyncset.done $0x0  }
0x19a: {  	s20 =	simm.s32 $0x18050;
	[sflag:s14] =	ssyncadd.s32 $0xFFFFF830  }
0x19b: {  	[hbm4b:s24+s3] =	stream.linear.scatter [tilespmem:s20], [sflag:$0x3], $0x7D0, $0x38;
	[tilespmem:$0x1C6A0] =	vst v63  }
0x19c: {  	_ =	swait.ge [sflag:s14], $0x7D0  }
0x19d: {  	[sflag:s14] =	ssyncset.done $0x0  }
0x19e: {  	s21 =	simm.s32 $0x18820;
	[sflag:s14] =	ssyncadd.s32 $0xFFFFF830  }
0x19f: {  	[hbm4b:s25+s3] =	stream.linear.scatter [tilespmem:s21], [sflag:$0x3], $0x7D0, $0x38;
	[tilespmem:$0x1C6A0] =	vst v63  }
0x1a0: {  	_ =	swait.ge [sflag:s14], $0x7D0  }
0x1a1: {  	[sflag:s14] =	ssyncset.done $0x0  }
0x1a2: {  	s22 =	simm.s32 $0x18FF0;
	[sflag:s14] =	ssyncadd.s32 $0xFFFFF830  }
0x1a3: {  	[hbm4b:s26+s3] =	stream.linear.scatter [tilespmem:s22], [sflag:$0x3], $0x7D0, $0x38;
	[tilespmem:$0x1C6A0] =	vst v63  }
0x1a4: {  	_ =	swait.ge [sflag:s14], $0x7D0  }
0x1a5: {  	[sflag:s14] =	ssyncset.done $0x0  }
0x1a6: {  	s17 =	simm.s32 $0x197C0;
	[sflag:s14] =	ssyncadd.s32 $0xFFFFF830  }
0x1a7: {  	[hbm4b:s28+s3] =	stream.linear.scatter [tilespmem:s17], [sflag:$0x3], $0x7D0, $0x38;
	[tilespmem:$0x1C6A0] =	vst v63  }
0x1a8: {  	_ =	swait.ge [sflag:s14], $0x7D0  }
0x1a9: {  	[sflag:s14] =	ssyncset.done $0x0  }
0x1aa: {  	s18 =	simm.s32 $0x19F90;
	[sflag:s14] =	ssyncadd.s32 $0xFFFFF830  }
0x1ab: {  	[hbm4b:s29+s3] =	stream.linear.scatter [tilespmem:s18], [sflag:$0x3], $0x7D0, $0x38;
	[tilespmem:$0x1C6A0] =	vst v63  }
0x1ac: {  	_ =	swait.ge [sflag:s14], $0x7D0  }
0x1ad: {  	[sflag:s14] =	ssyncset.done $0x0  }
0x1ae: {  	s19 =	simm.s32 $0x1A760;
	[sflag:s14] =	ssyncadd.s32 $0xFFFFF830  }
0x1af: {  	[hbm4b:s31+s3] =	stream.linear.scatter [tilespmem:s19], [sflag:$0x3], $0x7D0, $0x38;
	[tilespmem:$0x1C6A0] =	vst v63  }
0x1b0: {  	_ =	swait.ge [sflag:s14], $0x7D0  }
0x1b1: {  	[sflag:s14] =	ssyncset.done $0x0  }
0x1b2: {  	s20 =	simm.s32 $0x1AF30;
	[sflag:s14] =	ssyncadd.s32 $0xFFFFF830  }
0x1b3: {  	[hbm4b:s1+s3] =	stream.linear.scatter [tilespmem:s20], [sflag:$0x3], $0x7D0, $0x38;
	[tilespmem:$0x1C6A0] =	vst v63  }
0x1b4: {  	_ =	swait.ge [sflag:s14], $0x7D0  }
0x1b5: {  	[sflag:s14] =	ssyncset.done $0x0  }
0x1b6: {  	s21 =	simm.s32 $0x1B700;
	[sflag:s14] =	ssyncadd.s32 $0xFFFFF830  }
0x1b7: {  	[hbm4b:s8+s3] =	stream.linear.scatter [tilespmem:s21], [sflag:$0x3], $0x7D0, $0x38;
	[tilespmem:$0x1C6A0] =	vst v63  }
0x1b8: {  	s15 =	sadd.s32 $0x1, s15;
	_ =	swait.ge [sflag:s14], $0x7D0  }
0x1b9: {  	p2 =	sne.s32 s15, s10;
	[sflag:s14] =	ssyncset.done $0x0  }
.Ltmp4:
0x1ba: {  	s22 =	simm.s32 $0x1BED0;
	[sflag:s14] =	ssyncadd.s32 $0xFFFFF830;
	(pc) =	sbr.rel @p2 .LBB2_1-.Ltmp4, $4  }
0x1bb: {  	[hbm4b:s9+s3] =	stream.linear.scatter [tilespmem:s22], [sflag:$0x3], $0x7D0, $0x38;
	[tilespmem:$0x1C6A0] =	vst v63  }
0x1bc: {  	_ =	swait.ge [sflag:s14], $0x7D0  }
0x1bd: {  	[sflag:s14] =	ssyncset.done $0x0  }
0x1be: {  	[sflag:s14] =	ssyncadd.s32 $0xFFFFF830  }
0x1bf: {  	_ =	sfence.sel $0x180000  }
0x1c0: {  	[bflag:$0x0] =	sbarrier.arrive $0xFFFF  }
0x1c1: {  	_ =	strace $0x90000047  }
0x1c2: {  	s0 =	stileid.u32;
	[bflag:$0x2] =	sbarrier.arrive $0xFFFF  }
0x1c3: {  	p0 =	sne.s32 s0, $0x0;
	s0 =	rddreg [dreg:$0x1]  }
0x1c4: {  	s0 =	sadd.s32 @!p0 $0x100000, s0  }
0x1c5: {  	[sflag:s0] =	ssyncadd.tile.s32 @!p0 $0x1;
	_ =	shalt  }
.Lfunc_end2:
_tile_overlayer_lowered:
.L_overlay_start_2:
0x1c6: {  	(tag) =	ssettag $0x2  }
0x1c7: {  	s0 =	rddreg [dreg:$0x0];
	s2 =	stileid.u32  }
0x1c8: {  	s1 =	rddreg [dreg:$0x1];
	p0 =	sne.s32 s2, $0x0  }
0x1c9: {  	s3 =	rddreg [dreg:$0x2];
	[bflag:$0x3] =	sbarrier.arrive $0xFFFF;
	s2 =	simm.s32 @!p0 $0x1C03  }
0x1ca: {  	[timem:s3], [sflag:s2] =	dma.local @!p0 [hbm:s0], s1  }
0x1cb: {  	s0 =	simm.s32 @!p0 $0x3  }
0x1cc: {  	_ =	swait.ge @!p0 [sflag:s0], s1  }
0x1cd: {  	s1 =	ssub.s32 @!p0 $0x0, s1;
	[sflag:s0] =	ssyncset.done @!p0 $0x0  }
0x1ce: {  	[sflag:s0] =	ssyncadd.s32 @!p0 s1  }
0x1cf: {  	[bflag:$0x3] =	sbarrier.arrive $0xFFFF  }
0x1d0: {  	_ =	shalt  }

</sc_bundles>
